<compile_context>
chip_gen: v7x
topology: tpu7x:2x2x1
jax: 0.10.2.dev20260603
libtpu: 0.0.44.dev20260713+nightly
codegen_flags: <defaults>
</compile_context>

<pallas_src>
import functools

import jax
import jax.numpy as jnp
from jax import lax
from jax.experimental import pallas as pl
from jax.experimental.pallas import tpu as pltpu
from jax.experimental.pallas import tpu_sc as plsc

N = 10000
E = 20000
DA = 75
DB = 12
OC = 50
OC2 = 25
G = 400

P = 128
OP = 128
G_P = 408

NT = 32
CW = 128
NCH = 5
EPW = CW * NCH
E_P = NT * EPW
N_P = 10240
NPS = N_P // 16



def _gather_body(x_hbm, idx_hbm, out_hbm, idx_v, buf0, sem0):
    c = lax.axis_index("c")
    s = lax.axis_index("s")
    wid = s * 2 + c
    pltpu.sync_copy(idx_hbm.at[wid], idx_v)
    base = pl.multiple_of(wid * EPW, 8)
    for j in range(NCH):
        pltpu.async_copy(x_hbm.at[idx_v.at[j]], buf0, sem0).wait()
        pltpu.sync_copy(buf0, out_hbm.at[pl.ds(base + j * CW, CW)])


def _sc_gather(x_p, idx3):
    mesh = plsc.VectorSubcoreMesh(core_axis_name="c", subcore_axis_name="s")
    kern = pl.kernel(
        _gather_body,
        out_type=jax.ShapeDtypeStruct((E_P, P), jnp.float32),
        mesh=mesh,
        scratch_types=[
            pltpu.VMEM((NCH, CW), jnp.int32),
            pltpu.VMEM((CW, P), jnp.float32),
            pltpu.SemaphoreType.DMA,
        ],
    )
    return kern(x_p, idx3)


def _scatter_body(msg_hbm, idx_hbm, out_hbm, idx_v, m0, zbuf, shared, sem0):
    c = lax.axis_index("c")
    s = lax.axis_index("s")
    wid = s * 2 + c

    def _z(r, _):
        for k in range(OP // 16):
            zbuf[r, pl.ds(k * 16, 16)] = jnp.zeros((16,), jnp.float32)
        return 0

    lax.fori_loop(0, 32, _z, 0)
    srow = pl.multiple_of(s * NPS, 8)
    for q in range(NPS // 32):
        pltpu.sync_copy(zbuf, shared.at[pl.ds(srow + q * 32, 32)])
    plsc.subcore_barrier()

    pltpu.sync_copy(idx_hbm.at[wid], idx_v)
    ebase = pl.multiple_of(wid * EPW, 8)
    for j in range(NCH):
        pltpu.async_copy(msg_hbm.at[pl.ds(ebase + j * CW, CW)], m0,
                         sem0).wait()
        pltpu.sync_copy(m0, shared.at[idx_v.at[j]], add=True)
    plsc.subcore_barrier()
    pltpu.sync_copy(shared.at[pl.ds(srow, NPS)], out_hbm.at[c, pl.ds(srow, NPS)])


def _sc_scatter(msg, idx3):
    mesh = plsc.VectorSubcoreMesh(core_axis_name="c", subcore_axis_name="s")
    kern = pl.kernel(
        _scatter_body,
        out_type=jax.ShapeDtypeStruct((2, N_P, OP), jnp.float32),
        mesh=mesh,
        scratch_types=[
            pltpu.VMEM((NCH, CW), jnp.int32),
            pltpu.VMEM((CW, OP), jnp.float32),
            pltpu.VMEM((32, OP), jnp.float32),
            pltpu.VMEM_SHARED((N_P, OP), jnp.float32),
            pltpu.SemaphoreType.DMA,
        ],
    )
    return kern(msg, idx3)



def _msg_body(ea_ref, xj_ref, w_ref, b_ref, t_ref, s_ref, out_ref):
    we = jnp.dot(ea_ref[...], w_ref[...], preferred_element_type=jnp.float32)

    we = jnp.maximum(we + b_ref[...], 0.0)
    xb = jnp.dot(xj_ref[...].astype(jnp.bfloat16), t_ref[...],
                 preferred_element_type=jnp.float32)
    p = we.astype(jnp.bfloat16).astype(jnp.float32) * xb
    ph = p.astype(jnp.bfloat16)
    plo = (p - ph.astype(jnp.float32)).astype(jnp.bfloat16)
    out_ref[...] = (
        jnp.dot(ph, s_ref[...], preferred_element_type=jnp.float32)
        + jnp.dot(plo, s_ref[...], preferred_element_type=jnp.float32))


def _tc_msg(ea_p, xj, wp, bp, tmat, smat, e_blk=128):
    wn = wp.shape[1]
    return pl.pallas_call(
        _msg_body,
        grid=(E_P // e_blk,),
        in_specs=[
            pl.BlockSpec((e_blk, DB), lambda i: (i, 0)),
            pl.BlockSpec((e_blk, P), lambda i: (i, 0)),
            pl.BlockSpec((DB, wn), lambda i: (0, 0)),
            pl.BlockSpec((1, wn), lambda i: (0, 0)),
            pl.BlockSpec((P, wn), lambda i: (0, 0)),
            pl.BlockSpec((wn, OP), lambda i: (0, 0)),
        ],
        out_specs=pl.BlockSpec((e_blk, OP), lambda i: (i, 0)),
        out_shape=jax.ShapeDtypeStruct((E_P, OP), jnp.float32),
    )(ea_p, xj, wp, bp, tmat, smat)


def _node_body(pad_rows, agg_ref, x_ref, root_ref, bias_ref, g_ref, be_ref,
               out_ref):
    xr = jnp.dot(x_ref[0:N, :].astype(jnp.bfloat16), root_ref[...],
                 preferred_element_type=jnp.float32)
    h = jnp.maximum(agg_ref[0, 0:N, :] + agg_ref[1, 0:N, :] + xr
                    + bias_ref[...], 0.0)
    mu = jnp.mean(h, axis=0, keepdims=True)
    d = h - mu
    var = jnp.mean(d * d, axis=0, keepdims=True)
    hn = g_ref[...] * d * lax.rsqrt(var + 1e-5) + be_ref[...]
    out_ref[0:N, 0:OP] = hn
    if P > OP:
        out_ref[0:N, OP:P] = jnp.zeros((N, P - OP), jnp.float32)
    if pad_rows:
        out_ref[N:N + pad_rows, :] = jnp.zeros((pad_rows, P), jnp.float32)


def _tc_node(agg, x_p, root_p, bias_p, g_p, be_p, pad_rows):
    return pl.pallas_call(
        functools.partial(_node_body, pad_rows),
        out_shape=jax.ShapeDtypeStruct((N + pad_rows, P), jnp.float32),
    )(agg, x_p, root_p, bias_p, g_p, be_p)


def _pool_body(batch_ref, h2_ref, wo1_ref, bo1_ref, wo2_ref, bo2_ref, out_ref):
    i = pl.program_id(0)

    @pl.when(i == 0)
    def _():
        out_ref[...] = jnp.zeros((G_P, P), jnp.float32)

    gids = lax.broadcasted_iota(jnp.int32, (G_P, N // 10), 0)
    onehot = (batch_ref[0] == gids).astype(jnp.float32)
    out_ref[...] += jnp.dot(onehot, h2_ref[...],
                            precision=lax.Precision.HIGHEST,
                 preferred_element_type=jnp.float32)

    @pl.when(i == 9)
    def _():
        o = jnp.maximum(out_ref[...], 0.0)
        o = jnp.maximum(jnp.dot(o.astype(jnp.bfloat16), wo1_ref[...],
                                preferred_element_type=jnp.float32)
                        + bo1_ref[...], 0.0)
        out_ref[...] = jnp.dot(o.astype(jnp.bfloat16), wo2_ref[...],
                               preferred_element_type=jnp.float32) + bo2_ref[...]


def _tc_pool(batch3, h2, wo1p, bo1p, wo2p, bo2p):
    nc = N // 10
    return pl.pallas_call(
        _pool_body,
        grid=(10,),
        in_specs=[
            pl.BlockSpec((1, 1, nc), lambda i: (i, 0, 0)),
            pl.BlockSpec((nc, P), lambda i: (i, 0)),
            pl.BlockSpec((P, P), lambda i: (0, 0)),
            pl.BlockSpec((1, P), lambda i: (0, 0)),
            pl.BlockSpec((P, P), lambda i: (0, 0)),
            pl.BlockSpec((1, P), lambda i: (0, 0)),
        ],
        out_specs=pl.BlockSpec((G_P, P), lambda i: (0, 0)),
        out_shape=jax.ShapeDtypeStruct((G_P, P), jnp.float32),
    )(batch3, h2, wo1p, bo1p, wo2p, bo2p)



def kernel(x, edge_index, edge_attr, batch, W1, b1, W2, b2, root1, bias1,
           root2, bias2, g1, be1, g2, be2, Wo1, bo1, Wo2, bo2):
    f32 = jnp.float32
    src = edge_index[0]
    dst = edge_index[1]

    x_p = jnp.pad(x, ((0, 8), (0, P - DA)))
    pad_e = E_P - E
    src_p = jnp.concatenate(
        [src, jnp.full((pad_e,), N, jnp.int32)]).reshape(NT, NCH, CW)
    dst_p = jnp.concatenate(
        [dst, jnp.zeros((pad_e,), jnp.int32)]).reshape(NT, NCH, CW)
    ea_p = jnp.pad(edge_attr, ((0, pad_e), (0, 0))).astype(jnp.bfloat16)

    W1p = W1.reshape(DB, DA, OC).transpose(0, 2, 1).reshape(
        DB, DA * OC).astype(jnp.bfloat16)
    b1p = b1.reshape(DA, OC).T.reshape(1, DA * OC)
    T1 = jnp.pad(jnp.tile(jnp.eye(DA, dtype=f32), (1, OC)),
                 ((0, P - DA), (0, 0))).astype(jnp.bfloat16)
    S1 = jnp.pad(jnp.kron(jnp.eye(OC, dtype=f32), jnp.ones((DA, 1), f32)),
                 ((0, 0), (0, OP - OC))).astype(jnp.bfloat16)

    xj1 = _sc_gather(x_p, src_p)
    msg1 = _tc_msg(ea_p, xj1, W1p, b1p, T1, S1)
    agg1 = _sc_scatter(msg1, dst_p)

    root1p = jnp.pad(root1, ((0, P - DA), (0, OP - OC))).astype(jnp.bfloat16)
    bias1p = jnp.pad(bias1, (0, OP - OC)).reshape(1, OP)
    g1p = jnp.pad(g1, (0, OP - OC)).reshape(1, OP)
    be1p = jnp.pad(be1, (0, OP - OC)).reshape(1, OP)
    h1p = _tc_node(agg1, x_p, root1p, bias1p, g1p, be1p, 8)

    W2p = W2.reshape(DB, OC, OC2).transpose(0, 2, 1).reshape(
        DB, OC * OC2).astype(jnp.bfloat16)
    b2p = b2.reshape(OC, OC2).T.reshape(1, OC * OC2)
    T2 = jnp.pad(jnp.tile(jnp.eye(OC, dtype=f32), (1, OC2)),
                 ((0, P - OC), (0, 0)))
    S2 = jnp.pad(jnp.kron(jnp.eye(OC2, dtype=f32), jnp.ones((OC, 1), f32)),
                 ((0, 0), (0, OP - OC2))).astype(jnp.bfloat16)

    xj2 = _sc_gather(h1p, src_p)
    msg2 = _tc_msg(ea_p, xj2, W2p, b2p, T2, S2)
    agg2 = _sc_scatter(msg2, dst_p)

    root2p = jnp.pad(root2, ((0, P - OC), (0, OP - OC2))).astype(jnp.bfloat16)
    bias2p = jnp.pad(bias2, (0, OP - OC2)).reshape(1, OP)
    g2p = jnp.pad(g2, (0, OP - OC2)).reshape(1, OP)
    be2p = jnp.pad(be2, (0, OP - OC2)).reshape(1, OP)
    h2 = _tc_node(agg2, h1p, root2p, bias2p, g2p, be2p, 0)

    batch3 = batch.reshape(10, 1, N // 10)
    wo1p = jnp.pad(Wo1, ((0, P - OC2), (0, P - OC2))).astype(jnp.bfloat16)
    bo1p = jnp.pad(bo1, (0, P - OC2)).reshape(1, P)
    wo2p = jnp.pad(Wo2, ((0, P - OC2), (0, 127))).astype(jnp.bfloat16)
    bo2p = jnp.pad(bo2, (0, 127)).reshape(1, P)

    out = _tc_pool(batch3, h2, wo1p, bo1p, wo2p, bo2p)
    return out[:G, :1]

# --- scband reference (transcript-rebuilt; emitter-appended) ---
"""Pipeline reference for scband-chemi-net-22694607192187 (READ-ONLY COPY).

The authoritative reference and input builder live on the scoring server;
editing this copy changes nothing except your own understanding.
"""

import jax, jax.numpy as jnp
import numpy as np

N_NODES = 10000
N_EDGES = 20000
D_ATOM = 75
D_BOND = 12
OC = 50
OC2 = 25
N_GRAPHS = 400


def setup_inputs(seed: int = 0) -> dict:
    key = jax.random.key(seed)
    ks = jax.random.split(key, 16)

    def w(k, shape, fan_in):
        return (jax.random.normal(k, shape, dtype=jnp.float32) / np.sqrt(fan_in)).astype(jnp.float32)

    inp = {}
    inp["x"] = jax.random.normal(ks[0], (N_NODES, D_ATOM), dtype=jnp.float32)
    inp["edge_index"] = jax.random.randint(ks[1], (2, N_EDGES), 0, N_NODES, dtype=jnp.int32)
    inp["edge_attr"] = jax.random.normal(ks[2], (N_EDGES, D_BOND), dtype=jnp.float32)
    inp["batch"] = jnp.sort(jax.random.randint(ks[3], (N_NODES,), 0, N_GRAPHS, dtype=jnp.int32))
    # edge-network MLPs (lin1, lin2)
    inp["W1"] = w(ks[4], (D_BOND, D_ATOM * OC), D_BOND)
    inp["b1"] = jnp.zeros((D_ATOM * OC,), jnp.float32)
    inp["W2"] = w(ks[5], (D_BOND, OC * OC2), D_BOND)
    inp["b2"] = jnp.zeros((OC * OC2,), jnp.float32)
    # NNConv root weights + biases
    inp["root1"] = w(ks[6], (D_ATOM, OC), D_ATOM)
    inp["bias1"] = jnp.zeros((OC,), jnp.float32)
    inp["root2"] = w(ks[7], (OC, OC2), OC)
    inp["bias2"] = jnp.zeros((OC2,), jnp.float32)
    # BatchNorm affine params
    inp["g1"] = jnp.ones((OC,), jnp.float32)
    inp["be1"] = jnp.zeros((OC,), jnp.float32)
    inp["g2"] = jnp.ones((OC2,), jnp.float32)
    inp["be2"] = jnp.zeros((OC2,), jnp.float32)
    # output MLP
    inp["Wo1"] = w(ks[8], (OC2, OC2), OC2)
    inp["bo1"] = jnp.zeros((OC2,), jnp.float32)
    inp["Wo2"] = w(ks[9], (OC2, 1), OC2)
    inp["bo2"] = jnp.zeros((1,), jnp.float32)
    return inp


def _nnconv(x, edge_index, edge_attr, Wnn, bnn, root, bias, in_ch, out_ch):
    # NNConv (Gilmer et al. edge-conditioned conv), aggr='add', flow source->target
    src = edge_index[0]
    dst = edge_index[1]
    We = jax.nn.relu(edge_attr @ Wnn + bnn).reshape(-1, in_ch, out_ch)
    x_j = jnp.take(x, src, axis=0)
    msg = jnp.einsum('ei,eio->eo', x_j, We)
    agg = jax.ops.segment_sum(msg, dst, num_segments=x.shape[0])
    return agg + x @ root + bias


def _bn(h, gamma, beta):
    # BatchNorm1d in training mode: normalize with batch statistics
    mu = jnp.mean(h, axis=0)
    var = jnp.var(h, axis=0)
    return gamma * (h - mu) / jnp.sqrt(var + 1e-5) + beta


def reference(x, edge_index, edge_attr, batch, W1, b1, W2, b2, root1, bias1, root2, bias2, g1, be1, g2, be2, Wo1, bo1, Wo2, bo2):
    h = jax.nn.relu(_nnconv(x, edge_index, edge_attr, W1, b1, root1, bias1, D_ATOM, OC))
    h = _bn(h, g1, be1)
    h = jax.nn.relu(_nnconv(h, edge_index, edge_attr, W2, b2, root2, bias2, OC, OC2))
    h = _bn(h, g2, be2)
    pooled = jax.ops.segment_sum(h, batch, num_segments=N_GRAPHS)  # global_add_pool
    o = jax.nn.relu(pooled)
    o = jax.nn.relu(o @ Wo1 + bo1)
    return o @ Wo2 + bo2

if __name__ == "__main__":
    import jax
    _d = setup_inputs()
    print(jax.jit(kernel)(*tuple(_d.values())))

</pallas_src>

<mosaic_0001>
#map = affine_map<(d0, d1) -> (0, 0)>
#map1 = affine_map<(d0, d1) -> (0, 0, 0)>
module attributes {stable_mosaic.version = 14 : i64} {
  func.func @_gather_body(%arg0: i32, %arg1: i32, %arg2: memref<10008x128xf32, #tpu.memory_space<hbm>>, %arg3: memref<32x5x128xi32, #tpu.memory_space<hbm>>, %arg4: memref<20480x128xf32, #tpu.memory_space<hbm>>, %arg5: memref<5x128xi32, #tpu.memory_space<vmem>>, %arg6: memref<128x128xf32, #tpu.memory_space<vmem>>, %arg7: memref<!tpu.dma_semaphore, #tpu.memory_space<semaphore_mem>>) attributes {dimension_semantics = [#tpu.dimension_semantics<core_parallel>, #tpu.dimension_semantics<subcore_parallel>], iteration_bounds = array<i64: 2, 16>, scalar_prefetch = 0 : i64, scratch_operands = 3 : i64, tpu.core_type = #tpu.core_type<sc_vector_subcore>, window_params = [{transform_indices = #map}, {transform_indices = #map1}, {transform_indices = #map}]} {
    %mul3A = arith.constant 2 : i32
    %mul3A_0 = arith.muli %arg1, %mul3A : i32
    %add3A = arith.addi %mul3A_0, %arg0 : i32
    "tpu.region"() ({
      %run_scoped3A = tpu.sem_alloc : memref<!tpu.dma_semaphore, #tpu.memory_space<semaphore_mem>>
      %dma_start3A_81 = arith.constant 0 : i32
      %dma_start3A_82 = arith.constant 0 : i32
      %dma_start3A_83 = tpu.memref_slice %arg3[%add3A, %dma_start3A_81, %dma_start3A_82] : memref<32x5x128xi32, #tpu.memory_space<hbm>> -> memref<1x5x128xi32, #tpu.memory_space<hbm>>
      %dma_start3A_84 = tpu.memref_squeeze %dma_start3A_83 : memref<1x5x128xi32, #tpu.memory_space<hbm>> -> memref<5x128xi32, #tpu.memory_space<hbm>>
      %dma_start3A_85 = arith.constant 0 : i32
      %dma_start3A_86 = arith.constant 0 : i32
      %dma_start3A_87 = tpu.memref_slice %arg3[%add3A, %dma_start3A_85, %dma_start3A_86] : memref<32x5x128xi32, #tpu.memory_space<hbm>> -> memref<1x5x128xi32, #tpu.memory_space<hbm>>
      %dma_start3A_88 = tpu.memref_squeeze %dma_start3A_87 : memref<1x5x128xi32, #tpu.memory_space<hbm>> -> memref<5x128xi32, #tpu.memory_space<hbm>>
      tpu.enqueue_dma source(%dma_start3A_88 : memref<5x128xi32, #tpu.memory_space<hbm>>) target(%arg5 : memref<5x128xi32, #tpu.memory_space<vmem>>) target_semaphore(%run_scoped3A : memref<!tpu.dma_semaphore, #tpu.memory_space<semaphore_mem>>)
      %dma_wait3A_89 = arith.constant 0 : i32
      %dma_wait3A_90 = arith.constant 0 : i32
      %dma_wait3A_91 = tpu.memref_slice %arg3[%add3A, %dma_wait3A_89, %dma_wait3A_90] : memref<32x5x128xi32, #tpu.memory_space<hbm>> -> memref<1x5x128xi32, #tpu.memory_space<hbm>>
      %dma_wait3A_92 = tpu.memref_squeeze %dma_wait3A_91 : memref<1x5x128xi32, #tpu.memory_space<hbm>> -> memref<5x128xi32, #tpu.memory_space<hbm>>
      %dma_wait3A_93 = arith.constant 0 : i32
      %dma_wait3A_94 = arith.constant 0 : i32
      %dma_wait3A_95 = tpu.memref_slice %arg3[%add3A, %dma_wait3A_93, %dma_wait3A_94] : memref<32x5x128xi32, #tpu.memory_space<hbm>> -> memref<1x5x128xi32, #tpu.memory_space<hbm>>
      %dma_wait3A_96 = tpu.memref_squeeze %dma_wait3A_95 : memref<1x5x128xi32, #tpu.memory_space<hbm>> -> memref<5x128xi32, #tpu.memory_space<hbm>>
      tpu.wait_dma2 semaphore(%run_scoped3A : memref<!tpu.dma_semaphore, #tpu.memory_space<semaphore_mem>>) src(%dma_wait3A_96 : memref<5x128xi32, #tpu.memory_space<hbm>>) dst(%arg5 : memref<5x128xi32, #tpu.memory_space<vmem>>)
      tpu.yield
    }) : () -> ()
    %mul3A_1 = arith.constant 640 : i32
    %mul3A_2 = arith.muli %add3A, %mul3A_1 : i32
    %multiple_of3A = tpu.assume_multiple %mul3A_2, 8 : i32
    %dma_start3A = arith.constant 0 : i32
    %dma_start3A_3 = arith.constant 0 : i32
    %dma_start3A_4 = tpu.memref_slice %arg5[%dma_start3A, %dma_start3A_3] : memref<5x128xi32, #tpu.memory_space<vmem>> -> memref<1x128xi32, #tpu.memory_space<vmem>>
    %dma_start3A_5 = tpu.memref_squeeze %dma_start3A_4 : memref<1x128xi32, #tpu.memory_space<vmem>> -> memref<128xi32, #tpu.memory_space<vmem>>
    %dma_start3A_6 = arith.constant 0 : i32
    %dma_start3A_7 = arith.constant 0 : i32
    %dma_start3A_8 = tpu.memref_slice %arg2[%dma_start3A_6, %dma_start3A_7] : memref<10008x128xf32, #tpu.memory_space<hbm>> -> memref<10008x128xf32, #tpu.memory_space<hbm>>
    tpu.enqueue_indirect_dma source(%dma_start3A_8 : memref<10008x128xf32, #tpu.memory_space<hbm>>) target(%arg6 : memref<128x128xf32, #tpu.memory_space<vmem>>) offsets(%dma_start3A_5 : memref<128xi32, #tpu.memory_space<vmem>>) semaphore(%arg7 : memref<!tpu.dma_semaphore, #tpu.memory_space<semaphore_mem>>)
    %dma_wait3A = arith.constant 0 : i32
    %dma_wait3A_9 = arith.constant 0 : i32
    %dma_wait3A_10 = tpu.memref_slice %arg5[%dma_wait3A, %dma_wait3A_9] : memref<5x128xi32, #tpu.memory_space<vmem>> -> memref<1x128xi32, #tpu.memory_space<vmem>>
    %dma_wait3A_11 = tpu.memref_squeeze %dma_wait3A_10 : memref<1x128xi32, #tpu.memory_space<vmem>> -> memref<128xi32, #tpu.memory_space<vmem>>
    %dma_wait3A_12 = arith.constant 0 : i32
    %dma_wait3A_13 = arith.constant 0 : i32
    %dma_wait3A_14 = tpu.memref_slice %arg2[%dma_wait3A_12, %dma_wait3A_13] : memref<10008x128xf32, #tpu.memory_space<hbm>> -> memref<10008x128xf32, #tpu.memory_space<hbm>>
    tpu.wait_indirect_dma semaphore(%arg7 : memref<!tpu.dma_semaphore, #tpu.memory_space<semaphore_mem>>) src(%dma_wait3A_14 : memref<10008x128xf32, #tpu.memory_space<hbm>>) dst(%arg6 : memref<128x128xf32, #tpu.memory_space<vmem>>)
    %add3A_15 = arith.constant 0 : i32
    %add3A_16 = arith.addi %multiple_of3A, %add3A_15 : i32
    "tpu.region"() ({
      %run_scoped3A = tpu.sem_alloc : memref<!tpu.dma_semaphore, #tpu.memory_space<semaphore_mem>>
      %dma_start3A_81 = arith.constant 0 : i32
      %dma_start3A_82 = tpu.memref_slice %arg4[%add3A_16, %dma_start3A_81] : memref<20480x128xf32, #tpu.memory_space<hbm>> -> memref<128x128xf32, #tpu.memory_space<hbm>>
      %dma_start3A_83 = arith.constant 0 : i32
      %dma_start3A_84 = tpu.memref_slice %arg4[%add3A_16, %dma_start3A_83] : memref<20480x128xf32, #tpu.memory_space<hbm>> -> memref<128x128xf32, #tpu.memory_space<hbm>>
      tpu.enqueue_dma source(%arg6 : memref<128x128xf32, #tpu.memory_space<vmem>>) target(%dma_start3A_84 : memref<128x128xf32, #tpu.memory_space<hbm>>) target_semaphore(%run_scoped3A : memref<!tpu.dma_semaphore, #tpu.memory_space<semaphore_mem>>)
      %dma_wait3A_85 = arith.constant 0 : i32
      %dma_wait3A_86 = tpu.memref_slice %arg4[%add3A_16, %dma_wait3A_85] : memref<20480x128xf32, #tpu.memory_space<hbm>> -> memref<128x128xf32, #tpu.memory_space<hbm>>
      %dma_wait3A_87 = arith.constant 0 : i32
      %dma_wait3A_88 = tpu.memref_slice %arg4[%add3A_16, %dma_wait3A_87] : memref<20480x128xf32, #tpu.memory_space<hbm>> -> memref<128x128xf32, #tpu.memory_space<hbm>>
      tpu.wait_dma2 semaphore(%run_scoped3A : memref<!tpu.dma_semaphore, #tpu.memory_space<semaphore_mem>>) src(%arg6 : memref<128x128xf32, #tpu.memory_space<vmem>>) dst(%dma_wait3A_88 : memref<128x128xf32, #tpu.memory_space<hbm>>)
      tpu.yield
    }) : () -> ()
    %dma_start3A_17 = arith.constant 1 : i32
    %dma_start3A_18 = arith.constant 0 : i32
    %dma_start3A_19 = tpu.memref_slice %arg5[%dma_start3A_17, %dma_start3A_18] : memref<5x128xi32, #tpu.memory_space<vmem>> -> memref<1x128xi32, #tpu.memory_space<vmem>>
    %dma_start3A_20 = tpu.memref_squeeze %dma_start3A_19 : memref<1x128xi32, #tpu.memory_space<vmem>> -> memref<128xi32, #tpu.memory_space<vmem>>
    %dma_start3A_21 = arith.constant 0 : i32
    %dma_start3A_22 = arith.constant 0 : i32
    %dma_start3A_23 = tpu.memref_slice %arg2[%dma_start3A_21, %dma_start3A_22] : memref<10008x128xf32, #tpu.memory_space<hbm>> -> memref<10008x128xf32, #tpu.memory_space<hbm>>
    tpu.enqueue_indirect_dma source(%dma_start3A_23 : memref<10008x128xf32, #tpu.memory_space<hbm>>) target(%arg6 : memref<128x128xf32, #tpu.memory_space<vmem>>) offsets(%dma_start3A_20 : memref<128xi32, #tpu.memory_space<vmem>>) semaphore(%arg7 : memref<!tpu.dma_semaphore, #tpu.memory_space<semaphore_mem>>)
    %dma_wait3A_24 = arith.constant 1 : i32
    %dma_wait3A_25 = arith.constant 0 : i32
    %dma_wait3A_26 = tpu.memref_slice %arg5[%dma_wait3A_24, %dma_wait3A_25] : memref<5x128xi32, #tpu.memory_space<vmem>> -> memref<1x128xi32, #tpu.memory_space<vmem>>
    %dma_wait3A_27 = tpu.memref_squeeze %dma_wait3A_26 : memref<1x128xi32, #tpu.memory_space<vmem>> -> memref<128xi32, #tpu.memory_space<vmem>>
    %dma_wait3A_28 = arith.constant 0 : i32
    %dma_wait3A_29 = arith.constant 0 : i32
    %dma_wait3A_30 = tpu.memref_slice %arg2[%dma_wait3A_28, %dma_wait3A_29] : memref<10008x128xf32, #tpu.memory_space<hbm>> -> memref<10008x128xf32, #tpu.memory_space<hbm>>
    tpu.wait_indirect_dma semaphore(%arg7 : memref<!tpu.dma_semaphore, #tpu.memory_space<semaphore_mem>>) src(%dma_wait3A_30 : memref<10008x128xf32, #tpu.memory_space<hbm>>) dst(%arg6 : memref<128x128xf32, #tpu.memory_space<vmem>>)
    %add3A_31 = arith.constant 128 : i32
    %add3A_32 = arith.addi %multiple_of3A, %add3A_31 : i32
    "tpu.region"() ({
      %run_scoped3A = tpu.sem_alloc : memref<!tpu.dma_semaphore, #tpu.memory_space<semaphore_mem>>
      %dma_start3A_81 = arith.constant 0 : i32
      %dma_start3A_82 = tpu.memref_slice %arg4[%add3A_32, %dma_start3A_81] : memref<20480x128xf32, #tpu.memory_space<hbm>> -> memref<128x128xf32, #tpu.memory_space<hbm>>
      %dma_start3A_83 = arith.constant 0 : i32
      %dma_start3A_84 = tpu.memref_slice %arg4[%add3A_32, %dma_start3A_83] : memref<20480x128xf32, #tpu.memory_space<hbm>> -> memref<128x128xf32, #tpu.memory_space<hbm>>
      tpu.enqueue_dma source(%arg6 : memref<128x128xf32, #tpu.memory_space<vmem>>) target(%dma_start3A_84 : memref<128x128xf32, #tpu.memory_space<hbm>>) target_semaphore(%run_scoped3A : memref<!tpu.dma_semaphore, #tpu.memory_space<semaphore_mem>>)
      %dma_wait3A_85 = arith.constant 0 : i32
      %dma_wait3A_86 = tpu.memref_slice %arg4[%add3A_32, %dma_wait3A_85] : memref<20480x128xf32, #tpu.memory_space<hbm>> -> memref<128x128xf32, #tpu.memory_space<hbm>>
      %dma_wait3A_87 = arith.constant 0 : i32
      %dma_wait3A_88 = tpu.memref_slice %arg4[%add3A_32, %dma_wait3A_87] : memref<20480x128xf32, #tpu.memory_space<hbm>> -> memref<128x128xf32, #tpu.memory_space<hbm>>
      tpu.wait_dma2 semaphore(%run_scoped3A : memref<!tpu.dma_semaphore, #tpu.memory_space<semaphore_mem>>) src(%arg6 : memref<128x128xf32, #tpu.memory_space<vmem>>) dst(%dma_wait3A_88 : memref<128x128xf32, #tpu.memory_space<hbm>>)
      tpu.yield
    }) : () -> ()
    %dma_start3A_33 = arith.constant 2 : i32
    %dma_start3A_34 = arith.constant 0 : i32
    %dma_start3A_35 = tpu.memref_slice %arg5[%dma_start3A_33, %dma_start3A_34] : memref<5x128xi32, #tpu.memory_space<vmem>> -> memref<1x128xi32, #tpu.memory_space<vmem>>
    %dma_start3A_36 = tpu.memref_squeeze %dma_start3A_35 : memref<1x128xi32, #tpu.memory_space<vmem>> -> memref<128xi32, #tpu.memory_space<vmem>>
    %dma_start3A_37 = arith.constant 0 : i32
    %dma_start3A_38 = arith.constant 0 : i32
    %dma_start3A_39 = tpu.memref_slice %arg2[%dma_start3A_37, %dma_start3A_38] : memref<10008x128xf32, #tpu.memory_space<hbm>> -> memref<10008x128xf32, #tpu.memory_space<hbm>>
    tpu.enqueue_indirect_dma source(%dma_start3A_39 : memref<10008x128xf32, #tpu.memory_space<hbm>>) target(%arg6 : memref<128x128xf32, #tpu.memory_space<vmem>>) offsets(%dma_start3A_36 : memref<128xi32, #tpu.memory_space<vmem>>) semaphore(%arg7 : memref<!tpu.dma_semaphore, #tpu.memory_space<semaphore_mem>>)
    %dma_wait3A_40 = arith.constant 2 : i32
    %dma_wait3A_41 = arith.constant 0 : i32
    %dma_wait3A_42 = tpu.memref_slice %arg5[%dma_wait3A_40, %dma_wait3A_41] : memref<5x128xi32, #tpu.memory_space<vmem>> -> memref<1x128xi32, #tpu.memory_space<vmem>>
    %dma_wait3A_43 = tpu.memref_squeeze %dma_wait3A_42 : memref<1x128xi32, #tpu.memory_space<vmem>> -> memref<128xi32, #tpu.memory_space<vmem>>
    %dma_wait3A_44 = arith.constant 0 : i32
    %dma_wait3A_45 = arith.constant 0 : i32
    %dma_wait3A_46 = tpu.memref_slice %arg2[%dma_wait3A_44, %dma_wait3A_45] : memref<10008x128xf32, #tpu.memory_space<hbm>> -> memref<10008x128xf32, #tpu.memory_space<hbm>>
    tpu.wait_indirect_dma semaphore(%arg7 : memref<!tpu.dma_semaphore, #tpu.memory_space<semaphore_mem>>) src(%dma_wait3A_46 : memref<10008x128xf32, #tpu.memory_space<hbm>>) dst(%arg6 : memref<128x128xf32, #tpu.memory_space<vmem>>)
    %add3A_47 = arith.constant 256 : i32
    %add3A_48 = arith.addi %multiple_of3A, %add3A_47 : i32
    "tpu.region"() ({
      %run_scoped3A = tpu.sem_alloc : memref<!tpu.dma_semaphore, #tpu.memory_space<semaphore_mem>>
      %dma_start3A_81 = arith.constant 0 : i32
      %dma_start3A_82 = tpu.memref_slice %arg4[%add3A_48, %dma_start3A_81] : memref<20480x128xf32, #tpu.memory_space<hbm>> -> memref<128x128xf32, #tpu.memory_space<hbm>>
      %dma_start3A_83 = arith.constant 0 : i32
      %dma_start3A_84 = tpu.memref_slice %arg4[%add3A_48, %dma_start3A_83] : memref<20480x128xf32, #tpu.memory_space<hbm>> -> memref<128x128xf32, #tpu.memory_space<hbm>>
      tpu.enqueue_dma source(%arg6 : memref<128x128xf32, #tpu.memory_space<vmem>>) target(%dma_start3A_84 : memref<128x128xf32, #tpu.memory_space<hbm>>) target_semaphore(%run_scoped3A : memref<!tpu.dma_semaphore, #tpu.memory_space<semaphore_mem>>)
      %dma_wait3A_85 = arith.constant 0 : i32
      %dma_wait3A_86 = tpu.memref_slice %arg4[%add3A_48, %dma_wait3A_85] : memref<20480x128xf32, #tpu.memory_space<hbm>> -> memref<128x128xf32, #tpu.memory_space<hbm>>
      %dma_wait3A_87 = arith.constant 0 : i32
      %dma_wait3A_88 = tpu.memref_slice %arg4[%add3A_48, %dma_wait3A_87] : memref<20480x128xf32, #tpu.memory_space<hbm>> -> memref<128x128xf32, #tpu.memory_space<hbm>>
      tpu.wait_dma2 semaphore(%run_scoped3A : memref<!tpu.dma_semaphore, #tpu.memory_space<semaphore_mem>>) src(%arg6 : memref<128x128xf32, #tpu.memory_space<vmem>>) dst(%dma_wait3A_88 : memref<128x128xf32, #tpu.memory_space<hbm>>)
      tpu.yield
    }) : () -> ()
    %dma_start3A_49 = arith.constant 3 : i32
    %dma_start3A_50 = arith.constant 0 : i32
    %dma_start3A_51 = tpu.memref_slice %arg5[%dma_start3A_49, %dma_start3A_50] : memref<5x128xi32, #tpu.memory_space<vmem>> -> memref<1x128xi32, #tpu.memory_space<vmem>>
    %dma_start3A_52 = tpu.memref_squeeze %dma_start3A_51 : memref<1x128xi32, #tpu.memory_space<vmem>> -> memref<128xi32, #tpu.memory_space<vmem>>
    %dma_start3A_53 = arith.constant 0 : i32
    %dma_start3A_54 = arith.constant 0 : i32
    %dma_start3A_55 = tpu.memref_slice %arg2[%dma_start3A_53, %dma_start3A_54] : memref<10008x128xf32, #tpu.memory_space<hbm>> -> memref<10008x128xf32, #tpu.memory_space<hbm>>
    tpu.enqueue_indirect_dma source(%dma_start3A_55 : memref<10008x128xf32, #tpu.memory_space<hbm>>) target(%arg6 : memref<128x128xf32, #tpu.memory_space<vmem>>) offsets(%dma_start3A_52 : memref<128xi32, #tpu.memory_space<vmem>>) semaphore(%arg7 : memref<!tpu.dma_semaphore, #tpu.memory_space<semaphore_mem>>)
    %dma_wait3A_56 = arith.constant 3 : i32
    %dma_wait3A_57 = arith.constant 0 : i32
    %dma_wait3A_58 = tpu.memref_slice %arg5[%dma_wait3A_56, %dma_wait3A_57] : memref<5x128xi32, #tpu.memory_space<vmem>> -> memref<1x128xi32, #tpu.memory_space<vmem>>
    %dma_wait3A_59 = tpu.memref_squeeze %dma_wait3A_58 : memref<1x128xi32, #tpu.memory_space<vmem>> -> memref<128xi32, #tpu.memory_space<vmem>>
    %dma_wait3A_60 = arith.constant 0 : i32
    %dma_wait3A_61 = arith.constant 0 : i32
    %dma_wait3A_62 = tpu.memref_slice %arg2[%dma_wait3A_60, %dma_wait3A_61] : memref<10008x128xf32, #tpu.memory_space<hbm>> -> memref<10008x128xf32, #tpu.memory_space<hbm>>
    tpu.wait_indirect_dma semaphore(%arg7 : memref<!tpu.dma_semaphore, #tpu.memory_space<semaphore_mem>>) src(%dma_wait3A_62 : memref<10008x128xf32, #tpu.memory_space<hbm>>) dst(%arg6 : memref<128x128xf32, #tpu.memory_space<vmem>>)
    %add3A_63 = arith.constant 384 : i32
    %add3A_64 = arith.addi %multiple_of3A, %add3A_63 : i32
    "tpu.region"() ({
      %run_scoped3A = tpu.sem_alloc : memref<!tpu.dma_semaphore, #tpu.memory_space<semaphore_mem>>
      %dma_start3A_81 = arith.constant 0 : i32
      %dma_start3A_82 = tpu.memref_slice %arg4[%add3A_64, %dma_start3A_81] : memref<20480x128xf32, #tpu.memory_space<hbm>> -> memref<128x128xf32, #tpu.memory_space<hbm>>
      %dma_start3A_83 = arith.constant 0 : i32
      %dma_start3A_84 = tpu.memref_slice %arg4[%add3A_64, %dma_start3A_83] : memref<20480x128xf32, #tpu.memory_space<hbm>> -> memref<128x128xf32, #tpu.memory_space<hbm>>
      tpu.enqueue_dma source(%arg6 : memref<128x128xf32, #tpu.memory_space<vmem>>) target(%dma_start3A_84 : memref<128x128xf32, #tpu.memory_space<hbm>>) target_semaphore(%run_scoped3A : memref<!tpu.dma_semaphore, #tpu.memory_space<semaphore_mem>>)
      %dma_wait3A_85 = arith.constant 0 : i32
      %dma_wait3A_86 = tpu.memref_slice %arg4[%add3A_64, %dma_wait3A_85] : memref<20480x128xf32, #tpu.memory_space<hbm>> -> memref<128x128xf32, #tpu.memory_space<hbm>>
      %dma_wait3A_87 = arith.constant 0 : i32
      %dma_wait3A_88 = tpu.memref_slice %arg4[%add3A_64, %dma_wait3A_87] : memref<20480x128xf32, #tpu.memory_space<hbm>> -> memref<128x128xf32, #tpu.memory_space<hbm>>
      tpu.wait_dma2 semaphore(%run_scoped3A : memref<!tpu.dma_semaphore, #tpu.memory_space<semaphore_mem>>) src(%arg6 : memref<128x128xf32, #tpu.memory_space<vmem>>) dst(%dma_wait3A_88 : memref<128x128xf32, #tpu.memory_space<hbm>>)
      tpu.yield
    }) : () -> ()
    %dma_start3A_65 = arith.constant 4 : i32
    %dma_start3A_66 = arith.constant 0 : i32
    %dma_start3A_67 = tpu.memref_slice %arg5[%dma_start3A_65, %dma_start3A_66] : memref<5x128xi32, #tpu.memory_space<vmem>> -> memref<1x128xi32, #tpu.memory_space<vmem>>
    %dma_start3A_68 = tpu.memref_squeeze %dma_start3A_67 : memref<1x128xi32, #tpu.memory_space<vmem>> -> memref<128xi32, #tpu.memory_space<vmem>>
    %dma_start3A_69 = arith.constant 0 : i32
    %dma_start3A_70 = arith.constant 0 : i32
    %dma_start3A_71 = tpu.memref_slice %arg2[%dma_start3A_69, %dma_start3A_70] : memref<10008x128xf32, #tpu.memory_space<hbm>> -> memref<10008x128xf32, #tpu.memory_space<hbm>>
    tpu.enqueue_indirect_dma source(%dma_start3A_71 : memref<10008x128xf32, #tpu.memory_space<hbm>>) target(%arg6 : memref<128x128xf32, #tpu.memory_space<vmem>>) offsets(%dma_start3A_68 : memref<128xi32, #tpu.memory_space<vmem>>) semaphore(%arg7 : memref<!tpu.dma_semaphore, #tpu.memory_space<semaphore_mem>>)
    %dma_wait3A_72 = arith.constant 4 : i32
    %dma_wait3A_73 = arith.constant 0 : i32
    %dma_wait3A_74 = tpu.memref_slice %arg5[%dma_wait3A_72, %dma_wait3A_73] : memref<5x128xi32, #tpu.memory_space<vmem>> -> memref<1x128xi32, #tpu.memory_space<vmem>>
    %dma_wait3A_75 = tpu.memref_squeeze %dma_wait3A_74 : memref<1x128xi32, #tpu.memory_space<vmem>> -> memref<128xi32, #tpu.memory_space<vmem>>
    %dma_wait3A_76 = arith.constant 0 : i32
    %dma_wait3A_77 = arith.constant 0 : i32
    %dma_wait3A_78 = tpu.memref_slice %arg2[%dma_wait3A_76, %dma_wait3A_77] : memref<10008x128xf32, #tpu.memory_space<hbm>> -> memref<10008x128xf32, #tpu.memory_space<hbm>>
    tpu.wait_indirect_dma semaphore(%arg7 : memref<!tpu.dma_semaphore, #tpu.memory_space<semaphore_mem>>) src(%dma_wait3A_78 : memref<10008x128xf32, #tpu.memory_space<hbm>>) dst(%arg6 : memref<128x128xf32, #tpu.memory_space<vmem>>)
    %add3A_79 = arith.constant 512 : i32
    %add3A_80 = arith.addi %multiple_of3A, %add3A_79 : i32
    "tpu.region"() ({
      %run_scoped3A = tpu.sem_alloc : memref<!tpu.dma_semaphore, #tpu.memory_space<semaphore_mem>>
      %dma_start3A_81 = arith.constant 0 : i32
      %dma_start3A_82 = tpu.memref_slice %arg4[%add3A_80, %dma_start3A_81] : memref<20480x128xf32, #tpu.memory_space<hbm>> -> memref<128x128xf32, #tpu.memory_space<hbm>>
      %dma_start3A_83 = arith.constant 0 : i32
      %dma_start3A_84 = tpu.memref_slice %arg4[%add3A_80, %dma_start3A_83] : memref<20480x128xf32, #tpu.memory_space<hbm>> -> memref<128x128xf32, #tpu.memory_space<hbm>>
      tpu.enqueue_dma source(%arg6 : memref<128x128xf32, #tpu.memory_space<vmem>>) target(%dma_start3A_84 : memref<128x128xf32, #tpu.memory_space<hbm>>) target_semaphore(%run_scoped3A : memref<!tpu.dma_semaphore, #tpu.memory_space<semaphore_mem>>)
      %dma_wait3A_85 = arith.constant 0 : i32
      %dma_wait3A_86 = tpu.memref_slice %arg4[%add3A_80, %dma_wait3A_85] : memref<20480x128xf32, #tpu.memory_space<hbm>> -> memref<128x128xf32, #tpu.memory_space<hbm>>
      %dma_wait3A_87 = arith.constant 0 : i32
      %dma_wait3A_88 = tpu.memref_slice %arg4[%add3A_80, %dma_wait3A_87] : memref<20480x128xf32, #tpu.memory_space<hbm>> -> memref<128x128xf32, #tpu.memory_space<hbm>>
      tpu.wait_dma2 semaphore(%run_scoped3A : memref<!tpu.dma_semaphore, #tpu.memory_space<semaphore_mem>>) src(%arg6 : memref<128x128xf32, #tpu.memory_space<vmem>>) dst(%dma_wait3A_88 : memref<128x128xf32, #tpu.memory_space<hbm>>)
      tpu.yield
    }) : () -> ()
    return
  }
}

#map = affine_map<(d0, d1) -> (0, 0)>
#map1 = affine_map<(d0, d1) -> (0, 0, 0)>
module attributes {stable_mosaic.version = 14 : i64} {
  func.func @_scatter_body(%arg0: i32, %arg1: i32, %arg2: memref<20480x128xf32, #tpu.memory_space<hbm>>, %arg3: memref<32x5x128xi32, #tpu.memory_space<hbm>>, %arg4: memref<2x10240x128xf32, #tpu.memory_space<hbm>>, %arg5: memref<5x128xi32, #tpu.memory_space<vmem>>, %arg6: memref<128x128xf32, #tpu.memory_space<vmem>>, %arg7: memref<32x128xf32, #tpu.memory_space<vmem>>, %arg8: memref<10240x128xf32, #tpu.memory_space<vmem_shared>>, %arg9: memref<!tpu.dma_semaphore, #tpu.memory_space<semaphore_mem>>) attributes {dimension_semantics = [#tpu.dimension_semantics<core_parallel>, #tpu.dimension_semantics<subcore_parallel>], iteration_bounds = array<i64: 2, 16>, scalar_prefetch = 0 : i64, scratch_operands = 5 : i64, tpu.core_type = #tpu.core_type<sc_vector_subcore>, window_params = [{transform_indices = #map}, {transform_indices = #map1}, {transform_indices = #map1}]} {
    %mul3A = arith.constant 2 : i32
    %mul3A_0 = arith.muli %arg1, %mul3A : i32
    %add3A = arith.addi %mul3A_0, %arg0 : i32
    %scan3A = arith.constant 0 : i32
    %scan3A_1 = arith.constant 0 : i32
    %scan3A_2 = arith.constant 32 : i32
    %scan3A_3 = arith.addi %scan3A_1, %scan3A_2 : i32
    %scan3A_4 = arith.constant 1 : i32
    %scan3A_5 = scf.for %scan3A_105 = %scan3A_1 to %scan3A_3 step %scan3A_4 iter_args(%scan3A_106 = %scan3A) -> (i32)  : i32 {
      %broadcast_in_dim3A = arith.constant 0.000000e+00 : f32
      %broadcast_in_dim3A_107 = vector.broadcast %broadcast_in_dim3A : f32 to vector<16xf32>
      %swap3A = arith.index_cast %scan3A_105 : i32 to index
      %swap3A_108 = arith.constant 0 : index
      %swap3A_109 = tpu.vector_load %arg7[%swap3A, %swap3A_108] {strides = array<i32>} : memref<32x128xf32, #tpu.memory_space<vmem>>, vector<1x16xf32>,
      %swap3A_110 = vector.shape_cast %swap3A_109 : vector<1x16xf32> to vector<16xf32>
      %swap3A_111 = vector.shape_cast %broadcast_in_dim3A_107 : vector<16xf32> to vector<1x16xf32>
      tpu.vector_store %arg7[%swap3A, %swap3A_108], %swap3A_111 {strides = array<i32>} : memref<32x128xf32, #tpu.memory_space<vmem>>, vector<1x16xf32>,
      %broadcast_in_dim3A_112 = arith.constant 0.000000e+00 : f32
      %broadcast_in_dim3A_113 = vector.broadcast %broadcast_in_dim3A_112 : f32 to vector<16xf32>
      %swap3A_114 = arith.index_cast %scan3A_105 : i32 to index
      %swap3A_115 = arith.constant 16 : index
      %swap3A_116 = tpu.vector_load %arg7[%swap3A_114, %swap3A_115] {strides = array<i32>} : memref<32x128xf32, #tpu.memory_space<vmem>>, vector<1x16xf32>,
      %swap3A_117 = vector.shape_cast %swap3A_116 : vector<1x16xf32> to vector<16xf32>
      %swap3A_118 = vector.shape_cast %broadcast_in_dim3A_113 : vector<16xf32> to vector<1x16xf32>
      tpu.vector_store %arg7[%swap3A_114, %swap3A_115], %swap3A_118 {strides = array<i32>} : memref<32x128xf32, #tpu.memory_space<vmem>>, vector<1x16xf32>,
      %broadcast_in_dim3A_119 = arith.constant 0.000000e+00 : f32
      %broadcast_in_dim3A_120 = vector.broadcast %broadcast_in_dim3A_119 : f32 to vector<16xf32>
      %swap3A_121 = arith.index_cast %scan3A_105 : i32 to index
      %swap3A_122 = arith.constant 32 : index
      %swap3A_123 = tpu.vector_load %arg7[%swap3A_121, %swap3A_122] {strides = array<i32>} : memref<32x128xf32, #tpu.memory_space<vmem>>, vector<1x16xf32>,
      %swap3A_124 = vector.shape_cast %swap3A_123 : vector<1x16xf32> to vector<16xf32>
      %swap3A_125 = vector.shape_cast %broadcast_in_dim3A_120 : vector<16xf32> to vector<1x16xf32>
      tpu.vector_store %arg7[%swap3A_121, %swap3A_122], %swap3A_125 {strides = array<i32>} : memref<32x128xf32, #tpu.memory_space<vmem>>, vector<1x16xf32>,
      %broadcast_in_dim3A_126 = arith.constant 0.000000e+00 : f32
      %broadcast_in_dim3A_127 = vector.broadcast %broadcast_in_dim3A_126 : f32 to vector<16xf32>
      %swap3A_128 = arith.index_cast %scan3A_105 : i32 to index
      %swap3A_129 = arith.constant 48 : index
      %swap3A_130 = tpu.vector_load %arg7[%swap3A_128, %swap3A_129] {strides = array<i32>} : memref<32x128xf32, #tpu.memory_space<vmem>>, vector<1x16xf32>,
      %swap3A_131 = vector.shape_cast %swap3A_130 : vector<1x16xf32> to vector<16xf32>
      %swap3A_132 = vector.shape_cast %broadcast_in_dim3A_127 : vector<16xf32> to vector<1x16xf32>
      tpu.vector_store %arg7[%swap3A_128, %swap3A_129], %swap3A_132 {strides = array<i32>} : memref<32x128xf32, #tpu.memory_space<vmem>>, vector<1x16xf32>,
      %broadcast_in_dim3A_133 = arith.constant 0.000000e+00 : f32
      %broadcast_in_dim3A_134 = vector.broadcast %broadcast_in_dim3A_133 : f32 to vector<16xf32>
      %swap3A_135 = arith.index_cast %scan3A_105 : i32 to index
      %swap3A_136 = arith.constant 64 : index
      %swap3A_137 = tpu.vector_load %arg7[%swap3A_135, %swap3A_136] {strides = array<i32>} : memref<32x128xf32, #tpu.memory_space<vmem>>, vector<1x16xf32>,
      %swap3A_138 = vector.shape_cast %swap3A_137 : vector<1x16xf32> to vector<16xf32>
      %swap3A_139 = vector.shape_cast %broadcast_in_dim3A_134 : vector<16xf32> to vector<1x16xf32>
      tpu.vector_store %arg7[%swap3A_135, %swap3A_136], %swap3A_139 {strides = array<i32>} : memref<32x128xf32, #tpu.memory_space<vmem>>, vector<1x16xf32>,
      %broadcast_in_dim3A_140 = arith.constant 0.000000e+00 : f32
      %broadcast_in_dim3A_141 = vector.broadcast %broadcast_in_dim3A_140 : f32 to vector<16xf32>
      %swap3A_142 = arith.index_cast %scan3A_105 : i32 to index
      %swap3A_143 = arith.constant 80 : index
      %swap3A_144 = tpu.vector_load %arg7[%swap3A_142, %swap3A_143] {strides = array<i32>} : memref<32x128xf32, #tpu.memory_space<vmem>>, vector<1x16xf32>,
      %swap3A_145 = vector.shape_cast %swap3A_144 : vector<1x16xf32> to vector<16xf32>
      %swap3A_146 = vector.shape_cast %broadcast_in_dim3A_141 : vector<16xf32> to vector<1x16xf32>
      tpu.vector_store %arg7[%swap3A_142, %swap3A_143], %swap3A_146 {strides = array<i32>} : memref<32x128xf32, #tpu.memory_space<vmem>>, vector<1x16xf32>,
      %broadcast_in_dim3A_147 = arith.constant 0.000000e+00 : f32
      %broadcast_in_dim3A_148 = vector.broadcast %broadcast_in_dim3A_147 : f32 to vector<16xf32>
      %swap3A_149 = arith.index_cast %scan3A_105 : i32 to index
      %swap3A_150 = arith.constant 96 : index
      %swap3A_151 = tpu.vector_load %arg7[%swap3A_149, %swap3A_150] {strides = array<i32>} : memref<32x128xf32, #tpu.memory_space<vmem>>, vector<1x16xf32>,
      %swap3A_152 = vector.shape_cast %swap3A_151 : vector<1x16xf32> to vector<16xf32>
      %swap3A_153 = vector.shape_cast %broadcast_in_dim3A_148 : vector<16xf32> to vector<1x16xf32>
      tpu.vector_store %arg7[%swap3A_149, %swap3A_150], %swap3A_153 {strides = array<i32>} : memref<32x128xf32, #tpu.memory_space<vmem>>, vector<1x16xf32>,
      %broadcast_in_dim3A_154 = arith.constant 0.000000e+00 : f32
      %broadcast_in_dim3A_155 = vector.broadcast %broadcast_in_dim3A_154 : f32 to vector<16xf32>
      %swap3A_156 = arith.index_cast %scan3A_105 : i32 to index
      %swap3A_157 = arith.constant 112 : index
      %swap3A_158 = tpu.vector_load %arg7[%swap3A_156, %swap3A_157] {strides = array<i32>} : memref<32x128xf32, #tpu.memory_space<vmem>>, vector<1x16xf32>,
      %swap3A_159 = vector.shape_cast %swap3A_158 : vector<1x16xf32> to vector<16xf32>
      %swap3A_160 = vector.shape_cast %broadcast_in_dim3A_155 : vector<16xf32> to vector<1x16xf32>
      tpu.vector_store %arg7[%swap3A_156, %swap3A_157], %swap3A_160 {strides = array<i32>} : memref<32x128xf32, #tpu.memory_space<vmem>>, vector<1x16xf32>,
      %scan3A_161 = arith.constant 0 : i32
      scf.yield %scan3A_161 : i32
    }
    %scan3A_6 = arith.constant 32 : i32
    %mul3A_7 = arith.constant 640 : i32
    %mul3A_8 = arith.muli %arg1, %mul3A_7 : i32
    %multiple_of3A = tpu.assume_multiple %mul3A_8, 8 : i32
    %add3A_9 = arith.constant 0 : i32
    %add3A_10 = arith.addi %multiple_of3A, %add3A_9 : i32
    "tpu.region"() ({
      %run_scoped3A_105 = tpu.sem_alloc : memref<!tpu.dma_semaphore, #tpu.memory_space<semaphore_mem>>
      %dma_start3A_106 = arith.constant 0 : i32
      %dma_start3A_107 = tpu.memref_slice %arg8[%add3A_10, %dma_start3A_106] : memref<10240x128xf32, #tpu.memory_space<vmem_shared>> -> memref<32x128xf32, #tpu.memory_space<vmem_shared>>
      %dma_start3A_108 = arith.constant 0 : i32
      %dma_start3A_109 = tpu.memref_slice %arg8[%add3A_10, %dma_start3A_108] : memref<10240x128xf32, #tpu.memory_space<vmem_shared>> -> memref<32x128xf32, #tpu.memory_space<vmem_shared>>
      tpu.enqueue_dma source(%arg7 : memref<32x128xf32, #tpu.memory_space<vmem>>) target(%dma_start3A_109 : memref<32x128xf32, #tpu.memory_space<vmem_shared>>) target_semaphore(%run_scoped3A_105 : memref<!tpu.dma_semaphore, #tpu.memory_space<semaphore_mem>>)
      %dma_wait3A_110 = arith.constant 0 : i32
      %dma_wait3A_111 = tpu.memref_slice %arg8[%add3A_10, %dma_wait3A_110] : memref<10240x128xf32, #tpu.memory_space<vmem_shared>> -> memref<32x128xf32, #tpu.memory_space<vmem_shared>>
      %dma_wait3A_112 = arith.constant 0 : i32
      %dma_wait3A_113 = tpu.memref_slice %arg8[%add3A_10, %dma_wait3A_112] : memref<10240x128xf32, #tpu.memory_space<vmem_shared>> -> memref<32x128xf32, #tpu.memory_space<vmem_shared>>
      tpu.wait_dma2 semaphore(%run_scoped3A_105 : memref<!tpu.dma_semaphore, #tpu.memory_space<semaphore_mem>>) src(%arg7 : memref<32x128xf32, #tpu.memory_space<vmem>>) dst(%dma_wait3A_113 : memref<32x128xf32, #tpu.memory_space<vmem_shared>>)
      tpu.yield
    }) : () -> ()
    %add3A_11 = arith.constant 32 : i32
    %add3A_12 = arith.addi %multiple_of3A, %add3A_11 : i32
    "tpu.region"() ({
      %run_scoped3A_105 = tpu.sem_alloc : memref<!tpu.dma_semaphore, #tpu.memory_space<semaphore_mem>>
      %dma_start3A_106 = arith.constant 0 : i32
      %dma_start3A_107 = tpu.memref_slice %arg8[%add3A_12, %dma_start3A_106] : memref<10240x128xf32, #tpu.memory_space<vmem_shared>> -> memref<32x128xf32, #tpu.memory_space<vmem_shared>>
      %dma_start3A_108 = arith.constant 0 : i32
      %dma_start3A_109 = tpu.memref_slice %arg8[%add3A_12, %dma_start3A_108] : memref<10240x128xf32, #tpu.memory_space<vmem_shared>> -> memref<32x128xf32, #tpu.memory_space<vmem_shared>>
      tpu.enqueue_dma source(%arg7 : memref<32x128xf32, #tpu.memory_space<vmem>>) target(%dma_start3A_109 : memref<32x128xf32, #tpu.memory_space<vmem_shared>>) target_semaphore(%run_scoped3A_105 : memref<!tpu.dma_semaphore, #tpu.memory_space<semaphore_mem>>)
      %dma_wait3A_110 = arith.constant 0 : i32
      %dma_wait3A_111 = tpu.memref_slice %arg8[%add3A_12, %dma_wait3A_110] : memref<10240x128xf32, #tpu.memory_space<vmem_shared>> -> memref<32x128xf32, #tpu.memory_space<vmem_shared>>
      %dma_wait3A_112 = arith.constant 0 : i32
      %dma_wait3A_113 = tpu.memref_slice %arg8[%add3A_12, %dma_wait3A_112] : memref<10240x128xf32, #tpu.memory_space<vmem_shared>> -> memref<32x128xf32, #tpu.memory_space<vmem_shared>>
      tpu.wait_dma2 semaphore(%run_scoped3A_105 : memref<!tpu.dma_semaphore, #tpu.memory_space<semaphore_mem>>) src(%arg7 : memref<32x128xf32, #tpu.memory_space<vmem>>) dst(%dma_wait3A_113 : memref<32x128xf32, #tpu.memory_space<vmem_shared>>)
      tpu.yield
    }) : () -> ()
    %add3A_13 = arith.constant 64 : i32
    %add3A_14 = arith.addi %multiple_of3A, %add3A_13 : i32
    "tpu.region"() ({
      %run_scoped3A_105 = tpu.sem_alloc : memref<!tpu.dma_semaphore, #tpu.memory_space<semaphore_mem>>
      %dma_start3A_106 = arith.constant 0 : i32
      %dma_start3A_107 = tpu.memref_slice %arg8[%add3A_14, %dma_start3A_106] : memref<10240x128xf32, #tpu.memory_space<vmem_shared>> -> memref<32x128xf32, #tpu.memory_space<vmem_shared>>
      %dma_start3A_108 = arith.constant 0 : i32
      %dma_start3A_109 = tpu.memref_slice %arg8[%add3A_14, %dma_start3A_108] : memref<10240x128xf32, #tpu.memory_space<vmem_shared>> -> memref<32x128xf32, #tpu.memory_space<vmem_shared>>
      tpu.enqueue_dma source(%arg7 : memref<32x128xf32, #tpu.memory_space<vmem>>) target(%dma_start3A_109 : memref<32x128xf32, #tpu.memory_space<vmem_shared>>) target_semaphore(%run_scoped3A_105 : memref<!tpu.dma_semaphore, #tpu.memory_space<semaphore_mem>>)
      %dma_wait3A_110 = arith.constant 0 : i32
      %dma_wait3A_111 = tpu.memref_slice %arg8[%add3A_14, %dma_wait3A_110] : memref<10240x128xf32, #tpu.memory_space<vmem_shared>> -> memref<32x128xf32, #tpu.memory_space<vmem_shared>>
      %dma_wait3A_112 = arith.constant 0 : i32
      %dma_wait3A_113 = tpu.memref_slice %arg8[%add3A_14, %dma_wait3A_112] : memref<10240x128xf32, #tpu.memory_space<vmem_shared>> -> memref<32x128xf32, #tpu.memory_space<vmem_shared>>
      tpu.wait_dma2 semaphore(%run_scoped3A_105 : memref<!tpu.dma_semaphore, #tpu.memory_space<semaphore_mem>>) src(%arg7 : memref<32x128xf32, #tpu.memory_space<vmem>>) dst(%dma_wait3A_113 : memref<32x128xf32, #tpu.memory_space<vmem_shared>>)
      tpu.yield
    }) : () -> ()
    %add3A_15 = arith.constant 96 : i32
    %add3A_16 = arith.addi %multiple_of3A, %add3A_15 : i32
    "tpu.region"() ({
      %run_scoped3A_105 = tpu.sem_alloc : memref<!tpu.dma_semaphore, #tpu.memory_space<semaphore_mem>>
      %dma_start3A_106 = arith.constant 0 : i32
      %dma_start3A_107 = tpu.memref_slice %arg8[%add3A_16, %dma_start3A_106] : memref<10240x128xf32, #tpu.memory_space<vmem_shared>> -> memref<32x128xf32, #tpu.memory_space<vmem_shared>>
      %dma_start3A_108 = arith.constant 0 : i32
      %dma_start3A_109 = tpu.memref_slice %arg8[%add3A_16, %dma_start3A_108] : memref<10240x128xf32, #tpu.memory_space<vmem_shared>> -> memref<32x128xf32, #tpu.memory_space<vmem_shared>>
      tpu.enqueue_dma source(%arg7 : memref<32x128xf32, #tpu.memory_space<vmem>>) target(%dma_start3A_109 : memref<32x128xf32, #tpu.memory_space<vmem_shared>>) target_semaphore(%run_scoped3A_105 : memref<!tpu.dma_semaphore, #tpu.memory_space<semaphore_mem>>)
      %dma_wait3A_110 = arith.constant 0 : i32
      %dma_wait3A_111 = tpu.memref_slice %arg8[%add3A_16, %dma_wait3A_110] : memref<10240x128xf32, #tpu.memory_space<vmem_shared>> -> memref<32x128xf32, #tpu.memory_space<vmem_shared>>
      %dma_wait3A_112 = arith.constant 0 : i32
      %dma_wait3A_113 = tpu.memref_slice %arg8[%add3A_16, %dma_wait3A_112] : memref<10240x128xf32, #tpu.memory_space<vmem_shared>> -> memref<32x128xf32, #tpu.memory_space<vmem_shared>>
      tpu.wait_dma2 semaphore(%run_scoped3A_105 : memref<!tpu.dma_semaphore, #tpu.memory_space<semaphore_mem>>) src(%arg7 : memref<32x128xf32, #tpu.memory_space<vmem>>) dst(%dma_wait3A_113 : memref<32x128xf32, #tpu.memory_space<vmem_shared>>)
      tpu.yield
    }) : () -> ()
    %add3A_17 = arith.constant 128 : i32
    %add3A_18 = arith.addi %multiple_of3A, %add3A_17 : i32
    "tpu.region"() ({
      %run_scoped3A_105 = tpu.sem_alloc : memref<!tpu.dma_semaphore, #tpu.memory_space<semaphore_mem>>
      %dma_start3A_106 = arith.constant 0 : i32
      %dma_start3A_107 = tpu.memref_slice %arg8[%add3A_18, %dma_start3A_106] : memref<10240x128xf32, #tpu.memory_space<vmem_shared>> -> memref<32x128xf32, #tpu.memory_space<vmem_shared>>
      %dma_start3A_108 = arith.constant 0 : i32
      %dma_start3A_109 = tpu.memref_slice %arg8[%add3A_18, %dma_start3A_108] : memref<10240x128xf32, #tpu.memory_space<vmem_shared>> -> memref<32x128xf32, #tpu.memory_space<vmem_shared>>
      tpu.enqueue_dma source(%arg7 : memref<32x128xf32, #tpu.memory_space<vmem>>) target(%dma_start3A_109 : memref<32x128xf32, #tpu.memory_space<vmem_shared>>) target_semaphore(%run_scoped3A_105 : memref<!tpu.dma_semaphore, #tpu.memory_space<semaphore_mem>>)
      %dma_wait3A_110 = arith.constant 0 : i32
      %dma_wait3A_111 = tpu.memref_slice %arg8[%add3A_18, %dma_wait3A_110] : memref<10240x128xf32, #tpu.memory_space<vmem_shared>> -> memref<32x128xf32, #tpu.memory_space<vmem_shared>>
      %dma_wait3A_112 = arith.constant 0 : i32
      %dma_wait3A_113 = tpu.memref_slice %arg8[%add3A_18, %dma_wait3A_112] : memref<10240x128xf32, #tpu.memory_space<vmem_shared>> -> memref<32x128xf32, #tpu.memory_space<vmem_shared>>
      tpu.wait_dma2 semaphore(%run_scoped3A_105 : memref<!tpu.dma_semaphore, #tpu.memory_space<semaphore_mem>>) src(%arg7 : memref<32x128xf32, #tpu.memory_space<vmem>>) dst(%dma_wait3A_113 : memref<32x128xf32, #tpu.memory_space<vmem_shared>>)
      tpu.yield
    }) : () -> ()
    %add3A_19 = arith.constant 160 : i32
    %add3A_20 = arith.addi %multiple_of3A, %add3A_19 : i32
    "tpu.region"() ({
      %run_scoped3A_105 = tpu.sem_alloc : memref<!tpu.dma_semaphore, #tpu.memory_space<semaphore_mem>>
      %dma_start3A_106 = arith.constant 0 : i32
      %dma_start3A_107 = tpu.memref_slice %arg8[%add3A_20, %dma_start3A_106] : memref<10240x128xf32, #tpu.memory_space<vmem_shared>> -> memref<32x128xf32, #tpu.memory_space<vmem_shared>>
      %dma_start3A_108 = arith.constant 0 : i32
      %dma_start3A_109 = tpu.memref_slice %arg8[%add3A_20, %dma_start3A_108] : memref<10240x128xf32, #tpu.memory_space<vmem_shared>> -> memref<32x128xf32, #tpu.memory_space<vmem_shared>>
      tpu.enqueue_dma source(%arg7 : memref<32x128xf32, #tpu.memory_space<vmem>>) target(%dma_start3A_109 : memref<32x128xf32, #tpu.memory_space<vmem_shared>>) target_semaphore(%run_scoped3A_105 : memref<!tpu.dma_semaphore, #tpu.memory_space<semaphore_mem>>)
      %dma_wait3A_110 = arith.constant 0 : i32
      %dma_wait3A_111 = tpu.memref_slice %arg8[%add3A_20, %dma_wait3A_110] : memref<10240x128xf32, #tpu.memory_space<vmem_shared>> -> memref<32x128xf32, #tpu.memory_space<vmem_shared>>
      %dma_wait3A_112 = arith.constant 0 : i32
      %dma_wait3A_113 = tpu.memref_slice %arg8[%add3A_20, %dma_wait3A_112] : memref<10240x128xf32, #tpu.memory_space<vmem_shared>> -> memref<32x128xf32, #tpu.memory_space<vmem_shared>>
      tpu.wait_dma2 semaphore(%run_scoped3A_105 : memref<!tpu.dma_semaphore, #tpu.memory_space<semaphore_mem>>) src(%arg7 : memref<32x128xf32, #tpu.memory_space<vmem>>) dst(%dma_wait3A_113 : memref<32x128xf32, #tpu.memory_space<vmem_shared>>)
      tpu.yield
    }) : () -> ()
    %add3A_21 = arith.constant 192 : i32
    %add3A_22 = arith.addi %multiple_of3A, %add3A_21 : i32
    "tpu.region"() ({
      %run_scoped3A_105 = tpu.sem_alloc : memref<!tpu.dma_semaphore, #tpu.memory_space<semaphore_mem>>
      %dma_start3A_106 = arith.constant 0 : i32
      %dma_start3A_107 = tpu.memref_slice %arg8[%add3A_22, %dma_start3A_106] : memref<10240x128xf32, #tpu.memory_space<vmem_shared>> -> memref<32x128xf32, #tpu.memory_space<vmem_shared>>
      %dma_start3A_108 = arith.constant 0 : i32
      %dma_start3A_109 = tpu.memref_slice %arg8[%add3A_22, %dma_start3A_108] : memref<10240x128xf32, #tpu.memory_space<vmem_shared>> -> memref<32x128xf32, #tpu.memory_space<vmem_shared>>
      tpu.enqueue_dma source(%arg7 : memref<32x128xf32, #tpu.memory_space<vmem>>) target(%dma_start3A_109 : memref<32x128xf32, #tpu.memory_space<vmem_shared>>) target_semaphore(%run_scoped3A_105 : memref<!tpu.dma_semaphore, #tpu.memory_space<semaphore_mem>>)
      %dma_wait3A_110 = arith.constant 0 : i32
      %dma_wait3A_111 = tpu.memref_slice %arg8[%add3A_22, %dma_wait3A_110] : memref<10240x128xf32, #tpu.memory_space<vmem_shared>> -> memref<32x128xf32, #tpu.memory_space<vmem_shared>>
      %dma_wait3A_112 = arith.constant 0 : i32
      %dma_wait3A_113 = tpu.memref_slice %arg8[%add3A_22, %dma_wait3A_112] : memref<10240x128xf32, #tpu.memory_space<vmem_shared>> -> memref<32x128xf32, #tpu.memory_space<vmem_shared>>
      tpu.wait_dma2 semaphore(%run_scoped3A_105 : memref<!tpu.dma_semaphore, #tpu.memory_space<semaphore_mem>>) src(%arg7 : memref<32x128xf32, #tpu.memory_space<vmem>>) dst(%dma_wait3A_113 : memref<32x128xf32, #tpu.memory_space<vmem_shared>>)
      tpu.yield
    }) : () -> ()
    %add3A_23 = arith.constant 224 : i32
    %add3A_24 = arith.addi %multiple_of3A, %add3A_23 : i32
    "tpu.region"() ({
      %run_scoped3A_105 = tpu.sem_alloc : memref<!tpu.dma_semaphore, #tpu.memory_space<semaphore_mem>>
      %dma_start3A_106 = arith.constant 0 : i32
      %dma_start3A_107 = tpu.memref_slice %arg8[%add3A_24, %dma_start3A_106] : memref<10240x128xf32, #tpu.memory_space<vmem_shared>> -> memref<32x128xf32, #tpu.memory_space<vmem_shared>>
      %dma_start3A_108 = arith.constant 0 : i32
      %dma_start3A_109 = tpu.memref_slice %arg8[%add3A_24, %dma_start3A_108] : memref<10240x128xf32, #tpu.memory_space<vmem_shared>> -> memref<32x128xf32, #tpu.memory_space<vmem_shared>>
      tpu.enqueue_dma source(%arg7 : memref<32x128xf32, #tpu.memory_space<vmem>>) target(%dma_start3A_109 : memref<32x128xf32, #tpu.memory_space<vmem_shared>>) target_semaphore(%run_scoped3A_105 : memref<!tpu.dma_semaphore, #tpu.memory_space<semaphore_mem>>)
      %dma_wait3A_110 = arith.constant 0 : i32
      %dma_wait3A_111 = tpu.memref_slice %arg8[%add3A_24, %dma_wait3A_110] : memref<10240x128xf32, #tpu.memory_space<vmem_shared>> -> memref<32x128xf32, #tpu.memory_space<vmem_shared>>
      %dma_wait3A_112 = arith.constant 0 : i32
      %dma_wait3A_113 = tpu.memref_slice %arg8[%add3A_24, %dma_wait3A_112] : memref<10240x128xf32, #tpu.memory_space<vmem_shared>> -> memref<32x128xf32, #tpu.memory_space<vmem_shared>>
      tpu.wait_dma2 semaphore(%run_scoped3A_105 : memref<!tpu.dma_semaphore, #tpu.memory_space<semaphore_mem>>) src(%arg7 : memref<32x128xf32, #tpu.memory_space<vmem>>) dst(%dma_wait3A_113 : memref<32x128xf32, #tpu.memory_space<vmem_shared>>)
      tpu.yield
    }) : () -> ()
    %add3A_25 = arith.constant 256 : i32
    %add3A_26 = arith.addi %multiple_of3A, %add3A_25 : i32
    "tpu.region"() ({
      %run_scoped3A_105 = tpu.sem_alloc : memref<!tpu.dma_semaphore, #tpu.memory_space<semaphore_mem>>
      %dma_start3A_106 = arith.constant 0 : i32
      %dma_start3A_107 = tpu.memref_slice %arg8[%add3A_26, %dma_start3A_106] : memref<10240x128xf32, #tpu.memory_space<vmem_shared>> -> memref<32x128xf32, #tpu.memory_space<vmem_shared>>
      %dma_start3A_108 = arith.constant 0 : i32
      %dma_start3A_109 = tpu.memref_slice %arg8[%add3A_26, %dma_start3A_108] : memref<10240x128xf32, #tpu.memory_space<vmem_shared>> -> memref<32x128xf32, #tpu.memory_space<vmem_shared>>
      tpu.enqueue_dma source(%arg7 : memref<32x128xf32, #tpu.memory_space<vmem>>) target(%dma_start3A_109 : memref<32x128xf32, #tpu.memory_space<vmem_shared>>) target_semaphore(%run_scoped3A_105 : memref<!tpu.dma_semaphore, #tpu.memory_space<semaphore_mem>>)
      %dma_wait3A_110 = arith.constant 0 : i32
      %dma_wait3A_111 = tpu.memref_slice %arg8[%add3A_26, %dma_wait3A_110] : memref<10240x128xf32, #tpu.memory_space<vmem_shared>> -> memref<32x128xf32, #tpu.memory_space<vmem_shared>>
      %dma_wait3A_112 = arith.constant 0 : i32
      %dma_wait3A_113 = tpu.memref_slice %arg8[%add3A_26, %dma_wait3A_112] : memref<10240x128xf32, #tpu.memory_space<vmem_shared>> -> memref<32x128xf32, #tpu.memory_space<vmem_shared>>
      tpu.wait_dma2 semaphore(%run_scoped3A_105 : memref<!tpu.dma_semaphore, #tpu.memory_space<semaphore_mem>>) src(%arg7 : memref<32x128xf32, #tpu.memory_space<vmem>>) dst(%dma_wait3A_113 : memref<32x128xf32, #tpu.memory_space<vmem_shared>>)
      tpu.yield
    }) : () -> ()
    %add3A_27 = arith.constant 288 : i32
    %add3A_28 = arith.addi %multiple_of3A, %add3A_27 : i32
    "tpu.region"() ({
      %run_scoped3A_105 = tpu.sem_alloc : memref<!tpu.dma_semaphore, #tpu.memory_space<semaphore_mem>>
      %dma_start3A_106 = arith.constant 0 : i32
      %dma_start3A_107 = tpu.memref_slice %arg8[%add3A_28, %dma_start3A_106] : memref<10240x128xf32, #tpu.memory_space<vmem_shared>> -> memref<32x128xf32, #tpu.memory_space<vmem_shared>>
      %dma_start3A_108 = arith.constant 0 : i32
      %dma_start3A_109 = tpu.memref_slice %arg8[%add3A_28, %dma_start3A_108] : memref<10240x128xf32, #tpu.memory_space<vmem_shared>> -> memref<32x128xf32, #tpu.memory_space<vmem_shared>>
      tpu.enqueue_dma source(%arg7 : memref<32x128xf32, #tpu.memory_space<vmem>>) target(%dma_start3A_109 : memref<32x128xf32, #tpu.memory_space<vmem_shared>>) target_semaphore(%run_scoped3A_105 : memref<!tpu.dma_semaphore, #tpu.memory_space<semaphore_mem>>)
      %dma_wait3A_110 = arith.constant 0 : i32
      %dma_wait3A_111 = tpu.memref_slice %arg8[%add3A_28, %dma_wait3A_110] : memref<10240x128xf32, #tpu.memory_space<vmem_shared>> -> memref<32x128xf32, #tpu.memory_space<vmem_shared>>
      %dma_wait3A_112 = arith.constant 0 : i32
      %dma_wait3A_113 = tpu.memref_slice %arg8[%add3A_28, %dma_wait3A_112] : memref<10240x128xf32, #tpu.memory_space<vmem_shared>> -> memref<32x128xf32, #tpu.memory_space<vmem_shared>>
      tpu.wait_dma2 semaphore(%run_scoped3A_105 : memref<!tpu.dma_semaphore, #tpu.memory_space<semaphore_mem>>) src(%arg7 : memref<32x128xf32, #tpu.memory_space<vmem>>) dst(%dma_wait3A_113 : memref<32x128xf32, #tpu.memory_space<vmem_shared>>)
      tpu.yield
    }) : () -> ()
    %add3A_29 = arith.constant 320 : i32
    %add3A_30 = arith.addi %multiple_of3A, %add3A_29 : i32
    "tpu.region"() ({
      %run_scoped3A_105 = tpu.sem_alloc : memref<!tpu.dma_semaphore, #tpu.memory_space<semaphore_mem>>
      %dma_start3A_106 = arith.constant 0 : i32
      %dma_start3A_107 = tpu.memref_slice %arg8[%add3A_30, %dma_start3A_106] : memref<10240x128xf32, #tpu.memory_space<vmem_shared>> -> memref<32x128xf32, #tpu.memory_space<vmem_shared>>
      %dma_start3A_108 = arith.constant 0 : i32
      %dma_start3A_109 = tpu.memref_slice %arg8[%add3A_30, %dma_start3A_108] : memref<10240x128xf32, #tpu.memory_space<vmem_shared>> -> memref<32x128xf32, #tpu.memory_space<vmem_shared>>
      tpu.enqueue_dma source(%arg7 : memref<32x128xf32, #tpu.memory_space<vmem>>) target(%dma_start3A_109 : memref<32x128xf32, #tpu.memory_space<vmem_shared>>) target_semaphore(%run_scoped3A_105 : memref<!tpu.dma_semaphore, #tpu.memory_space<semaphore_mem>>)
      %dma_wait3A_110 = arith.constant 0 : i32
      %dma_wait3A_111 = tpu.memref_slice %arg8[%add3A_30, %dma_wait3A_110] : memref<10240x128xf32, #tpu.memory_space<vmem_shared>> -> memref<32x128xf32, #tpu.memory_space<vmem_shared>>
      %dma_wait3A_112 = arith.constant 0 : i32
      %dma_wait3A_113 = tpu.memref_slice %arg8[%add3A_30, %dma_wait3A_112] : memref<10240x128xf32, #tpu.memory_space<vmem_shared>> -> memref<32x128xf32, #tpu.memory_space<vmem_shared>>
      tpu.wait_dma2 semaphore(%run_scoped3A_105 : memref<!tpu.dma_semaphore, #tpu.memory_space<semaphore_mem>>) src(%arg7 : memref<32x128xf32, #tpu.memory_space<vmem>>) dst(%dma_wait3A_113 : memref<32x128xf32, #tpu.memory_space<vmem_shared>>)
      tpu.yield
    }) : () -> ()
    %add3A_31 = arith.constant 352 : i32
    %add3A_32 = arith.addi %multiple_of3A, %add3A_31 : i32
    "tpu.region"() ({
      %run_scoped3A_105 = tpu.sem_alloc : memref<!tpu.dma_semaphore, #tpu.memory_space<semaphore_mem>>
      %dma_start3A_106 = arith.constant 0 : i32
      %dma_start3A_107 = tpu.memref_slice %arg8[%add3A_32, %dma_start3A_106] : memref<10240x128xf32, #tpu.memory_space<vmem_shared>> -> memref<32x128xf32, #tpu.memory_space<vmem_shared>>
      %dma_start3A_108 = arith.constant 0 : i32
      %dma_start3A_109 = tpu.memref_slice %arg8[%add3A_32, %dma_start3A_108] : memref<10240x128xf32, #tpu.memory_space<vmem_shared>> -> memref<32x128xf32, #tpu.memory_space<vmem_shared>>
      tpu.enqueue_dma source(%arg7 : memref<32x128xf32, #tpu.memory_space<vmem>>) target(%dma_start3A_109 : memref<32x128xf32, #tpu.memory_space<vmem_shared>>) target_semaphore(%run_scoped3A_105 : memref<!tpu.dma_semaphore, #tpu.memory_space<semaphore_mem>>)
      %dma_wait3A_110 = arith.constant 0 : i32
      %dma_wait3A_111 = tpu.memref_slice %arg8[%add3A_32, %dma_wait3A_110] : memref<10240x128xf32, #tpu.memory_space<vmem_shared>> -> memref<32x128xf32, #tpu.memory_space<vmem_shared>>
      %dma_wait3A_112 = arith.constant 0 : i32
      %dma_wait3A_113 = tpu.memref_slice %arg8[%add3A_32, %dma_wait3A_112] : memref<10240x128xf32, #tpu.memory_space<vmem_shared>> -> memref<32x128xf32, #tpu.memory_space<vmem_shared>>
      tpu.wait_dma2 semaphore(%run_scoped3A_105 : memref<!tpu.dma_semaphore, #tpu.memory_space<semaphore_mem>>) src(%arg7 : memref<32x128xf32, #tpu.memory_space<vmem>>) dst(%dma_wait3A_113 : memref<32x128xf32, #tpu.memory_space<vmem_shared>>)
      tpu.yield
    }) : () -> ()
    %add3A_33 = arith.constant 384 : i32
    %add3A_34 = arith.addi %multiple_of3A, %add3A_33 : i32
    "tpu.region"() ({
      %run_scoped3A_105 = tpu.sem_alloc : memref<!tpu.dma_semaphore, #tpu.memory_space<semaphore_mem>>
      %dma_start3A_106 = arith.constant 0 : i32
      %dma_start3A_107 = tpu.memref_slice %arg8[%add3A_34, %dma_start3A_106] : memref<10240x128xf32, #tpu.memory_space<vmem_shared>> -> memref<32x128xf32, #tpu.memory_space<vmem_shared>>
      %dma_start3A_108 = arith.constant 0 : i32
      %dma_start3A_109 = tpu.memref_slice %arg8[%add3A_34, %dma_start3A_108] : memref<10240x128xf32, #tpu.memory_space<vmem_shared>> -> memref<32x128xf32, #tpu.memory_space<vmem_shared>>
      tpu.enqueue_dma source(%arg7 : memref<32x128xf32, #tpu.memory_space<vmem>>) target(%dma_start3A_109 : memref<32x128xf32, #tpu.memory_space<vmem_shared>>) target_semaphore(%run_scoped3A_105 : memref<!tpu.dma_semaphore, #tpu.memory_space<semaphore_mem>>)
      %dma_wait3A_110 = arith.constant 0 : i32
      %dma_wait3A_111 = tpu.memref_slice %arg8[%add3A_34, %dma_wait3A_110] : memref<10240x128xf32, #tpu.memory_space<vmem_shared>> -> memref<32x128xf32, #tpu.memory_space<vmem_shared>>
      %dma_wait3A_112 = arith.constant 0 : i32
      %dma_wait3A_113 = tpu.memref_slice %arg8[%add3A_34, %dma_wait3A_112] : memref<10240x128xf32, #tpu.memory_space<vmem_shared>> -> memref<32x128xf32, #tpu.memory_space<vmem_shared>>
      tpu.wait_dma2 semaphore(%run_scoped3A_105 : memref<!tpu.dma_semaphore, #tpu.memory_space<semaphore_mem>>) src(%arg7 : memref<32x128xf32, #tpu.memory_space<vmem>>) dst(%dma_wait3A_113 : memref<32x128xf32, #tpu.memory_space<vmem_shared>>)
      tpu.yield
    }) : () -> ()
    %add3A_35 = arith.constant 416 : i32
    %add3A_36 = arith.addi %multiple_of3A, %add3A_35 : i32
    "tpu.region"() ({
      %run_scoped3A_105 = tpu.sem_alloc : memref<!tpu.dma_semaphore, #tpu.memory_space<semaphore_mem>>
      %dma_start3A_106 = arith.constant 0 : i32
      %dma_start3A_107 = tpu.memref_slice %arg8[%add3A_36, %dma_start3A_106] : memref<10240x128xf32, #tpu.memory_space<vmem_shared>> -> memref<32x128xf32, #tpu.memory_space<vmem_shared>>
      %dma_start3A_108 = arith.constant 0 : i32
      %dma_start3A_109 = tpu.memref_slice %arg8[%add3A_36, %dma_start3A_108] : memref<10240x128xf32, #tpu.memory_space<vmem_shared>> -> memref<32x128xf32, #tpu.memory_space<vmem_shared>>
      tpu.enqueue_dma source(%arg7 : memref<32x128xf32, #tpu.memory_space<vmem>>) target(%dma_start3A_109 : memref<32x128xf32, #tpu.memory_space<vmem_shared>>) target_semaphore(%run_scoped3A_105 : memref<!tpu.dma_semaphore, #tpu.memory_space<semaphore_mem>>)
      %dma_wait3A_110 = arith.constant 0 : i32
      %dma_wait3A_111 = tpu.memref_slice %arg8[%add3A_36, %dma_wait3A_110] : memref<10240x128xf32, #tpu.memory_space<vmem_shared>> -> memref<32x128xf32, #tpu.memory_space<vmem_shared>>
      %dma_wait3A_112 = arith.constant 0 : i32
      %dma_wait3A_113 = tpu.memref_slice %arg8[%add3A_36, %dma_wait3A_112] : memref<10240x128xf32, #tpu.memory_space<vmem_shared>> -> memref<32x128xf32, #tpu.memory_space<vmem_shared>>
      tpu.wait_dma2 semaphore(%run_scoped3A_105 : memref<!tpu.dma_semaphore, #tpu.memory_space<semaphore_mem>>) src(%arg7 : memref<32x128xf32, #tpu.memory_space<vmem>>) dst(%dma_wait3A_113 : memref<32x128xf32, #tpu.memory_space<vmem_shared>>)
      tpu.yield
    }) : () -> ()
    %add3A_37 = arith.constant 448 : i32
    %add3A_38 = arith.addi %multiple_of3A, %add3A_37 : i32
    "tpu.region"() ({
      %run_scoped3A_105 = tpu.sem_alloc : memref<!tpu.dma_semaphore, #tpu.memory_space<semaphore_mem>>
      %dma_start3A_106 = arith.constant 0 : i32
      %dma_start3A_107 = tpu.memref_slice %arg8[%add3A_38, %dma_start3A_106] : memref<10240x128xf32, #tpu.memory_space<vmem_shared>> -> memref<32x128xf32, #tpu.memory_space<vmem_shared>>
      %dma_start3A_108 = arith.constant 0 : i32
      %dma_start3A_109 = tpu.memref_slice %arg8[%add3A_38, %dma_start3A_108] : memref<10240x128xf32, #tpu.memory_space<vmem_shared>> -> memref<32x128xf32, #tpu.memory_space<vmem_shared>>
      tpu.enqueue_dma source(%arg7 : memref<32x128xf32, #tpu.memory_space<vmem>>) target(%dma_start3A_109 : memref<32x128xf32, #tpu.memory_space<vmem_shared>>) target_semaphore(%run_scoped3A_105 : memref<!tpu.dma_semaphore, #tpu.memory_space<semaphore_mem>>)
      %dma_wait3A_110 = arith.constant 0 : i32
      %dma_wait3A_111 = tpu.memref_slice %arg8[%add3A_38, %dma_wait3A_110] : memref<10240x128xf32, #tpu.memory_space<vmem_shared>> -> memref<32x128xf32, #tpu.memory_space<vmem_shared>>
      %dma_wait3A_112 = arith.constant 0 : i32
      %dma_wait3A_113 = tpu.memref_slice %arg8[%add3A_38, %dma_wait3A_112] : memref<10240x128xf32, #tpu.memory_space<vmem_shared>> -> memref<32x128xf32, #tpu.memory_space<vmem_shared>>
      tpu.wait_dma2 semaphore(%run_scoped3A_105 : memref<!tpu.dma_semaphore, #tpu.memory_space<semaphore_mem>>) src(%arg7 : memref<32x128xf32, #tpu.memory_space<vmem>>) dst(%dma_wait3A_113 : memref<32x128xf32, #tpu.memory_space<vmem_shared>>)
      tpu.yield
    }) : () -> ()
    %add3A_39 = arith.constant 480 : i32
    %add3A_40 = arith.addi %multiple_of3A, %add3A_39 : i32
    "tpu.region"() ({
      %run_scoped3A_105 = tpu.sem_alloc : memref<!tpu.dma_semaphore, #tpu.memory_space<semaphore_mem>>
      %dma_start3A_106 = arith.constant 0 : i32
      %dma_start3A_107 = tpu.memref_slice %arg8[%add3A_40, %dma_start3A_106] : memref<10240x128xf32, #tpu.memory_space<vmem_shared>> -> memref<32x128xf32, #tpu.memory_space<vmem_shared>>
      %dma_start3A_108 = arith.constant 0 : i32
      %dma_start3A_109 = tpu.memref_slice %arg8[%add3A_40, %dma_start3A_108] : memref<10240x128xf32, #tpu.memory_space<vmem_shared>> -> memref<32x128xf32, #tpu.memory_space<vmem_shared>>
      tpu.enqueue_dma source(%arg7 : memref<32x128xf32, #tpu.memory_space<vmem>>) target(%dma_start3A_109 : memref<32x128xf32, #tpu.memory_space<vmem_shared>>) target_semaphore(%run_scoped3A_105 : memref<!tpu.dma_semaphore, #tpu.memory_space<semaphore_mem>>)
      %dma_wait3A_110 = arith.constant 0 : i32
      %dma_wait3A_111 = tpu.memref_slice %arg8[%add3A_40, %dma_wait3A_110] : memref<10240x128xf32, #tpu.memory_space<vmem_shared>> -> memref<32x128xf32, #tpu.memory_space<vmem_shared>>
      %dma_wait3A_112 = arith.constant 0 : i32
      %dma_wait3A_113 = tpu.memref_slice %arg8[%add3A_40, %dma_wait3A_112] : memref<10240x128xf32, #tpu.memory_space<vmem_shared>> -> memref<32x128xf32, #tpu.memory_space<vmem_shared>>
      tpu.wait_dma2 semaphore(%run_scoped3A_105 : memref<!tpu.dma_semaphore, #tpu.memory_space<semaphore_mem>>) src(%arg7 : memref<32x128xf32, #tpu.memory_space<vmem>>) dst(%dma_wait3A_113 : memref<32x128xf32, #tpu.memory_space<vmem_shared>>)
      tpu.yield
    }) : () -> ()
    %add3A_41 = arith.constant 512 : i32
    %add3A_42 = arith.addi %multiple_of3A, %add3A_41 : i32
    "tpu.region"() ({
      %run_scoped3A_105 = tpu.sem_alloc : memref<!tpu.dma_semaphore, #tpu.memory_space<semaphore_mem>>
      %dma_start3A_106 = arith.constant 0 : i32
      %dma_start3A_107 = tpu.memref_slice %arg8[%add3A_42, %dma_start3A_106] : memref<10240x128xf32, #tpu.memory_space<vmem_shared>> -> memref<32x128xf32, #tpu.memory_space<vmem_shared>>
      %dma_start3A_108 = arith.constant 0 : i32
      %dma_start3A_109 = tpu.memref_slice %arg8[%add3A_42, %dma_start3A_108] : memref<10240x128xf32, #tpu.memory_space<vmem_shared>> -> memref<32x128xf32, #tpu.memory_space<vmem_shared>>
      tpu.enqueue_dma source(%arg7 : memref<32x128xf32, #tpu.memory_space<vmem>>) target(%dma_start3A_109 : memref<32x128xf32, #tpu.memory_space<vmem_shared>>) target_semaphore(%run_scoped3A_105 : memref<!tpu.dma_semaphore, #tpu.memory_space<semaphore_mem>>)
      %dma_wait3A_110 = arith.constant 0 : i32
      %dma_wait3A_111 = tpu.memref_slice %arg8[%add3A_42, %dma_wait3A_110] : memref<10240x128xf32, #tpu.memory_space<vmem_shared>> -> memref<32x128xf32, #tpu.memory_space<vmem_shared>>
      %dma_wait3A_112 = arith.constant 0 : i32
      %dma_wait3A_113 = tpu.memref_slice %arg8[%add3A_42, %dma_wait3A_112] : memref<10240x128xf32, #tpu.memory_space<vmem_shared>> -> memref<32x128xf32, #tpu.memory_space<vmem_shared>>
      tpu.wait_dma2 semaphore(%run_scoped3A_105 : memref<!tpu.dma_semaphore, #tpu.memory_space<semaphore_mem>>) src(%arg7 : memref<32x128xf32, #tpu.memory_space<vmem>>) dst(%dma_wait3A_113 : memref<32x128xf32, #tpu.memory_space<vmem_shared>>)
      tpu.yield
    }) : () -> ()
    %add3A_43 = arith.constant 544 : i32
    %add3A_44 = arith.addi %multiple_of3A, %add3A_43 : i32
    "tpu.region"() ({
      %run_scoped3A_105 = tpu.sem_alloc : memref<!tpu.dma_semaphore, #tpu.memory_space<semaphore_mem>>
      %dma_start3A_106 = arith.constant 0 : i32
      %dma_start3A_107 = tpu.memref_slice %arg8[%add3A_44, %dma_start3A_106] : memref<10240x128xf32, #tpu.memory_space<vmem_shared>> -> memref<32x128xf32, #tpu.memory_space<vmem_shared>>
      %dma_start3A_108 = arith.constant 0 : i32
      %dma_start3A_109 = tpu.memref_slice %arg8[%add3A_44, %dma_start3A_108] : memref<10240x128xf32, #tpu.memory_space<vmem_shared>> -> memref<32x128xf32, #tpu.memory_space<vmem_shared>>
      tpu.enqueue_dma source(%arg7 : memref<32x128xf32, #tpu.memory_space<vmem>>) target(%dma_start3A_109 : memref<32x128xf32, #tpu.memory_space<vmem_shared>>) target_semaphore(%run_scoped3A_105 : memref<!tpu.dma_semaphore, #tpu.memory_space<semaphore_mem>>)
      %dma_wait3A_110 = arith.constant 0 : i32
      %dma_wait3A_111 = tpu.memref_slice %arg8[%add3A_44, %dma_wait3A_110] : memref<10240x128xf32, #tpu.memory_space<vmem_shared>> -> memref<32x128xf32, #tpu.memory_space<vmem_shared>>
      %dma_wait3A_112 = arith.constant 0 : i32
      %dma_wait3A_113 = tpu.memref_slice %arg8[%add3A_44, %dma_wait3A_112] : memref<10240x128xf32, #tpu.memory_space<vmem_shared>> -> memref<32x128xf32, #tpu.memory_space<vmem_shared>>
      tpu.wait_dma2 semaphore(%run_scoped3A_105 : memref<!tpu.dma_semaphore, #tpu.memory_space<semaphore_mem>>) src(%arg7 : memref<32x128xf32, #tpu.memory_space<vmem>>) dst(%dma_wait3A_113 : memref<32x128xf32, #tpu.memory_space<vmem_shared>>)
      tpu.yield
    }) : () -> ()
    %add3A_45 = arith.constant 576 : i32
    %add3A_46 = arith.addi %multiple_of3A, %add3A_45 : i32
    "tpu.region"() ({
      %run_scoped3A_105 = tpu.sem_alloc : memref<!tpu.dma_semaphore, #tpu.memory_space<semaphore_mem>>
      %dma_start3A_106 = arith.constant 0 : i32
      %dma_start3A_107 = tpu.memref_slice %arg8[%add3A_46, %dma_start3A_106] : memref<10240x128xf32, #tpu.memory_space<vmem_shared>> -> memref<32x128xf32, #tpu.memory_space<vmem_shared>>
      %dma_start3A_108 = arith.constant 0 : i32
      %dma_start3A_109 = tpu.memref_slice %arg8[%add3A_46, %dma_start3A_108] : memref<10240x128xf32, #tpu.memory_space<vmem_shared>> -> memref<32x128xf32, #tpu.memory_space<vmem_shared>>
      tpu.enqueue_dma source(%arg7 : memref<32x128xf32, #tpu.memory_space<vmem>>) target(%dma_start3A_109 : memref<32x128xf32, #tpu.memory_space<vmem_shared>>) target_semaphore(%run_scoped3A_105 : memref<!tpu.dma_semaphore, #tpu.memory_space<semaphore_mem>>)
      %dma_wait3A_110 = arith.constant 0 : i32
      %dma_wait3A_111 = tpu.memref_slice %arg8[%add3A_46, %dma_wait3A_110] : memref<10240x128xf32, #tpu.memory_space<vmem_shared>> -> memref<32x128xf32, #tpu.memory_space<vmem_shared>>
      %dma_wait3A_112 = arith.constant 0 : i32
      %dma_wait3A_113 = tpu.memref_slice %arg8[%add3A_46, %dma_wait3A_112] : memref<10240x128xf32, #tpu.memory_space<vmem_shared>> -> memref<32x128xf32, #tpu.memory_space<vmem_shared>>
      tpu.wait_dma2 semaphore(%run_scoped3A_105 : memref<!tpu.dma_semaphore, #tpu.memory_space<semaphore_mem>>) src(%arg7 : memref<32x128xf32, #tpu.memory_space<vmem>>) dst(%dma_wait3A_113 : memref<32x128xf32, #tpu.memory_space<vmem_shared>>)
      tpu.yield
    }) : () -> ()
    %add3A_47 = arith.constant 608 : i32
    %add3A_48 = arith.addi %multiple_of3A, %add3A_47 : i32
    "tpu.region"() ({
      %run_scoped3A_105 = tpu.sem_alloc : memref<!tpu.dma_semaphore, #tpu.memory_space<semaphore_mem>>
      %dma_start3A_106 = arith.constant 0 : i32
      %dma_start3A_107 = tpu.memref_slice %arg8[%add3A_48, %dma_start3A_106] : memref<10240x128xf32, #tpu.memory_space<vmem_shared>> -> memref<32x128xf32, #tpu.memory_space<vmem_shared>>
      %dma_start3A_108 = arith.constant 0 : i32
      %dma_start3A_109 = tpu.memref_slice %arg8[%add3A_48, %dma_start3A_108] : memref<10240x128xf32, #tpu.memory_space<vmem_shared>> -> memref<32x128xf32, #tpu.memory_space<vmem_shared>>
      tpu.enqueue_dma source(%arg7 : memref<32x128xf32, #tpu.memory_space<vmem>>) target(%dma_start3A_109 : memref<32x128xf32, #tpu.memory_space<vmem_shared>>) target_semaphore(%run_scoped3A_105 : memref<!tpu.dma_semaphore, #tpu.memory_space<semaphore_mem>>)
      %dma_wait3A_110 = arith.constant 0 : i32
      %dma_wait3A_111 = tpu.memref_slice %arg8[%add3A_48, %dma_wait3A_110] : memref<10240x128xf32, #tpu.memory_space<vmem_shared>> -> memref<32x128xf32, #tpu.memory_space<vmem_shared>>
      %dma_wait3A_112 = arith.constant 0 : i32
      %dma_wait3A_113 = tpu.memref_slice %arg8[%add3A_48, %dma_wait3A_112] : memref<10240x128xf32, #tpu.memory_space<vmem_shared>> -> memref<32x128xf32, #tpu.memory_space<vmem_shared>>
      tpu.wait_dma2 semaphore(%run_scoped3A_105 : memref<!tpu.dma_semaphore, #tpu.memory_space<semaphore_mem>>) src(%arg7 : memref<32x128xf32, #tpu.memory_space<vmem>>) dst(%dma_wait3A_113 : memref<32x128xf32, #tpu.memory_space<vmem_shared>>)
      tpu.yield
    }) : () -> ()
    %barrier3A = arith.constant 0 : index
    tpu.barrier barrier_id(%barrier3A)
    "tpu.region"() ({
      %run_scoped3A_105 = tpu.sem_alloc : memref<!tpu.dma_semaphore, #tpu.memory_space<semaphore_mem>>
      %dma_start3A_106 = arith.constant 0 : i32
      %dma_start3A_107 = arith.constant 0 : i32
      %dma_start3A_108 = tpu.memref_slice %arg3[%add3A, %dma_start3A_106, %dma_start3A_107] : memref<32x5x128xi32, #tpu.memory_space<hbm>> -> memref<1x5x128xi32, #tpu.memory_space<hbm>>
      %dma_start3A_109 = tpu.memref_squeeze %dma_start3A_108 : memref<1x5x128xi32, #tpu.memory_space<hbm>> -> memref<5x128xi32, #tpu.memory_space<hbm>>
      %dma_start3A_110 = arith.constant 0 : i32
      %dma_start3A_111 = arith.constant 0 : i32
      %dma_start3A_112 = tpu.memref_slice %arg3[%add3A, %dma_start3A_110, %dma_start3A_111] : memref<32x5x128xi32, #tpu.memory_space<hbm>> -> memref<1x5x128xi32, #tpu.memory_space<hbm>>
      %dma_start3A_113 = tpu.memref_squeeze %dma_start3A_112 : memref<1x5x128xi32, #tpu.memory_space<hbm>> -> memref<5x128xi32, #tpu.memory_space<hbm>>
      tpu.enqueue_dma source(%dma_start3A_113 : memref<5x128xi32, #tpu.memory_space<hbm>>) target(%arg5 : memref<5x128xi32, #tpu.memory_space<vmem>>) target_semaphore(%run_scoped3A_105 : memref<!tpu.dma_semaphore, #tpu.memory_space<semaphore_mem>>)
      %dma_wait3A_114 = arith.constant 0 : i32
      %dma_wait3A_115 = arith.constant 0 : i32
      %dma_wait3A_116 = tpu.memref_slice %arg3[%add3A, %dma_wait3A_114, %dma_wait3A_115] : memref<32x5x128xi32, #tpu.memory_space<hbm>> -> memref<1x5x128xi32, #tpu.memory_space<hbm>>
      %dma_wait3A_117 = tpu.memref_squeeze %dma_wait3A_116 : memref<1x5x128xi32, #tpu.memory_space<hbm>> -> memref<5x128xi32, #tpu.memory_space<hbm>>
      %dma_wait3A_118 = arith.constant 0 : i32
      %dma_wait3A_119 = arith.constant 0 : i32
      %dma_wait3A_120 = tpu.memref_slice %arg3[%add3A, %dma_wait3A_118, %dma_wait3A_119] : memref<32x5x128xi32, #tpu.memory_space<hbm>> -> memref<1x5x128xi32, #tpu.memory_space<hbm>>
      %dma_wait3A_121 = tpu.memref_squeeze %dma_wait3A_120 : memref<1x5x128xi32, #tpu.memory_space<hbm>> -> memref<5x128xi32, #tpu.memory_space<hbm>>
      tpu.wait_dma2 semaphore(%run_scoped3A_105 : memref<!tpu.dma_semaphore, #tpu.memory_space<semaphore_mem>>) src(%dma_wait3A_121 : memref<5x128xi32, #tpu.memory_space<hbm>>) dst(%arg5 : memref<5x128xi32, #tpu.memory_space<vmem>>)
      tpu.yield
    }) : () -> ()
    %mul3A_49 = arith.constant 640 : i32
    %mul3A_50 = arith.muli %add3A, %mul3A_49 : i32
    %multiple_of3A_51 = tpu.assume_multiple %mul3A_50, 8 : i32
    %add3A_52 = arith.constant 0 : i32
    %add3A_53 = arith.addi %multiple_of3A_51, %add3A_52 : i32
    %dma_start3A = arith.constant 0 : i32
    %dma_start3A_54 = tpu.memref_slice %arg2[%add3A_53, %dma_start3A] : memref<20480x128xf32, #tpu.memory_space<hbm>> -> memref<128x128xf32, #tpu.memory_space<hbm>>
    %dma_start3A_55 = arith.constant 0 : i32
    %dma_start3A_56 = tpu.memref_slice %arg2[%add3A_53, %dma_start3A_55] : memref<20480x128xf32, #tpu.memory_space<hbm>> -> memref<128x128xf32, #tpu.memory_space<hbm>>
    tpu.enqueue_dma source(%dma_start3A_56 : memref<128x128xf32, #tpu.memory_space<hbm>>) target(%arg6 : memref<128x128xf32, #tpu.memory_space<vmem>>) target_semaphore(%arg9 : memref<!tpu.dma_semaphore, #tpu.memory_space<semaphore_mem>>)
    %dma_wait3A = arith.constant 0 : i32
    %dma_wait3A_57 = tpu.memref_slice %arg2[%add3A_53, %dma_wait3A] : memref<20480x128xf32, #tpu.memory_space<hbm>> -> memref<128x128xf32, #tpu.memory_space<hbm>>
    %dma_wait3A_58 = arith.constant 0 : i32
    %dma_wait3A_59 = tpu.memref_slice %arg2[%add3A_53, %dma_wait3A_58] : memref<20480x128xf32, #tpu.memory_space<hbm>> -> memref<128x128xf32, #tpu.memory_space<hbm>>
    tpu.wait_dma2 semaphore(%arg9 : memref<!tpu.dma_semaphore, #tpu.memory_space<semaphore_mem>>) src(%dma_wait3A_59 : memref<128x128xf32, #tpu.memory_space<hbm>>) dst(%arg6 : memref<128x128xf32, #tpu.memory_space<vmem>>)
    %run_scoped3A = arith.constant 0 : i32
    "tpu.region"() ({
      %run_scoped3A_105 = tpu.sem_alloc : memref<!tpu.dma_semaphore, #tpu.memory_space<semaphore_mem>>
      %dma_start3A_106 = arith.constant 0 : i32
      %dma_start3A_107 = tpu.memref_slice %arg5[%run_scoped3A, %dma_start3A_106] : memref<5x128xi32, #tpu.memory_space<vmem>> -> memref<1x128xi32, #tpu.memory_space<vmem>>
      %dma_start3A_108 = tpu.memref_squeeze %dma_start3A_107 : memref<1x128xi32, #tpu.memory_space<vmem>> -> memref<128xi32, #tpu.memory_space<vmem>>
      %dma_start3A_109 = arith.constant 0 : i32
      %dma_start3A_110 = arith.constant 0 : i32
      %dma_start3A_111 = tpu.memref_slice %arg8[%dma_start3A_109, %dma_start3A_110] : memref<10240x128xf32, #tpu.memory_space<vmem_shared>> -> memref<10240x128xf32, #tpu.memory_space<vmem_shared>>
      tpu.enqueue_indirect_dma source(%arg6 : memref<128x128xf32, #tpu.memory_space<vmem>>) target(%dma_start3A_111 : memref<10240x128xf32, #tpu.memory_space<vmem_shared>>) offsets(%dma_start3A_108 : memref<128xi32, #tpu.memory_space<vmem>>) semaphore(%run_scoped3A_105 : memref<!tpu.dma_semaphore, #tpu.memory_space<semaphore_mem>>) {add = true}
      %dma_wait3A_112 = arith.constant 0 : i32
      %dma_wait3A_113 = tpu.memref_slice %arg5[%run_scoped3A, %dma_wait3A_112] : memref<5x128xi32, #tpu.memory_space<vmem>> -> memref<1x128xi32, #tpu.memory_space<vmem>>
      %dma_wait3A_114 = tpu.memref_squeeze %dma_wait3A_113 : memref<1x128xi32, #tpu.memory_space<vmem>> -> memref<128xi32, #tpu.memory_space<vmem>>
      %dma_wait3A_115 = arith.constant 0 : i32
      %dma_wait3A_116 = arith.constant 0 : i32
      %dma_wait3A_117 = tpu.memref_slice %arg8[%dma_wait3A_115, %dma_wait3A_116] : memref<10240x128xf32, #tpu.memory_space<vmem_shared>> -> memref<10240x128xf32, #tpu.memory_space<vmem_shared>>
      tpu.wait_indirect_dma semaphore(%run_scoped3A_105 : memref<!tpu.dma_semaphore, #tpu.memory_space<semaphore_mem>>) src(%arg6 : memref<128x128xf32, #tpu.memory_space<vmem>>) dst(%dma_wait3A_117 : memref<10240x128xf32, #tpu.memory_space<vmem_shared>>)
      tpu.yield
    }) : () -> ()
    %add3A_60 = arith.constant 128 : i32
    %add3A_61 = arith.addi %multiple_of3A_51, %add3A_60 : i32
    %dma_start3A_62 = arith.constant 0 : i32
    %dma_start3A_63 = tpu.memref_slice %arg2[%add3A_61, %dma_start3A_62] : memref<20480x128xf32, #tpu.memory_space<hbm>> -> memref<128x128xf32, #tpu.memory_space<hbm>>
    %dma_start3A_64 = arith.constant 0 : i32
    %dma_start3A_65 = tpu.memref_slice %arg2[%add3A_61, %dma_start3A_64] : memref<20480x128xf32, #tpu.memory_space<hbm>> -> memref<128x128xf32, #tpu.memory_space<hbm>>
    tpu.enqueue_dma source(%dma_start3A_65 : memref<128x128xf32, #tpu.memory_space<hbm>>) target(%arg6 : memref<128x128xf32, #tpu.memory_space<vmem>>) target_semaphore(%arg9 : memref<!tpu.dma_semaphore, #tpu.memory_space<semaphore_mem>>)
    %dma_wait3A_66 = arith.constant 0 : i32
    %dma_wait3A_67 = tpu.memref_slice %arg2[%add3A_61, %dma_wait3A_66] : memref<20480x128xf32, #tpu.memory_space<hbm>> -> memref<128x128xf32, #tpu.memory_space<hbm>>
    %dma_wait3A_68 = arith.constant 0 : i32
    %dma_wait3A_69 = tpu.memref_slice %arg2[%add3A_61, %dma_wait3A_68] : memref<20480x128xf32, #tpu.memory_space<hbm>> -> memref<128x128xf32, #tpu.memory_space<hbm>>
    tpu.wait_dma2 semaphore(%arg9 : memref<!tpu.dma_semaphore, #tpu.memory_space<semaphore_mem>>) src(%dma_wait3A_69 : memref<128x128xf32, #tpu.memory_space<hbm>>) dst(%arg6 : memref<128x128xf32, #tpu.memory_space<vmem>>)
    %run_scoped3A_70 = arith.constant 1 : i32
    "tpu.region"() ({
      %run_scoped3A_105 = tpu.sem_alloc : memref<!tpu.dma_semaphore, #tpu.memory_space<semaphore_mem>>
      %dma_start3A_106 = arith.constant 0 : i32
      %dma_start3A_107 = tpu.memref_slice %arg5[%run_scoped3A_70, %dma_start3A_106] : memref<5x128xi32, #tpu.memory_space<vmem>> -> memref<1x128xi32, #tpu.memory_space<vmem>>
      %dma_start3A_108 = tpu.memref_squeeze %dma_start3A_107 : memref<1x128xi32, #tpu.memory_space<vmem>> -> memref<128xi32, #tpu.memory_space<vmem>>
      %dma_start3A_109 = arith.constant 0 : i32
      %dma_start3A_110 = arith.constant 0 : i32
      %dma_start3A_111 = tpu.memref_slice %arg8[%dma_start3A_109, %dma_start3A_110] : memref<10240x128xf32, #tpu.memory_space<vmem_shared>> -> memref<10240x128xf32, #tpu.memory_space<vmem_shared>>
      tpu.enqueue_indirect_dma source(%arg6 : memref<128x128xf32, #tpu.memory_space<vmem>>) target(%dma_start3A_111 : memref<10240x128xf32, #tpu.memory_space<vmem_shared>>) offsets(%dma_start3A_108 : memref<128xi32, #tpu.memory_space<vmem>>) semaphore(%run_scoped3A_105 : memref<!tpu.dma_semaphore, #tpu.memory_space<semaphore_mem>>) {add = true}
      %dma_wait3A_112 = arith.constant 0 : i32
      %dma_wait3A_113 = tpu.memref_slice %arg5[%run_scoped3A_70, %dma_wait3A_112] : memref<5x128xi32, #tpu.memory_space<vmem>> -> memref<1x128xi32, #tpu.memory_space<vmem>>
      %dma_wait3A_114 = tpu.memref_squeeze %dma_wait3A_113 : memref<1x128xi32, #tpu.memory_space<vmem>> -> memref<128xi32, #tpu.memory_space<vmem>>
      %dma_wait3A_115 = arith.constant 0 : i32
      %dma_wait3A_116 = arith.constant 0 : i32
      %dma_wait3A_117 = tpu.memref_slice %arg8[%dma_wait3A_115, %dma_wait3A_116] : memref<10240x128xf32, #tpu.memory_space<vmem_shared>> -> memref<10240x128xf32, #tpu.memory_space<vmem_shared>>
      tpu.wait_indirect_dma semaphore(%run_scoped3A_105 : memref<!tpu.dma_semaphore, #tpu.memory_space<semaphore_mem>>) src(%arg6 : memref<128x128xf32, #tpu.memory_space<vmem>>) dst(%dma_wait3A_117 : memref<10240x128xf32, #tpu.memory_space<vmem_shared>>)
      tpu.yield
    }) : () -> ()
    %add3A_71 = arith.constant 256 : i32
    %add3A_72 = arith.addi %multiple_of3A_51, %add3A_71 : i32
    %dma_start3A_73 = arith.constant 0 : i32
    %dma_start3A_74 = tpu.memref_slice %arg2[%add3A_72, %dma_start3A_73] : memref<20480x128xf32, #tpu.memory_space<hbm>> -> memref<128x128xf32, #tpu.memory_space<hbm>>
    %dma_start3A_75 = arith.constant 0 : i32
    %dma_start3A_76 = tpu.memref_slice %arg2[%add3A_72, %dma_start3A_75] : memref<20480x128xf32, #tpu.memory_space<hbm>> -> memref<128x128xf32, #tpu.memory_space<hbm>>
    tpu.enqueue_dma source(%dma_start3A_76 : memref<128x128xf32, #tpu.memory_space<hbm>>) target(%arg6 : memref<128x128xf32, #tpu.memory_space<vmem>>) target_semaphore(%arg9 : memref<!tpu.dma_semaphore, #tpu.memory_space<semaphore_mem>>)
    %dma_wait3A_77 = arith.constant 0 : i32
    %dma_wait3A_78 = tpu.memref_slice %arg2[%add3A_72, %dma_wait3A_77] : memref<20480x128xf32, #tpu.memory_space<hbm>> -> memref<128x128xf32, #tpu.memory_space<hbm>>
    %dma_wait3A_79 = arith.constant 0 : i32
    %dma_wait3A_80 = tpu.memref_slice %arg2[%add3A_72, %dma_wait3A_79] : memref<20480x128xf32, #tpu.memory_space<hbm>> -> memref<128x128xf32, #tpu.memory_space<hbm>>
    tpu.wait_dma2 semaphore(%arg9 : memref<!tpu.dma_semaphore, #tpu.memory_space<semaphore_mem>>) src(%dma_wait3A_80 : memref<128x128xf32, #tpu.memory_space<hbm>>) dst(%arg6 : memref<128x128xf32, #tpu.memory_space<vmem>>)
    %run_scoped3A_81 = arith.constant 2 : i32
    "tpu.region"() ({
      %run_scoped3A_105 = tpu.sem_alloc : memref<!tpu.dma_semaphore, #tpu.memory_space<semaphore_mem>>
      %dma_start3A_106 = arith.constant 0 : i32
      %dma_start3A_107 = tpu.memref_slice %arg5[%run_scoped3A_81, %dma_start3A_106] : memref<5x128xi32, #tpu.memory_space<vmem>> -> memref<1x128xi32, #tpu.memory_space<vmem>>
      %dma_start3A_108 = tpu.memref_squeeze %dma_start3A_107 : memref<1x128xi32, #tpu.memory_space<vmem>> -> memref<128xi32, #tpu.memory_space<vmem>>
      %dma_start3A_109 = arith.constant 0 : i32
      %dma_start3A_110 = arith.constant 0 : i32
      %dma_start3A_111 = tpu.memref_slice %arg8[%dma_start3A_109, %dma_start3A_110] : memref<10240x128xf32, #tpu.memory_space<vmem_shared>> -> memref<10240x128xf32, #tpu.memory_space<vmem_shared>>
      tpu.enqueue_indirect_dma source(%arg6 : memref<128x128xf32, #tpu.memory_space<vmem>>) target(%dma_start3A_111 : memref<10240x128xf32, #tpu.memory_space<vmem_shared>>) offsets(%dma_start3A_108 : memref<128xi32, #tpu.memory_space<vmem>>) semaphore(%run_scoped3A_105 : memref<!tpu.dma_semaphore, #tpu.memory_space<semaphore_mem>>) {add = true}
      %dma_wait3A_112 = arith.constant 0 : i32
      %dma_wait3A_113 = tpu.memref_slice %arg5[%run_scoped3A_81, %dma_wait3A_112] : memref<5x128xi32, #tpu.memory_space<vmem>> -> memref<1x128xi32, #tpu.memory_space<vmem>>
      %dma_wait3A_114 = tpu.memref_squeeze %dma_wait3A_113 : memref<1x128xi32, #tpu.memory_space<vmem>> -> memref<128xi32, #tpu.memory_space<vmem>>
      %dma_wait3A_115 = arith.constant 0 : i32
      %dma_wait3A_116 = arith.constant 0 : i32
      %dma_wait3A_117 = tpu.memref_slice %arg8[%dma_wait3A_115, %dma_wait3A_116] : memref<10240x128xf32, #tpu.memory_space<vmem_shared>> -> memref<10240x128xf32, #tpu.memory_space<vmem_shared>>
      tpu.wait_indirect_dma semaphore(%run_scoped3A_105 : memref<!tpu.dma_semaphore, #tpu.memory_space<semaphore_mem>>) src(%arg6 : memref<128x128xf32, #tpu.memory_space<vmem>>) dst(%dma_wait3A_117 : memref<10240x128xf32, #tpu.memory_space<vmem_shared>>)
      tpu.yield
    }) : () -> ()
    %add3A_82 = arith.constant 384 : i32
    %add3A_83 = arith.addi %multiple_of3A_51, %add3A_82 : i32
    %dma_start3A_84 = arith.constant 0 : i32
    %dma_start3A_85 = tpu.memref_slice %arg2[%add3A_83, %dma_start3A_84] : memref<20480x128xf32, #tpu.memory_space<hbm>> -> memref<128x128xf32, #tpu.memory_space<hbm>>
    %dma_start3A_86 = arith.constant 0 : i32
    %dma_start3A_87 = tpu.memref_slice %arg2[%add3A_83, %dma_start3A_86] : memref<20480x128xf32, #tpu.memory_space<hbm>> -> memref<128x128xf32, #tpu.memory_space<hbm>>
    tpu.enqueue_dma source(%dma_start3A_87 : memref<128x128xf32, #tpu.memory_space<hbm>>) target(%arg6 : memref<128x128xf32, #tpu.memory_space<vmem>>) target_semaphore(%arg9 : memref<!tpu.dma_semaphore, #tpu.memory_space<semaphore_mem>>)
    %dma_wait3A_88 = arith.constant 0 : i32
    %dma_wait3A_89 = tpu.memref_slice %arg2[%add3A_83, %dma_wait3A_88] : memref<20480x128xf32, #tpu.memory_space<hbm>> -> memref<128x128xf32, #tpu.memory_space<hbm>>
    %dma_wait3A_90 = arith.constant 0 : i32
    %dma_wait3A_91 = tpu.memref_slice %arg2[%add3A_83, %dma_wait3A_90] : memref<20480x128xf32, #tpu.memory_space<hbm>> -> memref<128x128xf32, #tpu.memory_space<hbm>>
    tpu.wait_dma2 semaphore(%arg9 : memref<!tpu.dma_semaphore, #tpu.memory_space<semaphore_mem>>) src(%dma_wait3A_91 : memref<128x128xf32, #tpu.memory_space<hbm>>) dst(%arg6 : memref<128x128xf32, #tpu.memory_space<vmem>>)
    %run_scoped3A_92 = arith.constant 3 : i32
    "tpu.region"() ({
      %run_scoped3A_105 = tpu.sem_alloc : memref<!tpu.dma_semaphore, #tpu.memory_space<semaphore_mem>>
      %dma_start3A_106 = arith.constant 0 : i32
      %dma_start3A_107 = tpu.memref_slice %arg5[%run_scoped3A_92, %dma_start3A_106] : memref<5x128xi32, #tpu.memory_space<vmem>> -> memref<1x128xi32, #tpu.memory_space<vmem>>
      %dma_start3A_108 = tpu.memref_squeeze %dma_start3A_107 : memref<1x128xi32, #tpu.memory_space<vmem>> -> memref<128xi32, #tpu.memory_space<vmem>>
      %dma_start3A_109 = arith.constant 0 : i32
      %dma_start3A_110 = arith.constant 0 : i32
      %dma_start3A_111 = tpu.memref_slice %arg8[%dma_start3A_109, %dma_start3A_110] : memref<10240x128xf32, #tpu.memory_space<vmem_shared>> -> memref<10240x128xf32, #tpu.memory_space<vmem_shared>>
      tpu.enqueue_indirect_dma source(%arg6 : memref<128x128xf32, #tpu.memory_space<vmem>>) target(%dma_start3A_111 : memref<10240x128xf32, #tpu.memory_space<vmem_shared>>) offsets(%dma_start3A_108 : memref<128xi32, #tpu.memory_space<vmem>>) semaphore(%run_scoped3A_105 : memref<!tpu.dma_semaphore, #tpu.memory_space<semaphore_mem>>) {add = true}
      %dma_wait3A_112 = arith.constant 0 : i32
      %dma_wait3A_113 = tpu.memref_slice %arg5[%run_scoped3A_92, %dma_wait3A_112] : memref<5x128xi32, #tpu.memory_space<vmem>> -> memref<1x128xi32, #tpu.memory_space<vmem>>
      %dma_wait3A_114 = tpu.memref_squeeze %dma_wait3A_113 : memref<1x128xi32, #tpu.memory_space<vmem>> -> memref<128xi32, #tpu.memory_space<vmem>>
      %dma_wait3A_115 = arith.constant 0 : i32
      %dma_wait3A_116 = arith.constant 0 : i32
      %dma_wait3A_117 = tpu.memref_slice %arg8[%dma_wait3A_115, %dma_wait3A_116] : memref<10240x128xf32, #tpu.memory_space<vmem_shared>> -> memref<10240x128xf32, #tpu.memory_space<vmem_shared>>
      tpu.wait_indirect_dma semaphore(%run_scoped3A_105 : memref<!tpu.dma_semaphore, #tpu.memory_space<semaphore_mem>>) src(%arg6 : memref<128x128xf32, #tpu.memory_space<vmem>>) dst(%dma_wait3A_117 : memref<10240x128xf32, #tpu.memory_space<vmem_shared>>)
      tpu.yield
    }) : () -> ()
    %add3A_93 = arith.constant 512 : i32
    %add3A_94 = arith.addi %multiple_of3A_51, %add3A_93 : i32
    %dma_start3A_95 = arith.constant 0 : i32
    %dma_start3A_96 = tpu.memref_slice %arg2[%add3A_94, %dma_start3A_95] : memref<20480x128xf32, #tpu.memory_space<hbm>> -> memref<128x128xf32, #tpu.memory_space<hbm>>
    %dma_start3A_97 = arith.constant 0 : i32
    %dma_start3A_98 = tpu.memref_slice %arg2[%add3A_94, %dma_start3A_97] : memref<20480x128xf32, #tpu.memory_space<hbm>> -> memref<128x128xf32, #tpu.memory_space<hbm>>
    tpu.enqueue_dma source(%dma_start3A_98 : memref<128x128xf32, #tpu.memory_space<hbm>>) target(%arg6 : memref<128x128xf32, #tpu.memory_space<vmem>>) target_semaphore(%arg9 : memref<!tpu.dma_semaphore, #tpu.memory_space<semaphore_mem>>)
    %dma_wait3A_99 = arith.constant 0 : i32
    %dma_wait3A_100 = tpu.memref_slice %arg2[%add3A_94, %dma_wait3A_99] : memref<20480x128xf32, #tpu.memory_space<hbm>> -> memref<128x128xf32, #tpu.memory_space<hbm>>
    %dma_wait3A_101 = arith.constant 0 : i32
    %dma_wait3A_102 = tpu.memref_slice %arg2[%add3A_94, %dma_wait3A_101] : memref<20480x128xf32, #tpu.memory_space<hbm>> -> memref<128x128xf32, #tpu.memory_space<hbm>>
    tpu.wait_dma2 semaphore(%arg9 : memref<!tpu.dma_semaphore, #tpu.memory_space<semaphore_mem>>) src(%dma_wait3A_102 : memref<128x128xf32, #tpu.memory_space<hbm>>) dst(%arg6 : memref<128x128xf32, #tpu.memory_space<vmem>>)
    %run_scoped3A_103 = arith.constant 4 : i32
    "tpu.region"() ({
      %run_scoped3A_105 = tpu.sem_alloc : memref<!tpu.dma_semaphore, #tpu.memory_space<semaphore_mem>>
      %dma_start3A_106 = arith.constant 0 : i32
      %dma_start3A_107 = tpu.memref_slice %arg5[%run_scoped3A_103, %dma_start3A_106] : memref<5x128xi32, #tpu.memory_space<vmem>> -> memref<1x128xi32, #tpu.memory_space<vmem>>
      %dma_start3A_108 = tpu.memref_squeeze %dma_start3A_107 : memref<1x128xi32, #tpu.memory_space<vmem>> -> memref<128xi32, #tpu.memory_space<vmem>>
      %dma_start3A_109 = arith.constant 0 : i32
      %dma_start3A_110 = arith.constant 0 : i32
      %dma_start3A_111 = tpu.memref_slice %arg8[%dma_start3A_109, %dma_start3A_110] : memref<10240x128xf32, #tpu.memory_space<vmem_shared>> -> memref<10240x128xf32, #tpu.memory_space<vmem_shared>>
      tpu.enqueue_indirect_dma source(%arg6 : memref<128x128xf32, #tpu.memory_space<vmem>>) target(%dma_start3A_111 : memref<10240x128xf32, #tpu.memory_space<vmem_shared>>) offsets(%dma_start3A_108 : memref<128xi32, #tpu.memory_space<vmem>>) semaphore(%run_scoped3A_105 : memref<!tpu.dma_semaphore, #tpu.memory_space<semaphore_mem>>) {add = true}
      %dma_wait3A_112 = arith.constant 0 : i32
      %dma_wait3A_113 = tpu.memref_slice %arg5[%run_scoped3A_103, %dma_wait3A_112] : memref<5x128xi32, #tpu.memory_space<vmem>> -> memref<1x128xi32, #tpu.memory_space<vmem>>
      %dma_wait3A_114 = tpu.memref_squeeze %dma_wait3A_113 : memref<1x128xi32, #tpu.memory_space<vmem>> -> memref<128xi32, #tpu.memory_space<vmem>>
      %dma_wait3A_115 = arith.constant 0 : i32
      %dma_wait3A_116 = arith.constant 0 : i32
      %dma_wait3A_117 = tpu.memref_slice %arg8[%dma_wait3A_115, %dma_wait3A_116] : memref<10240x128xf32, #tpu.memory_space<vmem_shared>> -> memref<10240x128xf32, #tpu.memory_space<vmem_shared>>
      tpu.wait_indirect_dma semaphore(%run_scoped3A_105 : memref<!tpu.dma_semaphore, #tpu.memory_space<semaphore_mem>>) src(%arg6 : memref<128x128xf32, #tpu.memory_space<vmem>>) dst(%dma_wait3A_117 : memref<10240x128xf32, #tpu.memory_space<vmem_shared>>)
      tpu.yield
    }) : () -> ()
    %barrier3A_104 = arith.constant 0 : index
    tpu.barrier barrier_id(%barrier3A_104)
    "tpu.region"() ({
      %run_scoped3A_105 = tpu.sem_alloc : memref<!tpu.dma_semaphore, #tpu.memory_space<semaphore_mem>>
      %dma_start3A_106 = arith.constant 0 : i32
      %dma_start3A_107 = tpu.memref_slice %arg4[%arg0, %multiple_of3A, %dma_start3A_106] : memref<2x10240x128xf32, #tpu.memory_space<hbm>> -> memref<1x640x128xf32, #tpu.memory_space<hbm>>
      %dma_start3A_108 = tpu.memref_squeeze %dma_start3A_107 : memref<1x640x128xf32, #tpu.memory_space<hbm>> -> memref<640x128xf32, #tpu.memory_space<hbm>>
      %dma_start3A_109 = arith.constant 0 : i32
      %dma_start3A_110 = tpu.memref_slice %arg8[%multiple_of3A, %dma_start3A_109] : memref<10240x128xf32, #tpu.memory_space<vmem_shared>> -> memref<640x128xf32, #tpu.memory_space<vmem_shared>>
      tpu.enqueue_dma source(%dma_start3A_110 : memref<640x128xf32, #tpu.memory_space<vmem_shared>>) target(%dma_start3A_108 : memref<640x128xf32, #tpu.memory_space<hbm>>) target_semaphore(%run_scoped3A_105 : memref<!tpu.dma_semaphore, #tpu.memory_space<semaphore_mem>>)
      %dma_wait3A_111 = arith.constant 0 : i32
      %dma_wait3A_112 = tpu.memref_slice %arg4[%arg0, %multiple_of3A, %dma_wait3A_111] : memref<2x10240x128xf32, #tpu.memory_space<hbm>> -> memref<1x640x128xf32, #tpu.memory_space<hbm>>
      %dma_wait3A_113 = tpu.memref_squeeze %dma_wait3A_112 : memref<1x640x128xf32, #tpu.memory_space<hbm>> -> memref<640x128xf32, #tpu.memory_space<hbm>>
      %dma_wait3A_114 = arith.constant 0 : i32
      %dma_wait3A_115 = tpu.memref_slice %arg8[%multiple_of3A, %dma_wait3A_114] : memref<10240x128xf32, #tpu.memory_space<vmem_shared>> -> memref<640x128xf32, #tpu.memory_space<vmem_shared>>
      tpu.wait_dma2 semaphore(%run_scoped3A_105 : memref<!tpu.dma_semaphore, #tpu.memory_space<semaphore_mem>>) src(%dma_wait3A_115 : memref<640x128xf32, #tpu.memory_space<vmem_shared>>) dst(%dma_wait3A_113 : memref<640x128xf32, #tpu.memory_space<hbm>>)
      tpu.yield
    }) : () -> ()
    return
  }
}

#map = affine_map<(d0, d1) -> (0, 0)>
#map1 = affine_map<(d0, d1) -> (0, 0, 0)>
module attributes {stable_mosaic.version = 14 : i64} {
  func.func @_gather_body(%arg0: i32, %arg1: i32, %arg2: memref<10008x128xf32, #tpu.memory_space<hbm>>, %arg3: memref<32x5x128xi32, #tpu.memory_space<hbm>>, %arg4: memref<20480x128xf32, #tpu.memory_space<hbm>>, %arg5: memref<5x128xi32, #tpu.memory_space<vmem>>, %arg6: memref<128x128xf32, #tpu.memory_space<vmem>>, %arg7: memref<!tpu.dma_semaphore, #tpu.memory_space<semaphore_mem>>) attributes {dimension_semantics = [#tpu.dimension_semantics<core_parallel>, #tpu.dimension_semantics<subcore_parallel>], iteration_bounds = array<i64: 2, 16>, scalar_prefetch = 0 : i64, scratch_operands = 3 : i64, tpu.core_type = #tpu.core_type<sc_vector_subcore>, window_params = [{transform_indices = #map}, {transform_indices = #map1}, {transform_indices = #map}]} {
    %mul3A = arith.constant 2 : i32
    %mul3A_0 = arith.muli %arg1, %mul3A : i32
    %add3A = arith.addi %mul3A_0, %arg0 : i32
    "tpu.region"() ({
      %run_scoped3A = tpu.sem_alloc : memref<!tpu.dma_semaphore, #tpu.memory_space<semaphore_mem>>
      %dma_start3A_81 = arith.constant 0 : i32
      %dma_start3A_82 = arith.constant 0 : i32
      %dma_start3A_83 = tpu.memref_slice %arg3[%add3A, %dma_start3A_81, %dma_start3A_82] : memref<32x5x128xi32, #tpu.memory_space<hbm>> -> memref<1x5x128xi32, #tpu.memory_space<hbm>>
      %dma_start3A_84 = tpu.memref_squeeze %dma_start3A_83 : memref<1x5x128xi32, #tpu.memory_space<hbm>> -> memref<5x128xi32, #tpu.memory_space<hbm>>
      %dma_start3A_85 = arith.constant 0 : i32
      %dma_start3A_86 = arith.constant 0 : i32
      %dma_start3A_87 = tpu.memref_slice %arg3[%add3A, %dma_start3A_85, %dma_start3A_86] : memref<32x5x128xi32, #tpu.memory_space<hbm>> -> memref<1x5x128xi32, #tpu.memory_space<hbm>>
      %dma_start3A_88 = tpu.memref_squeeze %dma_start3A_87 : memref<1x5x128xi32, #tpu.memory_space<hbm>> -> memref<5x128xi32, #tpu.memory_space<hbm>>
      tpu.enqueue_dma source(%dma_start3A_88 : memref<5x128xi32, #tpu.memory_space<hbm>>) target(%arg5 : memref<5x128xi32, #tpu.memory_space<vmem>>) target_semaphore(%run_scoped3A : memref<!tpu.dma_semaphore, #tpu.memory_space<semaphore_mem>>)
      %dma_wait3A_89 = arith.constant 0 : i32
      %dma_wait3A_90 = arith.constant 0 : i32
      %dma_wait3A_91 = tpu.memref_slice %arg3[%add3A, %dma_wait3A_89, %dma_wait3A_90] : memref<32x5x128xi32, #tpu.memory_space<hbm>> -> memref<1x5x128xi32, #tpu.memory_space<hbm>>
      %dma_wait3A_92 = tpu.memref_squeeze %dma_wait3A_91 : memref<1x5x128xi32, #tpu.memory_space<hbm>> -> memref<5x128xi32, #tpu.memory_space<hbm>>
      %dma_wait3A_93 = arith.constant 0 : i32
      %dma_wait3A_94 = arith.constant 0 : i32
      %dma_wait3A_95 = tpu.memref_slice %arg3[%add3A, %dma_wait3A_93, %dma_wait3A_94] : memref<32x5x128xi32, #tpu.memory_space<hbm>> -> memref<1x5x128xi32, #tpu.memory_space<hbm>>
      %dma_wait3A_96 = tpu.memref_squeeze %dma_wait3A_95 : memref<1x5x128xi32, #tpu.memory_space<hbm>> -> memref<5x128xi32, #tpu.memory_space<hbm>>
      tpu.wait_dma2 semaphore(%run_scoped3A : memref<!tpu.dma_semaphore, #tpu.memory_space<semaphore_mem>>) src(%dma_wait3A_96 : memref<5x128xi32, #tpu.memory_space<hbm>>) dst(%arg5 : memref<5x128xi32, #tpu.memory_space<vmem>>)
      tpu.yield
    }) : () -> ()
    %mul3A_1 = arith.constant 640 : i32
    %mul3A_2 = arith.muli %add3A, %mul3A_1 : i32
    %multiple_of3A = tpu.assume_multiple %mul3A_2, 8 : i32
    %dma_start3A = arith.constant 0 : i32
    %dma_start3A_3 = arith.constant 0 : i32
    %dma_start3A_4 = tpu.memref_slice %arg5[%dma_start3A, %dma_start3A_3] : memref<5x128xi32, #tpu.memory_space<vmem>> -> memref<1x128xi32, #tpu.memory_space<vmem>>
    %dma_start3A_5 = tpu.memref_squeeze %dma_start3A_4 : memref<1x128xi32, #tpu.memory_space<vmem>> -> memref<128xi32, #tpu.memory_space<vmem>>
    %dma_start3A_6 = arith.constant 0 : i32
    %dma_start3A_7 = arith.constant 0 : i32
    %dma_start3A_8 = tpu.memref_slice %arg2[%dma_start3A_6, %dma_start3A_7] : memref<10008x128xf32, #tpu.memory_space<hbm>> -> memref<10008x128xf32, #tpu.memory_space<hbm>>
    tpu.enqueue_indirect_dma source(%dma_start3A_8 : memref<10008x128xf32, #tpu.memory_space<hbm>>) target(%arg6 : memref<128x128xf32, #tpu.memory_space<vmem>>) offsets(%dma_start3A_5 : memref<128xi32, #tpu.memory_space<vmem>>) semaphore(%arg7 : memref<!tpu.dma_semaphore, #tpu.memory_space<semaphore_mem>>)
    %dma_wait3A = arith.constant 0 : i32
    %dma_wait3A_9 = arith.constant 0 : i32
    %dma_wait3A_10 = tpu.memref_slice %arg5[%dma_wait3A, %dma_wait3A_9] : memref<5x128xi32, #tpu.memory_space<vmem>> -> memref<1x128xi32, #tpu.memory_space<vmem>>
    %dma_wait3A_11 = tpu.memref_squeeze %dma_wait3A_10 : memref<1x128xi32, #tpu.memory_space<vmem>> -> memref<128xi32, #tpu.memory_space<vmem>>
    %dma_wait3A_12 = arith.constant 0 : i32
    %dma_wait3A_13 = arith.constant 0 : i32
    %dma_wait3A_14 = tpu.memref_slice %arg2[%dma_wait3A_12, %dma_wait3A_13] : memref<10008x128xf32, #tpu.memory_space<hbm>> -> memref<10008x128xf32, #tpu.memory_space<hbm>>
    tpu.wait_indirect_dma semaphore(%arg7 : memref<!tpu.dma_semaphore, #tpu.memory_space<semaphore_mem>>) src(%dma_wait3A_14 : memref<10008x128xf32, #tpu.memory_space<hbm>>) dst(%arg6 : memref<128x128xf32, #tpu.memory_space<vmem>>)
    %add3A_15 = arith.constant 0 : i32
    %add3A_16 = arith.addi %multiple_of3A, %add3A_15 : i32
    "tpu.region"() ({
      %run_scoped3A = tpu.sem_alloc : memref<!tpu.dma_semaphore, #tpu.memory_space<semaphore_mem>>
      %dma_start3A_81 = arith.constant 0 : i32
      %dma_start3A_82 = tpu.memref_slice %arg4[%add3A_16, %dma_start3A_81] : memref<20480x128xf32, #tpu.memory_space<hbm>> -> memref<128x128xf32, #tpu.memory_space<hbm>>
      %dma_start3A_83 = arith.constant 0 : i32
      %dma_start3A_84 = tpu.memref_slice %arg4[%add3A_16, %dma_start3A_83] : memref<20480x128xf32, #tpu.memory_space<hbm>> -> memref<128x128xf32, #tpu.memory_space<hbm>>
      tpu.enqueue_dma source(%arg6 : memref<128x128xf32, #tpu.memory_space<vmem>>) target(%dma_start3A_84 : memref<128x128xf32, #tpu.memory_space<hbm>>) target_semaphore(%run_scoped3A : memref<!tpu.dma_semaphore, #tpu.memory_space<semaphore_mem>>)
      %dma_wait3A_85 = arith.constant 0 : i32
      %dma_wait3A_86 = tpu.memref_slice %arg4[%add3A_16, %dma_wait3A_85] : memref<20480x128xf32, #tpu.memory_space<hbm>> -> memref<128x128xf32, #tpu.memory_space<hbm>>
      %dma_wait3A_87 = arith.constant 0 : i32
      %dma_wait3A_88 = tpu.memref_slice %arg4[%add3A_16, %dma_wait3A_87] : memref<20480x128xf32, #tpu.memory_space<hbm>> -> memref<128x128xf32, #tpu.memory_space<hbm>>
      tpu.wait_dma2 semaphore(%run_scoped3A : memref<!tpu.dma_semaphore, #tpu.memory_space<semaphore_mem>>) src(%arg6 : memref<128x128xf32, #tpu.memory_space<vmem>>) dst(%dma_wait3A_88 : memref<128x128xf32, #tpu.memory_space<hbm>>)
      tpu.yield
    }) : () -> ()
    %dma_start3A_17 = arith.constant 1 : i32
    %dma_start3A_18 = arith.constant 0 : i32
    %dma_start3A_19 = tpu.memref_slice %arg5[%dma_start3A_17, %dma_start3A_18] : memref<5x128xi32, #tpu.memory_space<vmem>> -> memref<1x128xi32, #tpu.memory_space<vmem>>
    %dma_start3A_20 = tpu.memref_squeeze %dma_start3A_19 : memref<1x128xi32, #tpu.memory_space<vmem>> -> memref<128xi32, #tpu.memory_space<vmem>>
    %dma_start3A_21 = arith.constant 0 : i32
    %dma_start3A_22 = arith.constant 0 : i32
    %dma_start3A_23 = tpu.memref_slice %arg2[%dma_start3A_21, %dma_start3A_22] : memref<10008x128xf32, #tpu.memory_space<hbm>> -> memref<10008x128xf32, #tpu.memory_space<hbm>>
    tpu.enqueue_indirect_dma source(%dma_start3A_23 : memref<10008x128xf32, #tpu.memory_space<hbm>>) target(%arg6 : memref<128x128xf32, #tpu.memory_space<vmem>>) offsets(%dma_start3A_20 : memref<128xi32, #tpu.memory_space<vmem>>) semaphore(%arg7 : memref<!tpu.dma_semaphore, #tpu.memory_space<semaphore_mem>>)
    %dma_wait3A_24 = arith.constant 1 : i32
    %dma_wait3A_25 = arith.constant 0 : i32
    %dma_wait3A_26 = tpu.memref_slice %arg5[%dma_wait3A_24, %dma_wait3A_25] : memref<5x128xi32, #tpu.memory_space<vmem>> -> memref<1x128xi32, #tpu.memory_space<vmem>>
    %dma_wait3A_27 = tpu.memref_squeeze %dma_wait3A_26 : memref<1x128xi32, #tpu.memory_space<vmem>> -> memref<128xi32, #tpu.memory_space<vmem>>
    %dma_wait3A_28 = arith.constant 0 : i32
    %dma_wait3A_29 = arith.constant 0 : i32
    %dma_wait3A_30 = tpu.memref_slice %arg2[%dma_wait3A_28, %dma_wait3A_29] : memref<10008x128xf32, #tpu.memory_space<hbm>> -> memref<10008x128xf32, #tpu.memory_space<hbm>>
    tpu.wait_indirect_dma semaphore(%arg7 : memref<!tpu.dma_semaphore, #tpu.memory_space<semaphore_mem>>) src(%dma_wait3A_30 : memref<10008x128xf32, #tpu.memory_space<hbm>>) dst(%arg6 : memref<128x128xf32, #tpu.memory_space<vmem>>)
    %add3A_31 = arith.constant 128 : i32
    %add3A_32 = arith.addi %multiple_of3A, %add3A_31 : i32
    "tpu.region"() ({
      %run_scoped3A = tpu.sem_alloc : memref<!tpu.dma_semaphore, #tpu.memory_space<semaphore_mem>>
      %dma_start3A_81 = arith.constant 0 : i32
      %dma_start3A_82 = tpu.memref_slice %arg4[%add3A_32, %dma_start3A_81] : memref<20480x128xf32, #tpu.memory_space<hbm>> -> memref<128x128xf32, #tpu.memory_space<hbm>>
      %dma_start3A_83 = arith.constant 0 : i32
      %dma_start3A_84 = tpu.memref_slice %arg4[%add3A_32, %dma_start3A_83] : memref<20480x128xf32, #tpu.memory_space<hbm>> -> memref<128x128xf32, #tpu.memory_space<hbm>>
      tpu.enqueue_dma source(%arg6 : memref<128x128xf32, #tpu.memory_space<vmem>>) target(%dma_start3A_84 : memref<128x128xf32, #tpu.memory_space<hbm>>) target_semaphore(%run_scoped3A : memref<!tpu.dma_semaphore, #tpu.memory_space<semaphore_mem>>)
      %dma_wait3A_85 = arith.constant 0 : i32
      %dma_wait3A_86 = tpu.memref_slice %arg4[%add3A_32, %dma_wait3A_85] : memref<20480x128xf32, #tpu.memory_space<hbm>> -> memref<128x128xf32, #tpu.memory_space<hbm>>
      %dma_wait3A_87 = arith.constant 0 : i32
      %dma_wait3A_88 = tpu.memref_slice %arg4[%add3A_32, %dma_wait3A_87] : memref<20480x128xf32, #tpu.memory_space<hbm>> -> memref<128x128xf32, #tpu.memory_space<hbm>>
      tpu.wait_dma2 semaphore(%run_scoped3A : memref<!tpu.dma_semaphore, #tpu.memory_space<semaphore_mem>>) src(%arg6 : memref<128x128xf32, #tpu.memory_space<vmem>>) dst(%dma_wait3A_88 : memref<128x128xf32, #tpu.memory_space<hbm>>)
      tpu.yield
    }) : () -> ()
    %dma_start3A_33 = arith.constant 2 : i32
    %dma_start3A_34 = arith.constant 0 : i32
    %dma_start3A_35 = tpu.memref_slice %arg5[%dma_start3A_33, %dma_start3A_34] : memref<5x128xi32, #tpu.memory_space<vmem>> -> memref<1x128xi32, #tpu.memory_space<vmem>>
    %dma_start3A_36 = tpu.memref_squeeze %dma_start3A_35 : memref<1x128xi32, #tpu.memory_space<vmem>> -> memref<128xi32, #tpu.memory_space<vmem>>
    %dma_start3A_37 = arith.constant 0 : i32
    %dma_start3A_38 = arith.constant 0 : i32
    %dma_start3A_39 = tpu.memref_slice %arg2[%dma_start3A_37, %dma_start3A_38] : memref<10008x128xf32, #tpu.memory_space<hbm>> -> memref<10008x128xf32, #tpu.memory_space<hbm>>
    tpu.enqueue_indirect_dma source(%dma_start3A_39 : memref<10008x128xf32, #tpu.memory_space<hbm>>) target(%arg6 : memref<128x128xf32, #tpu.memory_space<vmem>>) offsets(%dma_start3A_36 : memref<128xi32, #tpu.memory_space<vmem>>) semaphore(%arg7 : memref<!tpu.dma_semaphore, #tpu.memory_space<semaphore_mem>>)
    %dma_wait3A_40 = arith.constant 2 : i32
    %dma_wait3A_41 = arith.constant 0 : i32
    %dma_wait3A_42 = tpu.memref_slice %arg5[%dma_wait3A_40, %dma_wait3A_41] : memref<5x128xi32, #tpu.memory_space<vmem>> -> memref<1x128xi32, #tpu.memory_space<vmem>>
    %dma_wait3A_43 = tpu.memref_squeeze %dma_wait3A_42 : memref<1x128xi32, #tpu.memory_space<vmem>> -> memref<128xi32, #tpu.memory_space<vmem>>
    %dma_wait3A_44 = arith.constant 0 : i32
    %dma_wait3A_45 = arith.constant 0 : i32
    %dma_wait3A_46 = tpu.memref_slice %arg2[%dma_wait3A_44, %dma_wait3A_45] : memref<10008x128xf32, #tpu.memory_space<hbm>> -> memref<10008x128xf32, #tpu.memory_space<hbm>>
    tpu.wait_indirect_dma semaphore(%arg7 : memref<!tpu.dma_semaphore, #tpu.memory_space<semaphore_mem>>) src(%dma_wait3A_46 : memref<10008x128xf32, #tpu.memory_space<hbm>>) dst(%arg6 : memref<128x128xf32, #tpu.memory_space<vmem>>)
    %add3A_47 = arith.constant 256 : i32
    %add3A_48 = arith.addi %multiple_of3A, %add3A_47 : i32
    "tpu.region"() ({
      %run_scoped3A = tpu.sem_alloc : memref<!tpu.dma_semaphore, #tpu.memory_space<semaphore_mem>>
      %dma_start3A_81 = arith.constant 0 : i32
      %dma_start3A_82 = tpu.memref_slice %arg4[%add3A_48, %dma_start3A_81] : memref<20480x128xf32, #tpu.memory_space<hbm>> -> memref<128x128xf32, #tpu.memory_space<hbm>>
      %dma_start3A_83 = arith.constant 0 : i32
      %dma_start3A_84 = tpu.memref_slice %arg4[%add3A_48, %dma_start3A_83] : memref<20480x128xf32, #tpu.memory_space<hbm>> -> memref<128x128xf32, #tpu.memory_space<hbm>>
      tpu.enqueue_dma source(%arg6 : memref<128x128xf32, #tpu.memory_space<vmem>>) target(%dma_start3A_84 : memref<128x128xf32, #tpu.memory_space<hbm>>) target_semaphore(%run_scoped3A : memref<!tpu.dma_semaphore, #tpu.memory_space<semaphore_mem>>)
      %dma_wait3A_85 = arith.constant 0 : i32
      %dma_wait3A_86 = tpu.memref_slice %arg4[%add3A_48, %dma_wait3A_85] : memref<20480x128xf32, #tpu.memory_space<hbm>> -> memref<128x128xf32, #tpu.memory_space<hbm>>
      %dma_wait3A_87 = arith.constant 0 : i32
      %dma_wait3A_88 = tpu.memref_slice %arg4[%add3A_48, %dma_wait3A_87] : memref<20480x128xf32, #tpu.memory_space<hbm>> -> memref<128x128xf32, #tpu.memory_space<hbm>>
      tpu.wait_dma2 semaphore(%run_scoped3A : memref<!tpu.dma_semaphore, #tpu.memory_space<semaphore_mem>>) src(%arg6 : memref<128x128xf32, #tpu.memory_space<vmem>>) dst(%dma_wait3A_88 : memref<128x128xf32, #tpu.memory_space<hbm>>)
      tpu.yield
    }) : () -> ()
    %dma_start3A_49 = arith.constant 3 : i32
    %dma_start3A_50 = arith.constant 0 : i32
    %dma_start3A_51 = tpu.memref_slice %arg5[%dma_start3A_49, %dma_start3A_50] : memref<5x128xi32, #tpu.memory_space<vmem>> -> memref<1x128xi32, #tpu.memory_space<vmem>>
    %dma_start3A_52 = tpu.memref_squeeze %dma_start3A_51 : memref<1x128xi32, #tpu.memory_space<vmem>> -> memref<128xi32, #tpu.memory_space<vmem>>
    %dma_start3A_53 = arith.constant 0 : i32
    %dma_start3A_54 = arith.constant 0 : i32
    %dma_start3A_55 = tpu.memref_slice %arg2[%dma_start3A_53, %dma_start3A_54] : memref<10008x128xf32, #tpu.memory_space<hbm>> -> memref<10008x128xf32, #tpu.memory_space<hbm>>
    tpu.enqueue_indirect_dma source(%dma_start3A_55 : memref<10008x128xf32, #tpu.memory_space<hbm>>) target(%arg6 : memref<128x128xf32, #tpu.memory_space<vmem>>) offsets(%dma_start3A_52 : memref<128xi32, #tpu.memory_space<vmem>>) semaphore(%arg7 : memref<!tpu.dma_semaphore, #tpu.memory_space<semaphore_mem>>)
    %dma_wait3A_56 = arith.constant 3 : i32
    %dma_wait3A_57 = arith.constant 0 : i32
    %dma_wait3A_58 = tpu.memref_slice %arg5[%dma_wait3A_56, %dma_wait3A_57] : memref<5x128xi32, #tpu.memory_space<vmem>> -> memref<1x128xi32, #tpu.memory_space<vmem>>
    %dma_wait3A_59 = tpu.memref_squeeze %dma_wait3A_58 : memref<1x128xi32, #tpu.memory_space<vmem>> -> memref<128xi32, #tpu.memory_space<vmem>>
    %dma_wait3A_60 = arith.constant 0 : i32
    %dma_wait3A_61 = arith.constant 0 : i32
    %dma_wait3A_62 = tpu.memref_slice %arg2[%dma_wait3A_60, %dma_wait3A_61] : memref<10008x128xf32, #tpu.memory_space<hbm>> -> memref<10008x128xf32, #tpu.memory_space<hbm>>
    tpu.wait_indirect_dma semaphore(%arg7 : memref<!tpu.dma_semaphore, #tpu.memory_space<semaphore_mem>>) src(%dma_wait3A_62 : memref<10008x128xf32, #tpu.memory_space<hbm>>) dst(%arg6 : memref<128x128xf32, #tpu.memory_space<vmem>>)
    %add3A_63 = arith.constant 384 : i32
    %add3A_64 = arith.addi %multiple_of3A, %add3A_63 : i32
    "tpu.region"() ({
      %run_scoped3A = tpu.sem_alloc : memref<!tpu.dma_semaphore, #tpu.memory_space<semaphore_mem>>
      %dma_start3A_81 = arith.constant 0 : i32
      %dma_start3A_82 = tpu.memref_slice %arg4[%add3A_64, %dma_start3A_81] : memref<20480x128xf32, #tpu.memory_space<hbm>> -> memref<128x128xf32, #tpu.memory_space<hbm>>
      %dma_start3A_83 = arith.constant 0 : i32
      %dma_start3A_84 = tpu.memref_slice %arg4[%add3A_64, %dma_start3A_83] : memref<20480x128xf32, #tpu.memory_space<hbm>> -> memref<128x128xf32, #tpu.memory_space<hbm>>
      tpu.enqueue_dma source(%arg6 : memref<128x128xf32, #tpu.memory_space<vmem>>) target(%dma_start3A_84 : memref<128x128xf32, #tpu.memory_space<hbm>>) target_semaphore(%run_scoped3A : memref<!tpu.dma_semaphore, #tpu.memory_space<semaphore_mem>>)
      %dma_wait3A_85 = arith.constant 0 : i32
      %dma_wait3A_86 = tpu.memref_slice %arg4[%add3A_64, %dma_wait3A_85] : memref<20480x128xf32, #tpu.memory_space<hbm>> -> memref<128x128xf32, #tpu.memory_space<hbm>>
      %dma_wait3A_87 = arith.constant 0 : i32
      %dma_wait3A_88 = tpu.memref_slice %arg4[%add3A_64, %dma_wait3A_87] : memref<20480x128xf32, #tpu.memory_space<hbm>> -> memref<128x128xf32, #tpu.memory_space<hbm>>
      tpu.wait_dma2 semaphore(%run_scoped3A : memref<!tpu.dma_semaphore, #tpu.memory_space<semaphore_mem>>) src(%arg6 : memref<128x128xf32, #tpu.memory_space<vmem>>) dst(%dma_wait3A_88 : memref<128x128xf32, #tpu.memory_space<hbm>>)
      tpu.yield
    }) : () -> ()
    %dma_start3A_65 = arith.constant 4 : i32
    %dma_start3A_66 = arith.constant 0 : i32
    %dma_start3A_67 = tpu.memref_slice %arg5[%dma_start3A_65, %dma_start3A_66] : memref<5x128xi32, #tpu.memory_space<vmem>> -> memref<1x128xi32, #tpu.memory_space<vmem>>
    %dma_start3A_68 = tpu.memref_squeeze %dma_start3A_67 : memref<1x128xi32, #tpu.memory_space<vmem>> -> memref<128xi32, #tpu.memory_space<vmem>>
    %dma_start3A_69 = arith.constant 0 : i32
    %dma_start3A_70 = arith.constant 0 : i32
    %dma_start3A_71 = tpu.memref_slice %arg2[%dma_start3A_69, %dma_start3A_70] : memref<10008x128xf32, #tpu.memory_space<hbm>> -> memref<10008x128xf32, #tpu.memory_space<hbm>>
    tpu.enqueue_indirect_dma source(%dma_start3A_71 : memref<10008x128xf32, #tpu.memory_space<hbm>>) target(%arg6 : memref<128x128xf32, #tpu.memory_space<vmem>>) offsets(%dma_start3A_68 : memref<128xi32, #tpu.memory_space<vmem>>) semaphore(%arg7 : memref<!tpu.dma_semaphore, #tpu.memory_space<semaphore_mem>>)
    %dma_wait3A_72 = arith.constant 4 : i32
    %dma_wait3A_73 = arith.constant 0 : i32
    %dma_wait3A_74 = tpu.memref_slice %arg5[%dma_wait3A_72, %dma_wait3A_73] : memref<5x128xi32, #tpu.memory_space<vmem>> -> memref<1x128xi32, #tpu.memory_space<vmem>>
    %dma_wait3A_75 = tpu.memref_squeeze %dma_wait3A_74 : memref<1x128xi32, #tpu.memory_space<vmem>> -> memref<128xi32, #tpu.memory_space<vmem>>
    %dma_wait3A_76 = arith.constant 0 : i32
    %dma_wait3A_77 = arith.constant 0 : i32
    %dma_wait3A_78 = tpu.memref_slice %arg2[%dma_wait3A_76, %dma_wait3A_77] : memref<10008x128xf32, #tpu.memory_space<hbm>> -> memref<10008x128xf32, #tpu.memory_space<hbm>>
    tpu.wait_indirect_dma semaphore(%arg7 : memref<!tpu.dma_semaphore, #tpu.memory_space<semaphore_mem>>) src(%dma_wait3A_78 : memref<10008x128xf32, #tpu.memory_space<hbm>>) dst(%arg6 : memref<128x128xf32, #tpu.memory_space<vmem>>)
    %add3A_79 = arith.constant 512 : i32
    %add3A_80 = arith.addi %multiple_of3A, %add3A_79 : i32
    "tpu.region"() ({
      %run_scoped3A = tpu.sem_alloc : memref<!tpu.dma_semaphore, #tpu.memory_space<semaphore_mem>>
      %dma_start3A_81 = arith.constant 0 : i32
      %dma_start3A_82 = tpu.memref_slice %arg4[%add3A_80, %dma_start3A_81] : memref<20480x128xf32, #tpu.memory_space<hbm>> -> memref<128x128xf32, #tpu.memory_space<hbm>>
      %dma_start3A_83 = arith.constant 0 : i32
      %dma_start3A_84 = tpu.memref_slice %arg4[%add3A_80, %dma_start3A_83] : memref<20480x128xf32, #tpu.memory_space<hbm>> -> memref<128x128xf32, #tpu.memory_space<hbm>>
      tpu.enqueue_dma source(%arg6 : memref<128x128xf32, #tpu.memory_space<vmem>>) target(%dma_start3A_84 : memref<128x128xf32, #tpu.memory_space<hbm>>) target_semaphore(%run_scoped3A : memref<!tpu.dma_semaphore, #tpu.memory_space<semaphore_mem>>)
      %dma_wait3A_85 = arith.constant 0 : i32
      %dma_wait3A_86 = tpu.memref_slice %arg4[%add3A_80, %dma_wait3A_85] : memref<20480x128xf32, #tpu.memory_space<hbm>> -> memref<128x128xf32, #tpu.memory_space<hbm>>
      %dma_wait3A_87 = arith.constant 0 : i32
      %dma_wait3A_88 = tpu.memref_slice %arg4[%add3A_80, %dma_wait3A_87] : memref<20480x128xf32, #tpu.memory_space<hbm>> -> memref<128x128xf32, #tpu.memory_space<hbm>>
      tpu.wait_dma2 semaphore(%run_scoped3A : memref<!tpu.dma_semaphore, #tpu.memory_space<semaphore_mem>>) src(%arg6 : memref<128x128xf32, #tpu.memory_space<vmem>>) dst(%dma_wait3A_88 : memref<128x128xf32, #tpu.memory_space<hbm>>)
      tpu.yield
    }) : () -> ()
    return
  }
}

#map = affine_map<(d0, d1) -> (0, 0)>
#map1 = affine_map<(d0, d1) -> (0, 0, 0)>
module attributes {stable_mosaic.version = 14 : i64} {
  func.func @_scatter_body(%arg0: i32, %arg1: i32, %arg2: memref<20480x128xf32, #tpu.memory_space<hbm>>, %arg3: memref<32x5x128xi32, #tpu.memory_space<hbm>>, %arg4: memref<2x10240x128xf32, #tpu.memory_space<hbm>>, %arg5: memref<5x128xi32, #tpu.memory_space<vmem>>, %arg6: memref<128x128xf32, #tpu.memory_space<vmem>>, %arg7: memref<32x128xf32, #tpu.memory_space<vmem>>, %arg8: memref<10240x128xf32, #tpu.memory_space<vmem_shared>>, %arg9: memref<!tpu.dma_semaphore, #tpu.memory_space<semaphore_mem>>) attributes {dimension_semantics = [#tpu.dimension_semantics<core_parallel>, #tpu.dimension_semantics<subcore_parallel>], iteration_bounds = array<i64: 2, 16>, scalar_prefetch = 0 : i64, scratch_operands = 5 : i64, tpu.core_type = #tpu.core_type<sc_vector_subcore>, window_params = [{transform_indices = #map}, {transform_indices = #map1}, {transform_indices = #map1}]} {
    %mul3A = arith.constant 2 : i32
    %mul3A_0 = arith.muli %arg1, %mul3A : i32
    %add3A = arith.addi %mul3A_0, %arg0 : i32
    %scan3A = arith.constant 0 : i32
    %scan3A_1 = arith.constant 0 : i32
    %scan3A_2 = arith.constant 32 : i32
    %scan3A_3 = arith.addi %scan3A_1, %scan3A_2 : i32
    %scan3A_4 = arith.constant 1 : i32
    %scan3A_5 = scf.for %scan3A_105 = %scan3A_1 to %scan3A_3 step %scan3A_4 iter_args(%scan3A_106 = %scan3A) -> (i32)  : i32 {
      %broadcast_in_dim3A = arith.constant 0.000000e+00 : f32
      %broadcast_in_dim3A_107 = vector.broadcast %broadcast_in_dim3A : f32 to vector<16xf32>
      %swap3A = arith.index_cast %scan3A_105 : i32 to index
      %swap3A_108 = arith.constant 0 : index
      %swap3A_109 = tpu.vector_load %arg7[%swap3A, %swap3A_108] {strides = array<i32>} : memref<32x128xf32, #tpu.memory_space<vmem>>, vector<1x16xf32>,
      %swap3A_110 = vector.shape_cast %swap3A_109 : vector<1x16xf32> to vector<16xf32>
      %swap3A_111 = vector.shape_cast %broadcast_in_dim3A_107 : vector<16xf32> to vector<1x16xf32>
      tpu.vector_store %arg7[%swap3A, %swap3A_108], %swap3A_111 {strides = array<i32>} : memref<32x128xf32, #tpu.memory_space<vmem>>, vector<1x16xf32>,
      %broadcast_in_dim3A_112 = arith.constant 0.000000e+00 : f32
      %broadcast_in_dim3A_113 = vector.broadcast %broadcast_in_dim3A_112 : f32 to vector<16xf32>
      %swap3A_114 = arith.index_cast %scan3A_105 : i32 to index
      %swap3A_115 = arith.constant 16 : index
      %swap3A_116 = tpu.vector_load %arg7[%swap3A_114, %swap3A_115] {strides = array<i32>} : memref<32x128xf32, #tpu.memory_space<vmem>>, vector<1x16xf32>,
      %swap3A_117 = vector.shape_cast %swap3A_116 : vector<1x16xf32> to vector<16xf32>
      %swap3A_118 = vector.shape_cast %broadcast_in_dim3A_113 : vector<16xf32> to vector<1x16xf32>
      tpu.vector_store %arg7[%swap3A_114, %swap3A_115], %swap3A_118 {strides = array<i32>} : memref<32x128xf32, #tpu.memory_space<vmem>>, vector<1x16xf32>,
      %broadcast_in_dim3A_119 = arith.constant 0.000000e+00 : f32
      %broadcast_in_dim3A_120 = vector.broadcast %broadcast_in_dim3A_119 : f32 to vector<16xf32>
      %swap3A_121 = arith.index_cast %scan3A_105 : i32 to index
      %swap3A_122 = arith.constant 32 : index
      %swap3A_123 = tpu.vector_load %arg7[%swap3A_121, %swap3A_122] {strides = array<i32>} : memref<32x128xf32, #tpu.memory_space<vmem>>, vector<1x16xf32>,
      %swap3A_124 = vector.shape_cast %swap3A_123 : vector<1x16xf32> to vector<16xf32>
      %swap3A_125 = vector.shape_cast %broadcast_in_dim3A_120 : vector<16xf32> to vector<1x16xf32>
      tpu.vector_store %arg7[%swap3A_121, %swap3A_122], %swap3A_125 {strides = array<i32>} : memref<32x128xf32, #tpu.memory_space<vmem>>, vector<1x16xf32>,
      %broadcast_in_dim3A_126 = arith.constant 0.000000e+00 : f32
      %broadcast_in_dim3A_127 = vector.broadcast %broadcast_in_dim3A_126 : f32 to vector<16xf32>
      %swap3A_128 = arith.index_cast %scan3A_105 : i32 to index
      %swap3A_129 = arith.constant 48 : index
      %swap3A_130 = tpu.vector_load %arg7[%swap3A_128, %swap3A_129] {strides = array<i32>} : memref<32x128xf32, #tpu.memory_space<vmem>>, vector<1x16xf32>,
      %swap3A_131 = vector.shape_cast %swap3A_130 : vector<1x16xf32> to vector<16xf32>
      %swap3A_132 = vector.shape_cast %broadcast_in_dim3A_127 : vector<16xf32> to vector<1x16xf32>
      tpu.vector_store %arg7[%swap3A_128, %swap3A_129], %swap3A_132 {strides = array<i32>} : memref<32x128xf32, #tpu.memory_space<vmem>>, vector<1x16xf32>,
      %broadcast_in_dim3A_133 = arith.constant 0.000000e+00 : f32
      %broadcast_in_dim3A_134 = vector.broadcast %broadcast_in_dim3A_133 : f32 to vector<16xf32>
      %swap3A_135 = arith.index_cast %scan3A_105 : i32 to index
      %swap3A_136 = arith.constant 64 : index
      %swap3A_137 = tpu.vector_load %arg7[%swap3A_135, %swap3A_136] {strides = array<i32>} : memref<32x128xf32, #tpu.memory_space<vmem>>, vector<1x16xf32>,
      %swap3A_138 = vector.shape_cast %swap3A_137 : vector<1x16xf32> to vector<16xf32>
      %swap3A_139 = vector.shape_cast %broadcast_in_dim3A_134 : vector<16xf32> to vector<1x16xf32>
      tpu.vector_store %arg7[%swap3A_135, %swap3A_136], %swap3A_139 {strides = array<i32>} : memref<32x128xf32, #tpu.memory_space<vmem>>, vector<1x16xf32>,
      %broadcast_in_dim3A_140 = arith.constant 0.000000e+00 : f32
      %broadcast_in_dim3A_141 = vector.broadcast %broadcast_in_dim3A_140 : f32 to vector<16xf32>
      %swap3A_142 = arith.index_cast %scan3A_105 : i32 to index
      %swap3A_143 = arith.constant 80 : index
      %swap3A_144 = tpu.vector_load %arg7[%swap3A_142, %swap3A_143] {strides = array<i32>} : memref<32x128xf32, #tpu.memory_space<vmem>>, vector<1x16xf32>,
      %swap3A_145 = vector.shape_cast %swap3A_144 : vector<1x16xf32> to vector<16xf32>
      %swap3A_146 = vector.shape_cast %broadcast_in_dim3A_141 : vector<16xf32> to vector<1x16xf32>
      tpu.vector_store %arg7[%swap3A_142, %swap3A_143], %swap3A_146 {strides = array<i32>} : memref<32x128xf32, #tpu.memory_space<vmem>>, vector<1x16xf32>,
      %broadcast_in_dim3A_147 = arith.constant 0.000000e+00 : f32
      %broadcast_in_dim3A_148 = vector.broadcast %broadcast_in_dim3A_147 : f32 to vector<16xf32>
      %swap3A_149 = arith.index_cast %scan3A_105 : i32 to index
      %swap3A_150 = arith.constant 96 : index
      %swap3A_151 = tpu.vector_load %arg7[%swap3A_149, %swap3A_150] {strides = array<i32>} : memref<32x128xf32, #tpu.memory_space<vmem>>, vector<1x16xf32>,
      %swap3A_152 = vector.shape_cast %swap3A_151 : vector<1x16xf32> to vector<16xf32>
      %swap3A_153 = vector.shape_cast %broadcast_in_dim3A_148 : vector<16xf32> to vector<1x16xf32>
      tpu.vector_store %arg7[%swap3A_149, %swap3A_150], %swap3A_153 {strides = array<i32>} : memref<32x128xf32, #tpu.memory_space<vmem>>, vector<1x16xf32>,
      %broadcast_in_dim3A_154 = arith.constant 0.000000e+00 : f32
      %broadcast_in_dim3A_155 = vector.broadcast %broadcast_in_dim3A_154 : f32 to vector<16xf32>
      %swap3A_156 = arith.index_cast %scan3A_105 : i32 to index
      %swap3A_157 = arith.constant 112 : index
      %swap3A_158 = tpu.vector_load %arg7[%swap3A_156, %swap3A_157] {strides = array<i32>} : memref<32x128xf32, #tpu.memory_space<vmem>>, vector<1x16xf32>,
      %swap3A_159 = vector.shape_cast %swap3A_158 : vector<1x16xf32> to vector<16xf32>
      %swap3A_160 = vector.shape_cast %broadcast_in_dim3A_155 : vector<16xf32> to vector<1x16xf32>
      tpu.vector_store %arg7[%swap3A_156, %swap3A_157], %swap3A_160 {strides = array<i32>} : memref<32x128xf32, #tpu.memory_space<vmem>>, vector<1x16xf32>,
      %scan3A_161 = arith.constant 0 : i32
      scf.yield %scan3A_161 : i32
    }
    %scan3A_6 = arith.constant 32 : i32
    %mul3A_7 = arith.constant 640 : i32
    %mul3A_8 = arith.muli %arg1, %mul3A_7 : i32
    %multiple_of3A = tpu.assume_multiple %mul3A_8, 8 : i32
    %add3A_9 = arith.constant 0 : i32
    %add3A_10 = arith.addi %multiple_of3A, %add3A_9 : i32
    "tpu.region"() ({
      %run_scoped3A_105 = tpu.sem_alloc : memref<!tpu.dma_semaphore, #tpu.memory_space<semaphore_mem>>
      %dma_start3A_106 = arith.constant 0 : i32
      %dma_start3A_107 = tpu.memref_slice %arg8[%add3A_10, %dma_start3A_106] : memref<10240x128xf32, #tpu.memory_space<vmem_shared>> -> memref<32x128xf32, #tpu.memory_space<vmem_shared>>
      %dma_start3A_108 = arith.constant 0 : i32
      %dma_start3A_109 = tpu.memref_slice %arg8[%add3A_10, %dma_start3A_108] : memref<10240x128xf32, #tpu.memory_space<vmem_shared>> -> memref<32x128xf32, #tpu.memory_space<vmem_shared>>
      tpu.enqueue_dma source(%arg7 : memref<32x128xf32, #tpu.memory_space<vmem>>) target(%dma_start3A_109 : memref<32x128xf32, #tpu.memory_space<vmem_shared>>) target_semaphore(%run_scoped3A_105 : memref<!tpu.dma_semaphore, #tpu.memory_space<semaphore_mem>>)
      %dma_wait3A_110 = arith.constant 0 : i32
      %dma_wait3A_111 = tpu.memref_slice %arg8[%add3A_10, %dma_wait3A_110] : memref<10240x128xf32, #tpu.memory_space<vmem_shared>> -> memref<32x128xf32, #tpu.memory_space<vmem_shared>>
      %dma_wait3A_112 = arith.constant 0 : i32
      %dma_wait3A_113 = tpu.memref_slice %arg8[%add3A_10, %dma_wait3A_112] : memref<10240x128xf32, #tpu.memory_space<vmem_shared>> -> memref<32x128xf32, #tpu.memory_space<vmem_shared>>
      tpu.wait_dma2 semaphore(%run_scoped3A_105 : memref<!tpu.dma_semaphore, #tpu.memory_space<semaphore_mem>>) src(%arg7 : memref<32x128xf32, #tpu.memory_space<vmem>>) dst(%dma_wait3A_113 : memref<32x128xf32, #tpu.memory_space<vmem_shared>>)
      tpu.yield
    }) : () -> ()
    %add3A_11 = arith.constant 32 : i32
    %add3A_12 = arith.addi %multiple_of3A, %add3A_11 : i32
    "tpu.region"() ({
      %run_scoped3A_105 = tpu.sem_alloc : memref<!tpu.dma_semaphore, #tpu.memory_space<semaphore_mem>>
      %dma_start3A_106 = arith.constant 0 : i32
      %dma_start3A_107 = tpu.memref_slice %arg8[%add3A_12, %dma_start3A_106] : memref<10240x128xf32, #tpu.memory_space<vmem_shared>> -> memref<32x128xf32, #tpu.memory_space<vmem_shared>>
      %dma_start3A_108 = arith.constant 0 : i32
      %dma_start3A_109 = tpu.memref_slice %arg8[%add3A_12, %dma_start3A_108] : memref<10240x128xf32, #tpu.memory_space<vmem_shared>> -> memref<32x128xf32, #tpu.memory_space<vmem_shared>>
      tpu.enqueue_dma source(%arg7 : memref<32x128xf32, #tpu.memory_space<vmem>>) target(%dma_start3A_109 : memref<32x128xf32, #tpu.memory_space<vmem_shared>>) target_semaphore(%run_scoped3A_105 : memref<!tpu.dma_semaphore, #tpu.memory_space<semaphore_mem>>)
      %dma_wait3A_110 = arith.constant 0 : i32
      %dma_wait3A_111 = tpu.memref_slice %arg8[%add3A_12, %dma_wait3A_110] : memref<10240x128xf32, #tpu.memory_space<vmem_shared>> -> memref<32x128xf32, #tpu.memory_space<vmem_shared>>
      %dma_wait3A_112 = arith.constant 0 : i32
      %dma_wait3A_113 = tpu.memref_slice %arg8[%add3A_12, %dma_wait3A_112] : memref<10240x128xf32, #tpu.memory_space<vmem_shared>> -> memref<32x128xf32, #tpu.memory_space<vmem_shared>>
      tpu.wait_dma2 semaphore(%run_scoped3A_105 : memref<!tpu.dma_semaphore, #tpu.memory_space<semaphore_mem>>) src(%arg7 : memref<32x128xf32, #tpu.memory_space<vmem>>) dst(%dma_wait3A_113 : memref<32x128xf32, #tpu.memory_space<vmem_shared>>)
      tpu.yield
    }) : () -> ()
    %add3A_13 = arith.constant 64 : i32
    %add3A_14 = arith.addi %multiple_of3A, %add3A_13 : i32
    "tpu.region"() ({
      %run_scoped3A_105 = tpu.sem_alloc : memref<!tpu.dma_semaphore, #tpu.memory_space<semaphore_mem>>
      %dma_start3A_106 = arith.constant 0 : i32
      %dma_start3A_107 = tpu.memref_slice %arg8[%add3A_14, %dma_start3A_106] : memref<10240x128xf32, #tpu.memory_space<vmem_shared>> -> memref<32x128xf32, #tpu.memory_space<vmem_shared>>
      %dma_start3A_108 = arith.constant 0 : i32
      %dma_start3A_109 = tpu.memref_slice %arg8[%add3A_14, %dma_start3A_108] : memref<10240x128xf32, #tpu.memory_space<vmem_shared>> -> memref<32x128xf32, #tpu.memory_space<vmem_shared>>
      tpu.enqueue_dma source(%arg7 : memref<32x128xf32, #tpu.memory_space<vmem>>) target(%dma_start3A_109 : memref<32x128xf32, #tpu.memory_space<vmem_shared>>) target_semaphore(%run_scoped3A_105 : memref<!tpu.dma_semaphore, #tpu.memory_space<semaphore_mem>>)
      %dma_wait3A_110 = arith.constant 0 : i32
      %dma_wait3A_111 = tpu.memref_slice %arg8[%add3A_14, %dma_wait3A_110] : memref<10240x128xf32, #tpu.memory_space<vmem_shared>> -> memref<32x128xf32, #tpu.memory_space<vmem_shared>>
      %dma_wait3A_112 = arith.constant 0 : i32
      %dma_wait3A_113 = tpu.memref_slice %arg8[%add3A_14, %dma_wait3A_112] : memref<10240x128xf32, #tpu.memory_space<vmem_shared>> -> memref<32x128xf32, #tpu.memory_space<vmem_shared>>
      tpu.wait_dma2 semaphore(%run_scoped3A_105 : memref<!tpu.dma_semaphore, #tpu.memory_space<semaphore_mem>>) src(%arg7 : memref<32x128xf32, #tpu.memory_space<vmem>>) dst(%dma_wait3A_113 : memref<32x128xf32, #tpu.memory_space<vmem_shared>>)
      tpu.yield
    }) : () -> ()
    %add3A_15 = arith.constant 96 : i32
    %add3A_16 = arith.addi %multiple_of3A, %add3A_15 : i32
    "tpu.region"() ({
      %run_scoped3A_105 = tpu.sem_alloc : memref<!tpu.dma_semaphore, #tpu.memory_space<semaphore_mem>>
      %dma_start3A_106 = arith.constant 0 : i32
      %dma_start3A_107 = tpu.memref_slice %arg8[%add3A_16, %dma_start3A_106] : memref<10240x128xf32, #tpu.memory_space<vmem_shared>> -> memref<32x128xf32, #tpu.memory_space<vmem_shared>>
      %dma_start3A_108 = arith.constant 0 : i32
      %dma_start3A_109 = tpu.memref_slice %arg8[%add3A_16, %dma_start3A_108] : memref<10240x128xf32, #tpu.memory_space<vmem_shared>> -> memref<32x128xf32, #tpu.memory_space<vmem_shared>>
      tpu.enqueue_dma source(%arg7 : memref<32x128xf32, #tpu.memory_space<vmem>>) target(%dma_start3A_109 : memref<32x128xf32, #tpu.memory_space<vmem_shared>>) target_semaphore(%run_scoped3A_105 : memref<!tpu.dma_semaphore, #tpu.memory_space<semaphore_mem>>)
      %dma_wait3A_110 = arith.constant 0 : i32
      %dma_wait3A_111 = tpu.memref_slice %arg8[%add3A_16, %dma_wait3A_110] : memref<10240x128xf32, #tpu.memory_space<vmem_shared>> -> memref<32x128xf32, #tpu.memory_space<vmem_shared>>
      %dma_wait3A_112 = arith.constant 0 : i32
      %dma_wait3A_113 = tpu.memref_slice %arg8[%add3A_16, %dma_wait3A_112] : memref<10240x128xf32, #tpu.memory_space<vmem_shared>> -> memref<32x128xf32, #tpu.memory_space<vmem_shared>>
      tpu.wait_dma2 semaphore(%run_scoped3A_105 : memref<!tpu.dma_semaphore, #tpu.memory_space<semaphore_mem>>) src(%arg7 : memref<32x128xf32, #tpu.memory_space<vmem>>) dst(%dma_wait3A_113 : memref<32x128xf32, #tpu.memory_space<vmem_shared>>)
      tpu.yield
    }) : () -> ()
    %add3A_17 = arith.constant 128 : i32
    %add3A_18 = arith.addi %multiple_of3A, %add3A_17 : i32
    "tpu.region"() ({
      %run_scoped3A_105 = tpu.sem_alloc : memref<!tpu.dma_semaphore, #tpu.memory_space<semaphore_mem>>
      %dma_start3A_106 = arith.constant 0 : i32
      %dma_start3A_107 = tpu.memref_slice %arg8[%add3A_18, %dma_start3A_106] : memref<10240x128xf32, #tpu.memory_space<vmem_shared>> -> memref<32x128xf32, #tpu.memory_space<vmem_shared>>
      %dma_start3A_108 = arith.constant 0 : i32
      %dma_start3A_109 = tpu.memref_slice %arg8[%add3A_18, %dma_start3A_108] : memref<10240x128xf32, #tpu.memory_space<vmem_shared>> -> memref<32x128xf32, #tpu.memory_space<vmem_shared>>
      tpu.enqueue_dma source(%arg7 : memref<32x128xf32, #tpu.memory_space<vmem>>) target(%dma_start3A_109 : memref<32x128xf32, #tpu.memory_space<vmem_shared>>) target_semaphore(%run_scoped3A_105 : memref<!tpu.dma_semaphore, #tpu.memory_space<semaphore_mem>>)
      %dma_wait3A_110 = arith.constant 0 : i32
      %dma_wait3A_111 = tpu.memref_slice %arg8[%add3A_18, %dma_wait3A_110] : memref<10240x128xf32, #tpu.memory_space<vmem_shared>> -> memref<32x128xf32, #tpu.memory_space<vmem_shared>>
      %dma_wait3A_112 = arith.constant 0 : i32
      %dma_wait3A_113 = tpu.memref_slice %arg8[%add3A_18, %dma_wait3A_112] : memref<10240x128xf32, #tpu.memory_space<vmem_shared>> -> memref<32x128xf32, #tpu.memory_space<vmem_shared>>
      tpu.wait_dma2 semaphore(%run_scoped3A_105 : memref<!tpu.dma_semaphore, #tpu.memory_space<semaphore_mem>>) src(%arg7 : memref<32x128xf32, #tpu.memory_space<vmem>>) dst(%dma_wait3A_113 : memref<32x128xf32, #tpu.memory_space<vmem_shared>>)
      tpu.yield
    }) : () -> ()
    %add3A_19 = arith.constant 160 : i32
    %add3A_20 = arith.addi %multiple_of3A, %add3A_19 : i32
    "tpu.region"() ({
      %run_scoped3A_105 = tpu.sem_alloc : memref<!tpu.dma_semaphore, #tpu.memory_space<semaphore_mem>>
      %dma_start3A_106 = arith.constant 0 : i32
      %dma_start3A_107 = tpu.memref_slice %arg8[%add3A_20, %dma_start3A_106] : memref<10240x128xf32, #tpu.memory_space<vmem_shared>> -> memref<32x128xf32, #tpu.memory_space<vmem_shared>>
      %dma_start3A_108 = arith.constant 0 : i32
      %dma_start3A_109 = tpu.memref_slice %arg8[%add3A_20, %dma_start3A_108] : memref<10240x128xf32, #tpu.memory_space<vmem_shared>> -> memref<32x128xf32, #tpu.memory_space<vmem_shared>>
      tpu.enqueue_dma source(%arg7 : memref<32x128xf32, #tpu.memory_space<vmem>>) target(%dma_start3A_109 : memref<32x128xf32, #tpu.memory_space<vmem_shared>>) target_semaphore(%run_scoped3A_105 : memref<!tpu.dma_semaphore, #tpu.memory_space<semaphore_mem>>)
      %dma_wait3A_110 = arith.constant 0 : i32
      %dma_wait3A_111 = tpu.memref_slice %arg8[%add3A_20, %dma_wait3A_110] : memref<10240x128xf32, #tpu.memory_space<vmem_shared>> -> memref<32x128xf32, #tpu.memory_space<vmem_shared>>
      %dma_wait3A_112 = arith.constant 0 : i32
      %dma_wait3A_113 = tpu.memref_slice %arg8[%add3A_20, %dma_wait3A_112] : memref<10240x128xf32, #tpu.memory_space<vmem_shared>> -> memref<32x128xf32, #tpu.memory_space<vmem_shared>>
      tpu.wait_dma2 semaphore(%run_scoped3A_105 : memref<!tpu.dma_semaphore, #tpu.memory_space<semaphore_mem>>) src(%arg7 : memref<32x128xf32, #tpu.memory_space<vmem>>) dst(%dma_wait3A_113 : memref<32x128xf32, #tpu.memory_space<vmem_shared>>)
      tpu.yield
    }) : () -> ()
    %add3A_21 = arith.constant 192 : i32
    %add3A_22 = arith.addi %multiple_of3A, %add3A_21 : i32
    "tpu.region"() ({
      %run_scoped3A_105 = tpu.sem_alloc : memref<!tpu.dma_semaphore, #tpu.memory_space<semaphore_mem>>
      %dma_start3A_106 = arith.constant 0 : i32
      %dma_start3A_107 = tpu.memref_slice %arg8[%add3A_22, %dma_start3A_106] : memref<10240x128xf32, #tpu.memory_space<vmem_shared>> -> memref<32x128xf32, #tpu.memory_space<vmem_shared>>
      %dma_start3A_108 = arith.constant 0 : i32
      %dma_start3A_109 = tpu.memref_slice %arg8[%add3A_22, %dma_start3A_108] : memref<10240x128xf32, #tpu.memory_space<vmem_shared>> -> memref<32x128xf32, #tpu.memory_space<vmem_shared>>
      tpu.enqueue_dma source(%arg7 : memref<32x128xf32, #tpu.memory_space<vmem>>) target(%dma_start3A_109 : memref<32x128xf32, #tpu.memory_space<vmem_shared>>) target_semaphore(%run_scoped3A_105 : memref<!tpu.dma_semaphore, #tpu.memory_space<semaphore_mem>>)
      %dma_wait3A_110 = arith.constant 0 : i32
      %dma_wait3A_111 = tpu.memref_slice %arg8[%add3A_22, %dma_wait3A_110] : memref<10240x128xf32, #tpu.memory_space<vmem_shared>> -> memref<32x128xf32, #tpu.memory_space<vmem_shared>>
      %dma_wait3A_112 = arith.constant 0 : i32
      %dma_wait3A_113 = tpu.memref_slice %arg8[%add3A_22, %dma_wait3A_112] : memref<10240x128xf32, #tpu.memory_space<vmem_shared>> -> memref<32x128xf32, #tpu.memory_space<vmem_shared>>
      tpu.wait_dma2 semaphore(%run_scoped3A_105 : memref<!tpu.dma_semaphore, #tpu.memory_space<semaphore_mem>>) src(%arg7 : memref<32x128xf32, #tpu.memory_space<vmem>>) dst(%dma_wait3A_113 : memref<32x128xf32, #tpu.memory_space<vmem_shared>>)
      tpu.yield
    }) : () -> ()
    %add3A_23 = arith.constant 224 : i32
    %add3A_24 = arith.addi %multiple_of3A, %add3A_23 : i32
    "tpu.region"() ({
      %run_scoped3A_105 = tpu.sem_alloc : memref<!tpu.dma_semaphore, #tpu.memory_space<semaphore_mem>>
      %dma_start3A_106 = arith.constant 0 : i32
      %dma_start3A_107 = tpu.memref_slice %arg8[%add3A_24, %dma_start3A_106] : memref<10240x128xf32, #tpu.memory_space<vmem_shared>> -> memref<32x128xf32, #tpu.memory_space<vmem_shared>>
      %dma_start3A_108 = arith.constant 0 : i32
      %dma_start3A_109 = tpu.memref_slice %arg8[%add3A_24, %dma_start3A_108] : memref<10240x128xf32, #tpu.memory_space<vmem_shared>> -> memref<32x128xf32, #tpu.memory_space<vmem_shared>>
      tpu.enqueue_dma source(%arg7 : memref<32x128xf32, #tpu.memory_space<vmem>>) target(%dma_start3A_109 : memref<32x128xf32, #tpu.memory_space<vmem_shared>>) target_semaphore(%run_scoped3A_105 : memref<!tpu.dma_semaphore, #tpu.memory_space<semaphore_mem>>)
      %dma_wait3A_110 = arith.constant 0 : i32
      %dma_wait3A_111 = tpu.memref_slice %arg8[%add3A_24, %dma_wait3A_110] : memref<10240x128xf32, #tpu.memory_space<vmem_shared>> -> memref<32x128xf32, #tpu.memory_space<vmem_shared>>
      %dma_wait3A_112 = arith.constant 0 : i32
      %dma_wait3A_113 = tpu.memref_slice %arg8[%add3A_24, %dma_wait3A_112] : memref<10240x128xf32, #tpu.memory_space<vmem_shared>> -> memref<32x128xf32, #tpu.memory_space<vmem_shared>>
      tpu.wait_dma2 semaphore(%run_scoped3A_105 : memref<!tpu.dma_semaphore, #tpu.memory_space<semaphore_mem>>) src(%arg7 : memref<32x128xf32, #tpu.memory_space<vmem>>) dst(%dma_wait3A_113 : memref<32x128xf32, #tpu.memory_space<vmem_shared>>)
      tpu.yield
    }) : () -> ()
    %add3A_25 = arith.constant 256 : i32
    %add3A_26 = arith.addi %multiple_of3A, %add3A_25 : i32
    "tpu.region"() ({
      %run_scoped3A_105 = tpu.sem_alloc : memref<!tpu.dma_semaphore, #tpu.memory_space<semaphore_mem>>
      %dma_start3A_106 = arith.constant 0 : i32
      %dma_start3A_107 = tpu.memref_slice %arg8[%add3A_26, %dma_start3A_106] : memref<10240x128xf32, #tpu.memory_space<vmem_shared>> -> memref<32x128xf32, #tpu.memory_space<vmem_shared>>
      %dma_start3A_108 = arith.constant 0 : i32
      %dma_start3A_109 = tpu.memref_slice %arg8[%add3A_26, %dma_start3A_108] : memref<10240x128xf32, #tpu.memory_space<vmem_shared>> -> memref<32x128xf32, #tpu.memory_space<vmem_shared>>
      tpu.enqueue_dma source(%arg7 : memref<32x128xf32, #tpu.memory_space<vmem>>) target(%dma_start3A_109 : memref<32x128xf32, #tpu.memory_space<vmem_shared>>) target_semaphore(%run_scoped3A_105 : memref<!tpu.dma_semaphore, #tpu.memory_space<semaphore_mem>>)
      %dma_wait3A_110 = arith.constant 0 : i32
      %dma_wait3A_111 = tpu.memref_slice %arg8[%add3A_26, %dma_wait3A_110] : memref<10240x128xf32, #tpu.memory_space<vmem_shared>> -> memref<32x128xf32, #tpu.memory_space<vmem_shared>>
      %dma_wait3A_112 = arith.constant 0 : i32
      %dma_wait3A_113 = tpu.memref_slice %arg8[%add3A_26, %dma_wait3A_112] : memref<10240x128xf32, #tpu.memory_space<vmem_shared>> -> memref<32x128xf32, #tpu.memory_space<vmem_shared>>
      tpu.wait_dma2 semaphore(%run_scoped3A_105 : memref<!tpu.dma_semaphore, #tpu.memory_space<semaphore_mem>>) src(%arg7 : memref<32x128xf32, #tpu.memory_space<vmem>>) dst(%dma_wait3A_113 : memref<32x128xf32, #tpu.memory_space<vmem_shared>>)
      tpu.yield
    }) : () -> ()
    %add3A_27 = arith.constant 288 : i32
    %add3A_28 = arith.addi %multiple_of3A, %add3A_27 : i32
    "tpu.region"() ({
      %run_scoped3A_105 = tpu.sem_alloc : memref<!tpu.dma_semaphore, #tpu.memory_space<semaphore_mem>>
      %dma_start3A_106 = arith.constant 0 : i32
      %dma_start3A_107 = tpu.memref_slice %arg8[%add3A_28, %dma_start3A_106] : memref<10240x128xf32, #tpu.memory_space<vmem_shared>> -> memref<32x128xf32, #tpu.memory_space<vmem_shared>>
      %dma_start3A_108 = arith.constant 0 : i32
      %dma_start3A_109 = tpu.memref_slice %arg8[%add3A_28, %dma_start3A_108] : memref<10240x128xf32, #tpu.memory_space<vmem_shared>> -> memref<32x128xf32, #tpu.memory_space<vmem_shared>>
      tpu.enqueue_dma source(%arg7 : memref<32x128xf32, #tpu.memory_space<vmem>>) target(%dma_start3A_109 : memref<32x128xf32, #tpu.memory_space<vmem_shared>>) target_semaphore(%run_scoped3A_105 : memref<!tpu.dma_semaphore, #tpu.memory_space<semaphore_mem>>)
      %dma_wait3A_110 = arith.constant 0 : i32
      %dma_wait3A_111 = tpu.memref_slice %arg8[%add3A_28, %dma_wait3A_110] : memref<10240x128xf32, #tpu.memory_space<vmem_shared>> -> memref<32x128xf32, #tpu.memory_space<vmem_shared>>
      %dma_wait3A_112 = arith.constant 0 : i32
      %dma_wait3A_113 = tpu.memref_slice %arg8[%add3A_28, %dma_wait3A_112] : memref<10240x128xf32, #tpu.memory_space<vmem_shared>> -> memref<32x128xf32, #tpu.memory_space<vmem_shared>>
      tpu.wait_dma2 semaphore(%run_scoped3A_105 : memref<!tpu.dma_semaphore, #tpu.memory_space<semaphore_mem>>) src(%arg7 : memref<32x128xf32, #tpu.memory_space<vmem>>) dst(%dma_wait3A_113 : memref<32x128xf32, #tpu.memory_space<vmem_shared>>)
      tpu.yield
    }) : () -> ()
    %add3A_29 = arith.constant 320 : i32
    %add3A_30 = arith.addi %multiple_of3A, %add3A_29 : i32
    "tpu.region"() ({
      %run_scoped3A_105 = tpu.sem_alloc : memref<!tpu.dma_semaphore, #tpu.memory_space<semaphore_mem>>
      %dma_start3A_106 = arith.constant 0 : i32
      %dma_start3A_107 = tpu.memref_slice %arg8[%add3A_30, %dma_start3A_106] : memref<10240x128xf32, #tpu.memory_space<vmem_shared>> -> memref<32x128xf32, #tpu.memory_space<vmem_shared>>
      %dma_start3A_108 = arith.constant 0 : i32
      %dma_start3A_109 = tpu.memref_slice %arg8[%add3A_30, %dma_start3A_108] : memref<10240x128xf32, #tpu.memory_space<vmem_shared>> -> memref<32x128xf32, #tpu.memory_space<vmem_shared>>
      tpu.enqueue_dma source(%arg7 : memref<32x128xf32, #tpu.memory_space<vmem>>) target(%dma_start3A_109 : memref<32x128xf32, #tpu.memory_space<vmem_shared>>) target_semaphore(%run_scoped3A_105 : memref<!tpu.dma_semaphore, #tpu.memory_space<semaphore_mem>>)
      %dma_wait3A_110 = arith.constant 0 : i32
      %dma_wait3A_111 = tpu.memref_slice %arg8[%add3A_30, %dma_wait3A_110] : memref<10240x128xf32, #tpu.memory_space<vmem_shared>> -> memref<32x128xf32, #tpu.memory_space<vmem_shared>>
      %dma_wait3A_112 = arith.constant 0 : i32
      %dma_wait3A_113 = tpu.memref_slice %arg8[%add3A_30, %dma_wait3A_112] : memref<10240x128xf32, #tpu.memory_space<vmem_shared>> -> memref<32x128xf32, #tpu.memory_space<vmem_shared>>
      tpu.wait_dma2 semaphore(%run_scoped3A_105 : memref<!tpu.dma_semaphore, #tpu.memory_space<semaphore_mem>>) src(%arg7 : memref<32x128xf32, #tpu.memory_space<vmem>>) dst(%dma_wait3A_113 : memref<32x128xf32, #tpu.memory_space<vmem_shared>>)
      tpu.yield
    }) : () -> ()
    %add3A_31 = arith.constant 352 : i32
    %add3A_32 = arith.addi %multiple_of3A, %add3A_31 : i32
    "tpu.region"() ({
      %run_scoped3A_105 = tpu.sem_alloc : memref<!tpu.dma_semaphore, #tpu.memory_space<semaphore_mem>>
      %dma_start3A_106 = arith.constant 0 : i32
      %dma_start3A_107 = tpu.memref_slice %arg8[%add3A_32, %dma_start3A_106] : memref<10240x128xf32, #tpu.memory_space<vmem_shared>> -> memref<32x128xf32, #tpu.memory_space<vmem_shared>>
      %dma_start3A_108 = arith.constant 0 : i32
      %dma_start3A_109 = tpu.memref_slice %arg8[%add3A_32, %dma_start3A_108] : memref<10240x128xf32, #tpu.memory_space<vmem_shared>> -> memref<32x128xf32, #tpu.memory_space<vmem_shared>>
      tpu.enqueue_dma source(%arg7 : memref<32x128xf32, #tpu.memory_space<vmem>>) target(%dma_start3A_109 : memref<32x128xf32, #tpu.memory_space<vmem_shared>>) target_semaphore(%run_scoped3A_105 : memref<!tpu.dma_semaphore, #tpu.memory_space<semaphore_mem>>)
      %dma_wait3A_110 = arith.constant 0 : i32
      %dma_wait3A_111 = tpu.memref_slice %arg8[%add3A_32, %dma_wait3A_110] : memref<10240x128xf32, #tpu.memory_space<vmem_shared>> -> memref<32x128xf32, #tpu.memory_space<vmem_shared>>
      %dma_wait3A_112 = arith.constant 0 : i32
      %dma_wait3A_113 = tpu.memref_slice %arg8[%add3A_32, %dma_wait3A_112] : memref<10240x128xf32, #tpu.memory_space<vmem_shared>> -> memref<32x128xf32, #tpu.memory_space<vmem_shared>>
      tpu.wait_dma2 semaphore(%run_scoped3A_105 : memref<!tpu.dma_semaphore, #tpu.memory_space<semaphore_mem>>) src(%arg7 : memref<32x128xf32, #tpu.memory_space<vmem>>) dst(%dma_wait3A_113 : memref<32x128xf32, #tpu.memory_space<vmem_shared>>)
      tpu.yield
    }) : () -> ()
    %add3A_33 = arith.constant 384 : i32
    %add3A_34 = arith.addi %multiple_of3A, %add3A_33 : i32
    "tpu.region"() ({
      %run_scoped3A_105 = tpu.sem_alloc : memref<!tpu.dma_semaphore, #tpu.memory_space<semaphore_mem>>
      %dma_start3A_106 = arith.constant 0 : i32
      %dma_start3A_107 = tpu.memref_slice %arg8[%add3A_34, %dma_start3A_106] : memref<10240x128xf32, #tpu.memory_space<vmem_shared>> -> memref<32x128xf32, #tpu.memory_space<vmem_shared>>
      %dma_start3A_108 = arith.constant 0 : i32
      %dma_start3A_109 = tpu.memref_slice %arg8[%add3A_34, %dma_start3A_108] : memref<10240x128xf32, #tpu.memory_space<vmem_shared>> -> memref<32x128xf32, #tpu.memory_space<vmem_shared>>
      tpu.enqueue_dma source(%arg7 : memref<32x128xf32, #tpu.memory_space<vmem>>) target(%dma_start3A_109 : memref<32x128xf32, #tpu.memory_space<vmem_shared>>) target_semaphore(%run_scoped3A_105 : memref<!tpu.dma_semaphore, #tpu.memory_space<semaphore_mem>>)
      %dma_wait3A_110 = arith.constant 0 : i32
      %dma_wait3A_111 = tpu.memref_slice %arg8[%add3A_34, %dma_wait3A_110] : memref<10240x128xf32, #tpu.memory_space<vmem_shared>> -> memref<32x128xf32, #tpu.memory_space<vmem_shared>>
      %dma_wait3A_112 = arith.constant 0 : i32
      %dma_wait3A_113 = tpu.memref_slice %arg8[%add3A_34, %dma_wait3A_112] : memref<10240x128xf32, #tpu.memory_space<vmem_shared>> -> memref<32x128xf32, #tpu.memory_space<vmem_shared>>
      tpu.wait_dma2 semaphore(%run_scoped3A_105 : memref<!tpu.dma_semaphore, #tpu.memory_space<semaphore_mem>>) src(%arg7 : memref<32x128xf32, #tpu.memory_space<vmem>>) dst(%dma_wait3A_113 : memref<32x128xf32, #tpu.memory_space<vmem_shared>>)
      tpu.yield
    }) : () -> ()
    %add3A_35 = arith.constant 416 : i32
    %add3A_36 = arith.addi %multiple_of3A, %add3A_35 : i32
    "tpu.region"() ({
      %run_scoped3A_105 = tpu.sem_alloc : memref<!tpu.dma_semaphore, #tpu.memory_space<semaphore_mem>>
      %dma_start3A_106 = arith.constant 0 : i32
      %dma_start3A_107 = tpu.memref_slice %arg8[%add3A_36, %dma_start3A_106] : memref<10240x128xf32, #tpu.memory_space<vmem_shared>> -> memref<32x128xf32, #tpu.memory_space<vmem_shared>>
      %dma_start3A_108 = arith.constant 0 : i32
      %dma_start3A_109 = tpu.memref_slice %arg8[%add3A_36, %dma_start3A_108] : memref<10240x128xf32, #tpu.memory_space<vmem_shared>> -> memref<32x128xf32, #tpu.memory_space<vmem_shared>>
      tpu.enqueue_dma source(%arg7 : memref<32x128xf32, #tpu.memory_space<vmem>>) target(%dma_start3A_109 : memref<32x128xf32, #tpu.memory_space<vmem_shared>>) target_semaphore(%run_scoped3A_105 : memref<!tpu.dma_semaphore, #tpu.memory_space<semaphore_mem>>)
      %dma_wait3A_110 = arith.constant 0 : i32
      %dma_wait3A_111 = tpu.memref_slice %arg8[%add3A_36, %dma_wait3A_110] : memref<10240x128xf32, #tpu.memory_space<vmem_shared>> -> memref<32x128xf32, #tpu.memory_space<vmem_shared>>
      %dma_wait3A_112 = arith.constant 0 : i32
      %dma_wait3A_113 = tpu.memref_slice %arg8[%add3A_36, %dma_wait3A_112] : memref<10240x128xf32, #tpu.memory_space<vmem_shared>> -> memref<32x128xf32, #tpu.memory_space<vmem_shared>>
      tpu.wait_dma2 semaphore(%run_scoped3A_105 : memref<!tpu.dma_semaphore, #tpu.memory_space<semaphore_mem>>) src(%arg7 : memref<32x128xf32, #tpu.memory_space<vmem>>) dst(%dma_wait3A_113 : memref<32x128xf32, #tpu.memory_space<vmem_shared>>)
      tpu.yield
    }) : () -> ()
    %add3A_37 = arith.constant 448 : i32
    %add3A_38 = arith.addi %multiple_of3A, %add3A_37 : i32
    "tpu.region"() ({
      %run_scoped3A_105 = tpu.sem_alloc : memref<!tpu.dma_semaphore, #tpu.memory_space<semaphore_mem>>
      %dma_start3A_106 = arith.constant 0 : i32
      %dma_start3A_107 = tpu.memref_slice %arg8[%add3A_38, %dma_start3A_106] : memref<10240x128xf32, #tpu.memory_space<vmem_shared>> -> memref<32x128xf32, #tpu.memory_space<vmem_shared>>
      %dma_start3A_108 = arith.constant 0 : i32
      %dma_start3A_109 = tpu.memref_slice %arg8[%add3A_38, %dma_start3A_108] : memref<10240x128xf32, #tpu.memory_space<vmem_shared>> -> memref<32x128xf32, #tpu.memory_space<vmem_shared>>
      tpu.enqueue_dma source(%arg7 : memref<32x128xf32, #tpu.memory_space<vmem>>) target(%dma_start3A_109 : memref<32x128xf32, #tpu.memory_space<vmem_shared>>) target_semaphore(%run_scoped3A_105 : memref<!tpu.dma_semaphore, #tpu.memory_space<semaphore_mem>>)
      %dma_wait3A_110 = arith.constant 0 : i32
      %dma_wait3A_111 = tpu.memref_slice %arg8[%add3A_38, %dma_wait3A_110] : memref<10240x128xf32, #tpu.memory_space<vmem_shared>> -> memref<32x128xf32, #tpu.memory_space<vmem_shared>>
      %dma_wait3A_112 = arith.constant 0 : i32
      %dma_wait3A_113 = tpu.memref_slice %arg8[%add3A_38, %dma_wait3A_112] : memref<10240x128xf32, #tpu.memory_space<vmem_shared>> -> memref<32x128xf32, #tpu.memory_space<vmem_shared>>
      tpu.wait_dma2 semaphore(%run_scoped3A_105 : memref<!tpu.dma_semaphore, #tpu.memory_space<semaphore_mem>>) src(%arg7 : memref<32x128xf32, #tpu.memory_space<vmem>>) dst(%dma_wait3A_113 : memref<32x128xf32, #tpu.memory_space<vmem_shared>>)
      tpu.yield
    }) : () -> ()
    %add3A_39 = arith.constant 480 : i32
    %add3A_40 = arith.addi %multiple_of3A, %add3A_39 : i32
    "tpu.region"() ({
      %run_scoped3A_105 = tpu.sem_alloc : memref<!tpu.dma_semaphore, #tpu.memory_space<semaphore_mem>>
      %dma_start3A_106 = arith.constant 0 : i32
      %dma_start3A_107 = tpu.memref_slice %arg8[%add3A_40, %dma_start3A_106] : memref<10240x128xf32, #tpu.memory_space<vmem_shared>> -> memref<32x128xf32, #tpu.memory_space<vmem_shared>>
      %dma_start3A_108 = arith.constant 0 : i32
      %dma_start3A_109 = tpu.memref_slice %arg8[%add3A_40, %dma_start3A_108] : memref<10240x128xf32, #tpu.memory_space<vmem_shared>> -> memref<32x128xf32, #tpu.memory_space<vmem_shared>>
      tpu.enqueue_dma source(%arg7 : memref<32x128xf32, #tpu.memory_space<vmem>>) target(%dma_start3A_109 : memref<32x128xf32, #tpu.memory_space<vmem_shared>>) target_semaphore(%run_scoped3A_105 : memref<!tpu.dma_semaphore, #tpu.memory_space<semaphore_mem>>)
      %dma_wait3A_110 = arith.constant 0 : i32
      %dma_wait3A_111 = tpu.memref_slice %arg8[%add3A_40, %dma_wait3A_110] : memref<10240x128xf32, #tpu.memory_space<vmem_shared>> -> memref<32x128xf32, #tpu.memory_space<vmem_shared>>
      %dma_wait3A_112 = arith.constant 0 : i32
      %dma_wait3A_113 = tpu.memref_slice %arg8[%add3A_40, %dma_wait3A_112] : memref<10240x128xf32, #tpu.memory_space<vmem_shared>> -> memref<32x128xf32, #tpu.memory_space<vmem_shared>>
      tpu.wait_dma2 semaphore(%run_scoped3A_105 : memref<!tpu.dma_semaphore, #tpu.memory_space<semaphore_mem>>) src(%arg7 : memref<32x128xf32, #tpu.memory_space<vmem>>) dst(%dma_wait3A_113 : memref<32x128xf32, #tpu.memory_space<vmem_shared>>)
      tpu.yield
    }) : () -> ()
    %add3A_41 = arith.constant 512 : i32
    %add3A_42 = arith.addi %multiple_of3A, %add3A_41 : i32
    "tpu.region"() ({
      %run_scoped3A_105 = tpu.sem_alloc : memref<!tpu.dma_semaphore, #tpu.memory_space<semaphore_mem>>
      %dma_start3A_106 = arith.constant 0 : i32
      %dma_start3A_107 = tpu.memref_slice %arg8[%add3A_42, %dma_start3A_106] : memref<10240x128xf32, #tpu.memory_space<vmem_shared>> -> memref<32x128xf32, #tpu.memory_space<vmem_shared>>
      %dma_start3A_108 = arith.constant 0 : i32
      %dma_start3A_109 = tpu.memref_slice %arg8[%add3A_42, %dma_start3A_108] : memref<10240x128xf32, #tpu.memory_space<vmem_shared>> -> memref<32x128xf32, #tpu.memory_space<vmem_shared>>
      tpu.enqueue_dma source(%arg7 : memref<32x128xf32, #tpu.memory_space<vmem>>) target(%dma_start3A_109 : memref<32x128xf32, #tpu.memory_space<vmem_shared>>) target_semaphore(%run_scoped3A_105 : memref<!tpu.dma_semaphore, #tpu.memory_space<semaphore_mem>>)
      %dma_wait3A_110 = arith.constant 0 : i32
      %dma_wait3A_111 = tpu.memref_slice %arg8[%add3A_42, %dma_wait3A_110] : memref<10240x128xf32, #tpu.memory_space<vmem_shared>> -> memref<32x128xf32, #tpu.memory_space<vmem_shared>>
      %dma_wait3A_112 = arith.constant 0 : i32
      %dma_wait3A_113 = tpu.memref_slice %arg8[%add3A_42, %dma_wait3A_112] : memref<10240x128xf32, #tpu.memory_space<vmem_shared>> -> memref<32x128xf32, #tpu.memory_space<vmem_shared>>
      tpu.wait_dma2 semaphore(%run_scoped3A_105 : memref<!tpu.dma_semaphore, #tpu.memory_space<semaphore_mem>>) src(%arg7 : memref<32x128xf32, #tpu.memory_space<vmem>>) dst(%dma_wait3A_113 : memref<32x128xf32, #tpu.memory_space<vmem_shared>>)
      tpu.yield
    }) : () -> ()
    %add3A_43 = arith.constant 544 : i32
    %add3A_44 = arith.addi %multiple_of3A, %add3A_43 : i32
    "tpu.region"() ({
      %run_scoped3A_105 = tpu.sem_alloc : memref<!tpu.dma_semaphore, #tpu.memory_space<semaphore_mem>>
      %dma_start3A_106 = arith.constant 0 : i32
      %dma_start3A_107 = tpu.memref_slice %arg8[%add3A_44, %dma_start3A_106] : memref<10240x128xf32, #tpu.memory_space<vmem_shared>> -> memref<32x128xf32, #tpu.memory_space<vmem_shared>>
      %dma_start3A_108 = arith.constant 0 : i32
      %dma_start3A_109 = tpu.memref_slice %arg8[%add3A_44, %dma_start3A_108] : memref<10240x128xf32, #tpu.memory_space<vmem_shared>> -> memref<32x128xf32, #tpu.memory_space<vmem_shared>>
      tpu.enqueue_dma source(%arg7 : memref<32x128xf32, #tpu.memory_space<vmem>>) target(%dma_start3A_109 : memref<32x128xf32, #tpu.memory_space<vmem_shared>>) target_semaphore(%run_scoped3A_105 : memref<!tpu.dma_semaphore, #tpu.memory_space<semaphore_mem>>)
      %dma_wait3A_110 = arith.constant 0 : i32
      %dma_wait3A_111 = tpu.memref_slice %arg8[%add3A_44, %dma_wait3A_110] : memref<10240x128xf32, #tpu.memory_space<vmem_shared>> -> memref<32x128xf32, #tpu.memory_space<vmem_shared>>
      %dma_wait3A_112 = arith.constant 0 : i32
      %dma_wait3A_113 = tpu.memref_slice %arg8[%add3A_44, %dma_wait3A_112] : memref<10240x128xf32, #tpu.memory_space<vmem_shared>> -> memref<32x128xf32, #tpu.memory_space<vmem_shared>>
      tpu.wait_dma2 semaphore(%run_scoped3A_105 : memref<!tpu.dma_semaphore, #tpu.memory_space<semaphore_mem>>) src(%arg7 : memref<32x128xf32, #tpu.memory_space<vmem>>) dst(%dma_wait3A_113 : memref<32x128xf32, #tpu.memory_space<vmem_shared>>)
      tpu.yield
    }) : () -> ()
    %add3A_45 = arith.constant 576 : i32
    %add3A_46 = arith.addi %multiple_of3A, %add3A_45 : i32
    "tpu.region"() ({
      %run_scoped3A_105 = tpu.sem_alloc : memref<!tpu.dma_semaphore, #tpu.memory_space<semaphore_mem>>
      %dma_start3A_106 = arith.constant 0 : i32
      %dma_start3A_107 = tpu.memref_slice %arg8[%add3A_46, %dma_start3A_106] : memref<10240x128xf32, #tpu.memory_space<vmem_shared>> -> memref<32x128xf32, #tpu.memory_space<vmem_shared>>
      %dma_start3A_108 = arith.constant 0 : i32
      %dma_start3A_109 = tpu.memref_slice %arg8[%add3A_46, %dma_start3A_108] : memref<10240x128xf32, #tpu.memory_space<vmem_shared>> -> memref<32x128xf32, #tpu.memory_space<vmem_shared>>
      tpu.enqueue_dma source(%arg7 : memref<32x128xf32, #tpu.memory_space<vmem>>) target(%dma_start3A_109 : memref<32x128xf32, #tpu.memory_space<vmem_shared>>) target_semaphore(%run_scoped3A_105 : memref<!tpu.dma_semaphore, #tpu.memory_space<semaphore_mem>>)
      %dma_wait3A_110 = arith.constant 0 : i32
      %dma_wait3A_111 = tpu.memref_slice %arg8[%add3A_46, %dma_wait3A_110] : memref<10240x128xf32, #tpu.memory_space<vmem_shared>> -> memref<32x128xf32, #tpu.memory_space<vmem_shared>>
      %dma_wait3A_112 = arith.constant 0 : i32
      %dma_wait3A_113 = tpu.memref_slice %arg8[%add3A_46, %dma_wait3A_112] : memref<10240x128xf32, #tpu.memory_space<vmem_shared>> -> memref<32x128xf32, #tpu.memory_space<vmem_shared>>
      tpu.wait_dma2 semaphore(%run_scoped3A_105 : memref<!tpu.dma_semaphore, #tpu.memory_space<semaphore_mem>>) src(%arg7 : memref<32x128xf32, #tpu.memory_space<vmem>>) dst(%dma_wait3A_113 : memref<32x128xf32, #tpu.memory_space<vmem_shared>>)
      tpu.yield
    }) : () -> ()
    %add3A_47 = arith.constant 608 : i32
    %add3A_48 = arith.addi %multiple_of3A, %add3A_47 : i32
    "tpu.region"() ({
      %run_scoped3A_105 = tpu.sem_alloc : memref<!tpu.dma_semaphore, #tpu.memory_space<semaphore_mem>>
      %dma_start3A_106 = arith.constant 0 : i32
      %dma_start3A_107 = tpu.memref_slice %arg8[%add3A_48, %dma_start3A_106] : memref<10240x128xf32, #tpu.memory_space<vmem_shared>> -> memref<32x128xf32, #tpu.memory_space<vmem_shared>>
      %dma_start3A_108 = arith.constant 0 : i32
      %dma_start3A_109 = tpu.memref_slice %arg8[%add3A_48, %dma_start3A_108] : memref<10240x128xf32, #tpu.memory_space<vmem_shared>> -> memref<32x128xf32, #tpu.memory_space<vmem_shared>>
      tpu.enqueue_dma source(%arg7 : memref<32x128xf32, #tpu.memory_space<vmem>>) target(%dma_start3A_109 : memref<32x128xf32, #tpu.memory_space<vmem_shared>>) target_semaphore(%run_scoped3A_105 : memref<!tpu.dma_semaphore, #tpu.memory_space<semaphore_mem>>)
      %dma_wait3A_110 = arith.constant 0 : i32
      %dma_wait3A_111 = tpu.memref_slice %arg8[%add3A_48, %dma_wait3A_110] : memref<10240x128xf32, #tpu.memory_space<vmem_shared>> -> memref<32x128xf32, #tpu.memory_space<vmem_shared>>
      %dma_wait3A_112 = arith.constant 0 : i32
      %dma_wait3A_113 = tpu.memref_slice %arg8[%add3A_48, %dma_wait3A_112] : memref<10240x128xf32, #tpu.memory_space<vmem_shared>> -> memref<32x128xf32, #tpu.memory_space<vmem_shared>>
      tpu.wait_dma2 semaphore(%run_scoped3A_105 : memref<!tpu.dma_semaphore, #tpu.memory_space<semaphore_mem>>) src(%arg7 : memref<32x128xf32, #tpu.memory_space<vmem>>) dst(%dma_wait3A_113 : memref<32x128xf32, #tpu.memory_space<vmem_shared>>)
      tpu.yield
    }) : () -> ()
    %barrier3A = arith.constant 0 : index
    tpu.barrier barrier_id(%barrier3A)
    "tpu.region"() ({
      %run_scoped3A_105 = tpu.sem_alloc : memref<!tpu.dma_semaphore, #tpu.memory_space<semaphore_mem>>
      %dma_start3A_106 = arith.constant 0 : i32
      %dma_start3A_107 = arith.constant 0 : i32
      %dma_start3A_108 = tpu.memref_slice %arg3[%add3A, %dma_start3A_106, %dma_start3A_107] : memref<32x5x128xi32, #tpu.memory_space<hbm>> -> memref<1x5x128xi32, #tpu.memory_space<hbm>>
      %dma_start3A_109 = tpu.memref_squeeze %dma_start3A_108 : memref<1x5x128xi32, #tpu.memory_space<hbm>> -> memref<5x128xi32, #tpu.memory_space<hbm>>
      %dma_start3A_110 = arith.constant 0 : i32
      %dma_start3A_111 = arith.constant 0 : i32
      %dma_start3A_112 = tpu.memref_slice %arg3[%add3A, %dma_start3A_110, %dma_start3A_111] : memref<32x5x128xi32, #tpu.memory_space<hbm>> -> memref<1x5x128xi32, #tpu.memory_space<hbm>>
      %dma_start3A_113 = tpu.memref_squeeze %dma_start3A_112 : memref<1x5x128xi32, #tpu.memory_space<hbm>> -> memref<5x128xi32, #tpu.memory_space<hbm>>
      tpu.enqueue_dma source(%dma_start3A_113 : memref<5x128xi32, #tpu.memory_space<hbm>>) target(%arg5 : memref<5x128xi32, #tpu.memory_space<vmem>>) target_semaphore(%run_scoped3A_105 : memref<!tpu.dma_semaphore, #tpu.memory_space<semaphore_mem>>)
      %dma_wait3A_114 = arith.constant 0 : i32
      %dma_wait3A_115 = arith.constant 0 : i32
      %dma_wait3A_116 = tpu.memref_slice %arg3[%add3A, %dma_wait3A_114, %dma_wait3A_115] : memref<32x5x128xi32, #tpu.memory_space<hbm>> -> memref<1x5x128xi32, #tpu.memory_space<hbm>>
      %dma_wait3A_117 = tpu.memref_squeeze %dma_wait3A_116 : memref<1x5x128xi32, #tpu.memory_space<hbm>> -> memref<5x128xi32, #tpu.memory_space<hbm>>
      %dma_wait3A_118 = arith.constant 0 : i32
      %dma_wait3A_119 = arith.constant 0 : i32
      %dma_wait3A_120 = tpu.memref_slice %arg3[%add3A, %dma_wait3A_118, %dma_wait3A_119] : memref<32x5x128xi32, #tpu.memory_space<hbm>> -> memref<1x5x128xi32, #tpu.memory_space<hbm>>
      %dma_wait3A_121 = tpu.memref_squeeze %dma_wait3A_120 : memref<1x5x128xi32, #tpu.memory_space<hbm>> -> memref<5x128xi32, #tpu.memory_space<hbm>>
      tpu.wait_dma2 semaphore(%run_scoped3A_105 : memref<!tpu.dma_semaphore, #tpu.memory_space<semaphore_mem>>) src(%dma_wait3A_121 : memref<5x128xi32, #tpu.memory_space<hbm>>) dst(%arg5 : memref<5x128xi32, #tpu.memory_space<vmem>>)
      tpu.yield
    }) : () -> ()
    %mul3A_49 = arith.constant 640 : i32
    %mul3A_50 = arith.muli %add3A, %mul3A_49 : i32
    %multiple_of3A_51 = tpu.assume_multiple %mul3A_50, 8 : i32
    %add3A_52 = arith.constant 0 : i32
    %add3A_53 = arith.addi %multiple_of3A_51, %add3A_52 : i32
    %dma_start3A = arith.constant 0 : i32
    %dma_start3A_54 = tpu.memref_slice %arg2[%add3A_53, %dma_start3A] : memref<20480x128xf32, #tpu.memory_space<hbm>> -> memref<128x128xf32, #tpu.memory_space<hbm>>
    %dma_start3A_55 = arith.constant 0 : i32
    %dma_start3A_56 = tpu.memref_slice %arg2[%add3A_53, %dma_start3A_55] : memref<20480x128xf32, #tpu.memory_space<hbm>> -> memref<128x128xf32, #tpu.memory_space<hbm>>
    tpu.enqueue_dma source(%dma_start3A_56 : memref<128x128xf32, #tpu.memory_space<hbm>>) target(%arg6 : memref<128x128xf32, #tpu.memory_space<vmem>>) target_semaphore(%arg9 : memref<!tpu.dma_semaphore, #tpu.memory_space<semaphore_mem>>)
    %dma_wait3A = arith.constant 0 : i32
    %dma_wait3A_57 = tpu.memref_slice %arg2[%add3A_53, %dma_wait3A] : memref<20480x128xf32, #tpu.memory_space<hbm>> -> memref<128x128xf32, #tpu.memory_space<hbm>>
    %dma_wait3A_58 = arith.constant 0 : i32
    %dma_wait3A_59 = tpu.memref_slice %arg2[%add3A_53, %dma_wait3A_58] : memref<20480x128xf32, #tpu.memory_space<hbm>> -> memref<128x128xf32, #tpu.memory_space<hbm>>
    tpu.wait_dma2 semaphore(%arg9 : memref<!tpu.dma_semaphore, #tpu.memory_space<semaphore_mem>>) src(%dma_wait3A_59 : memref<128x128xf32, #tpu.memory_space<hbm>>) dst(%arg6 : memref<128x128xf32, #tpu.memory_space<vmem>>)
    %run_scoped3A = arith.constant 0 : i32
    "tpu.region"() ({
      %run_scoped3A_105 = tpu.sem_alloc : memref<!tpu.dma_semaphore, #tpu.memory_space<semaphore_mem>>
      %dma_start3A_106 = arith.constant 0 : i32
      %dma_start3A_107 = tpu.memref_slice %arg5[%run_scoped3A, %dma_start3A_106] : memref<5x128xi32, #tpu.memory_space<vmem>> -> memref<1x128xi32, #tpu.memory_space<vmem>>
      %dma_start3A_108 = tpu.memref_squeeze %dma_start3A_107 : memref<1x128xi32, #tpu.memory_space<vmem>> -> memref<128xi32, #tpu.memory_space<vmem>>
      %dma_start3A_109 = arith.constant 0 : i32
      %dma_start3A_110 = arith.constant 0 : i32
      %dma_start3A_111 = tpu.memref_slice %arg8[%dma_start3A_109, %dma_start3A_110] : memref<10240x128xf32, #tpu.memory_space<vmem_shared>> -> memref<10240x128xf32, #tpu.memory_space<vmem_shared>>
      tpu.enqueue_indirect_dma source(%arg6 : memref<128x128xf32, #tpu.memory_space<vmem>>) target(%dma_start3A_111 : memref<10240x128xf32, #tpu.memory_space<vmem_shared>>) offsets(%dma_start3A_108 : memref<128xi32, #tpu.memory_space<vmem>>) semaphore(%run_scoped3A_105 : memref<!tpu.dma_semaphore, #tpu.memory_space<semaphore_mem>>) {add = true}
      %dma_wait3A_112 = arith.constant 0 : i32
      %dma_wait3A_113 = tpu.memref_slice %arg5[%run_scoped3A, %dma_wait3A_112] : memref<5x128xi32, #tpu.memory_space<vmem>> -> memref<1x128xi32, #tpu.memory_space<vmem>>
      %dma_wait3A_114 = tpu.memref_squeeze %dma_wait3A_113 : memref<1x128xi32, #tpu.memory_space<vmem>> -> memref<128xi32, #tpu.memory_space<vmem>>
      %dma_wait3A_115 = arith.constant 0 : i32
      %dma_wait3A_116 = arith.constant 0 : i32
      %dma_wait3A_117 = tpu.memref_slice %arg8[%dma_wait3A_115, %dma_wait3A_116] : memref<10240x128xf32, #tpu.memory_space<vmem_shared>> -> memref<10240x128xf32, #tpu.memory_space<vmem_shared>>
      tpu.wait_indirect_dma semaphore(%run_scoped3A_105 : memref<!tpu.dma_semaphore, #tpu.memory_space<semaphore_mem>>) src(%arg6 : memref<128x128xf32, #tpu.memory_space<vmem>>) dst(%dma_wait3A_117 : memref<10240x128xf32, #tpu.memory_space<vmem_shared>>)
      tpu.yield
    }) : () -> ()
    %add3A_60 = arith.constant 128 : i32
    %add3A_61 = arith.addi %multiple_of3A_51, %add3A_60 : i32
    %dma_start3A_62 = arith.constant 0 : i32
    %dma_start3A_63 = tpu.memref_slice %arg2[%add3A_61, %dma_start3A_62] : memref<20480x128xf32, #tpu.memory_space<hbm>> -> memref<128x128xf32, #tpu.memory_space<hbm>>
    %dma_start3A_64 = arith.constant 0 : i32
    %dma_start3A_65 = tpu.memref_slice %arg2[%add3A_61, %dma_start3A_64] : memref<20480x128xf32, #tpu.memory_space<hbm>> -> memref<128x128xf32, #tpu.memory_space<hbm>>
    tpu.enqueue_dma source(%dma_start3A_65 : memref<128x128xf32, #tpu.memory_space<hbm>>) target(%arg6 : memref<128x128xf32, #tpu.memory_space<vmem>>) target_semaphore(%arg9 : memref<!tpu.dma_semaphore, #tpu.memory_space<semaphore_mem>>)
    %dma_wait3A_66 = arith.constant 0 : i32
    %dma_wait3A_67 = tpu.memref_slice %arg2[%add3A_61, %dma_wait3A_66] : memref<20480x128xf32, #tpu.memory_space<hbm>> -> memref<128x128xf32, #tpu.memory_space<hbm>>
    %dma_wait3A_68 = arith.constant 0 : i32
    %dma_wait3A_69 = tpu.memref_slice %arg2[%add3A_61, %dma_wait3A_68] : memref<20480x128xf32, #tpu.memory_space<hbm>> -> memref<128x128xf32, #tpu.memory_space<hbm>>
    tpu.wait_dma2 semaphore(%arg9 : memref<!tpu.dma_semaphore, #tpu.memory_space<semaphore_mem>>) src(%dma_wait3A_69 : memref<128x128xf32, #tpu.memory_space<hbm>>) dst(%arg6 : memref<128x128xf32, #tpu.memory_space<vmem>>)
    %run_scoped3A_70 = arith.constant 1 : i32
    "tpu.region"() ({
      %run_scoped3A_105 = tpu.sem_alloc : memref<!tpu.dma_semaphore, #tpu.memory_space<semaphore_mem>>
      %dma_start3A_106 = arith.constant 0 : i32
      %dma_start3A_107 = tpu.memref_slice %arg5[%run_scoped3A_70, %dma_start3A_106] : memref<5x128xi32, #tpu.memory_space<vmem>> -> memref<1x128xi32, #tpu.memory_space<vmem>>
      %dma_start3A_108 = tpu.memref_squeeze %dma_start3A_107 : memref<1x128xi32, #tpu.memory_space<vmem>> -> memref<128xi32, #tpu.memory_space<vmem>>
      %dma_start3A_109 = arith.constant 0 : i32
      %dma_start3A_110 = arith.constant 0 : i32
      %dma_start3A_111 = tpu.memref_slice %arg8[%dma_start3A_109, %dma_start3A_110] : memref<10240x128xf32, #tpu.memory_space<vmem_shared>> -> memref<10240x128xf32, #tpu.memory_space<vmem_shared>>
      tpu.enqueue_indirect_dma source(%arg6 : memref<128x128xf32, #tpu.memory_space<vmem>>) target(%dma_start3A_111 : memref<10240x128xf32, #tpu.memory_space<vmem_shared>>) offsets(%dma_start3A_108 : memref<128xi32, #tpu.memory_space<vmem>>) semaphore(%run_scoped3A_105 : memref<!tpu.dma_semaphore, #tpu.memory_space<semaphore_mem>>) {add = true}
      %dma_wait3A_112 = arith.constant 0 : i32
      %dma_wait3A_113 = tpu.memref_slice %arg5[%run_scoped3A_70, %dma_wait3A_112] : memref<5x128xi32, #tpu.memory_space<vmem>> -> memref<1x128xi32, #tpu.memory_space<vmem>>
      %dma_wait3A_114 = tpu.memref_squeeze %dma_wait3A_113 : memref<1x128xi32, #tpu.memory_space<vmem>> -> memref<128xi32, #tpu.memory_space<vmem>>
      %dma_wait3A_115 = arith.constant 0 : i32
      %dma_wait3A_116 = arith.constant 0 : i32
      %dma_wait3A_117 = tpu.memref_slice %arg8[%dma_wait3A_115, %dma_wait3A_116] : memref<10240x128xf32, #tpu.memory_space<vmem_shared>> -> memref<10240x128xf32, #tpu.memory_space<vmem_shared>>
      tpu.wait_indirect_dma semaphore(%run_scoped3A_105 : memref<!tpu.dma_semaphore, #tpu.memory_space<semaphore_mem>>) src(%arg6 : memref<128x128xf32, #tpu.memory_space<vmem>>) dst(%dma_wait3A_117 : memref<10240x128xf32, #tpu.memory_space<vmem_shared>>)
      tpu.yield
    }) : () -> ()
    %add3A_71 = arith.constant 256 : i32
    %add3A_72 = arith.addi %multiple_of3A_51, %add3A_71 : i32
    %dma_start3A_73 = arith.constant 0 : i32
    %dma_start3A_74 = tpu.memref_slice %arg2[%add3A_72, %dma_start3A_73] : memref<20480x128xf32, #tpu.memory_space<hbm>> -> memref<128x128xf32, #tpu.memory_space<hbm>>
    %dma_start3A_75 = arith.constant 0 : i32
    %dma_start3A_76 = tpu.memref_slice %arg2[%add3A_72, %dma_start3A_75] : memref<20480x128xf32, #tpu.memory_space<hbm>> -> memref<128x128xf32, #tpu.memory_space<hbm>>
    tpu.enqueue_dma source(%dma_start3A_76 : memref<128x128xf32, #tpu.memory_space<hbm>>) target(%arg6 : memref<128x128xf32, #tpu.memory_space<vmem>>) target_semaphore(%arg9 : memref<!tpu.dma_semaphore, #tpu.memory_space<semaphore_mem>>)
    %dma_wait3A_77 = arith.constant 0 : i32
    %dma_wait3A_78 = tpu.memref_slice %arg2[%add3A_72, %dma_wait3A_77] : memref<20480x128xf32, #tpu.memory_space<hbm>> -> memref<128x128xf32, #tpu.memory_space<hbm>>
    %dma_wait3A_79 = arith.constant 0 : i32
    %dma_wait3A_80 = tpu.memref_slice %arg2[%add3A_72, %dma_wait3A_79] : memref<20480x128xf32, #tpu.memory_space<hbm>> -> memref<128x128xf32, #tpu.memory_space<hbm>>
    tpu.wait_dma2 semaphore(%arg9 : memref<!tpu.dma_semaphore, #tpu.memory_space<semaphore_mem>>) src(%dma_wait3A_80 : memref<128x128xf32, #tpu.memory_space<hbm>>) dst(%arg6 : memref<128x128xf32, #tpu.memory_space<vmem>>)
    %run_scoped3A_81 = arith.constant 2 : i32
    "tpu.region"() ({
      %run_scoped3A_105 = tpu.sem_alloc : memref<!tpu.dma_semaphore, #tpu.memory_space<semaphore_mem>>
      %dma_start3A_106 = arith.constant 0 : i32
      %dma_start3A_107 = tpu.memref_slice %arg5[%run_scoped3A_81, %dma_start3A_106] : memref<5x128xi32, #tpu.memory_space<vmem>> -> memref<1x128xi32, #tpu.memory_space<vmem>>
      %dma_start3A_108 = tpu.memref_squeeze %dma_start3A_107 : memref<1x128xi32, #tpu.memory_space<vmem>> -> memref<128xi32, #tpu.memory_space<vmem>>
      %dma_start3A_109 = arith.constant 0 : i32
      %dma_start3A_110 = arith.constant 0 : i32
      %dma_start3A_111 = tpu.memref_slice %arg8[%dma_start3A_109, %dma_start3A_110] : memref<10240x128xf32, #tpu.memory_space<vmem_shared>> -> memref<10240x128xf32, #tpu.memory_space<vmem_shared>>
      tpu.enqueue_indirect_dma source(%arg6 : memref<128x128xf32, #tpu.memory_space<vmem>>) target(%dma_start3A_111 : memref<10240x128xf32, #tpu.memory_space<vmem_shared>>) offsets(%dma_start3A_108 : memref<128xi32, #tpu.memory_space<vmem>>) semaphore(%run_scoped3A_105 : memref<!tpu.dma_semaphore, #tpu.memory_space<semaphore_mem>>) {add = true}
      %dma_wait3A_112 = arith.constant 0 : i32
      %dma_wait3A_113 = tpu.memref_slice %arg5[%run_scoped3A_81, %dma_wait3A_112] : memref<5x128xi32, #tpu.memory_space<vmem>> -> memref<1x128xi32, #tpu.memory_space<vmem>>
      %dma_wait3A_114 = tpu.memref_squeeze %dma_wait3A_113 : memref<1x128xi32, #tpu.memory_space<vmem>> -> memref<128xi32, #tpu.memory_space<vmem>>
      %dma_wait3A_115 = arith.constant 0 : i32
      %dma_wait3A_116 = arith.constant 0 : i32
      %dma_wait3A_117 = tpu.memref_slice %arg8[%dma_wait3A_115, %dma_wait3A_116] : memref<10240x128xf32, #tpu.memory_space<vmem_shared>> -> memref<10240x128xf32, #tpu.memory_space<vmem_shared>>
      tpu.wait_indirect_dma semaphore(%run_scoped3A_105 : memref<!tpu.dma_semaphore, #tpu.memory_space<semaphore_mem>>) src(%arg6 : memref<128x128xf32, #tpu.memory_space<vmem>>) dst(%dma_wait3A_117 : memref<10240x128xf32, #tpu.memory_space<vmem_shared>>)
      tpu.yield
    }) : () -> ()
    %add3A_82 = arith.constant 384 : i32
    %add3A_83 = arith.addi %multiple_of3A_51, %add3A_82 : i32
    %dma_start3A_84 = arith.constant 0 : i32
    %dma_start3A_85 = tpu.memref_slice %arg2[%add3A_83, %dma_start3A_84] : memref<20480x128xf32, #tpu.memory_space<hbm>> -> memref<128x128xf32, #tpu.memory_space<hbm>>
    %dma_start3A_86 = arith.constant 0 : i32
    %dma_start3A_87 = tpu.memref_slice %arg2[%add3A_83, %dma_start3A_86] : memref<20480x128xf32, #tpu.memory_space<hbm>> -> memref<128x128xf32, #tpu.memory_space<hbm>>
    tpu.enqueue_dma source(%dma_start3A_87 : memref<128x128xf32, #tpu.memory_space<hbm>>) target(%arg6 : memref<128x128xf32, #tpu.memory_space<vmem>>) target_semaphore(%arg9 : memref<!tpu.dma_semaphore, #tpu.memory_space<semaphore_mem>>)
    %dma_wait3A_88 = arith.constant 0 : i32
    %dma_wait3A_89 = tpu.memref_slice %arg2[%add3A_83, %dma_wait3A_88] : memref<20480x128xf32, #tpu.memory_space<hbm>> -> memref<128x128xf32, #tpu.memory_space<hbm>>
    %dma_wait3A_90 = arith.constant 0 : i32
    %dma_wait3A_91 = tpu.memref_slice %arg2[%add3A_83, %dma_wait3A_90] : memref<20480x128xf32, #tpu.memory_space<hbm>> -> memref<128x128xf32, #tpu.memory_space<hbm>>
    tpu.wait_dma2 semaphore(%arg9 : memref<!tpu.dma_semaphore, #tpu.memory_space<semaphore_mem>>) src(%dma_wait3A_91 : memref<128x128xf32, #tpu.memory_space<hbm>>) dst(%arg6 : memref<128x128xf32, #tpu.memory_space<vmem>>)
    %run_scoped3A_92 = arith.constant 3 : i32
    "tpu.region"() ({
      %run_scoped3A_105 = tpu.sem_alloc : memref<!tpu.dma_semaphore, #tpu.memory_space<semaphore_mem>>
      %dma_start3A_106 = arith.constant 0 : i32
      %dma_start3A_107 = tpu.memref_slice %arg5[%run_scoped3A_92, %dma_start3A_106] : memref<5x128xi32, #tpu.memory_space<vmem>> -> memref<1x128xi32, #tpu.memory_space<vmem>>
      %dma_start3A_108 = tpu.memref_squeeze %dma_start3A_107 : memref<1x128xi32, #tpu.memory_space<vmem>> -> memref<128xi32, #tpu.memory_space<vmem>>
      %dma_start3A_109 = arith.constant 0 : i32
      %dma_start3A_110 = arith.constant 0 : i32
      %dma_start3A_111 = tpu.memref_slice %arg8[%dma_start3A_109, %dma_start3A_110] : memref<10240x128xf32, #tpu.memory_space<vmem_shared>> -> memref<10240x128xf32, #tpu.memory_space<vmem_shared>>
      tpu.enqueue_indirect_dma source(%arg6 : memref<128x128xf32, #tpu.memory_space<vmem>>) target(%dma_start3A_111 : memref<10240x128xf32, #tpu.memory_space<vmem_shared>>) offsets(%dma_start3A_108 : memref<128xi32, #tpu.memory_space<vmem>>) semaphore(%run_scoped3A_105 : memref<!tpu.dma_semaphore, #tpu.memory_space<semaphore_mem>>) {add = true}
      %dma_wait3A_112 = arith.constant 0 : i32
      %dma_wait3A_113 = tpu.memref_slice %arg5[%run_scoped3A_92, %dma_wait3A_112] : memref<5x128xi32, #tpu.memory_space<vmem>> -> memref<1x128xi32, #tpu.memory_space<vmem>>
      %dma_wait3A_114 = tpu.memref_squeeze %dma_wait3A_113 : memref<1x128xi32, #tpu.memory_space<vmem>> -> memref<128xi32, #tpu.memory_space<vmem>>
      %dma_wait3A_115 = arith.constant 0 : i32
      %dma_wait3A_116 = arith.constant 0 : i32
      %dma_wait3A_117 = tpu.memref_slice %arg8[%dma_wait3A_115, %dma_wait3A_116] : memref<10240x128xf32, #tpu.memory_space<vmem_shared>> -> memref<10240x128xf32, #tpu.memory_space<vmem_shared>>
      tpu.wait_indirect_dma semaphore(%run_scoped3A_105 : memref<!tpu.dma_semaphore, #tpu.memory_space<semaphore_mem>>) src(%arg6 : memref<128x128xf32, #tpu.memory_space<vmem>>) dst(%dma_wait3A_117 : memref<10240x128xf32, #tpu.memory_space<vmem_shared>>)
      tpu.yield
    }) : () -> ()
    %add3A_93 = arith.constant 512 : i32
    %add3A_94 = arith.addi %multiple_of3A_51, %add3A_93 : i32
    %dma_start3A_95 = arith.constant 0 : i32
    %dma_start3A_96 = tpu.memref_slice %arg2[%add3A_94, %dma_start3A_95] : memref<20480x128xf32, #tpu.memory_space<hbm>> -> memref<128x128xf32, #tpu.memory_space<hbm>>
    %dma_start3A_97 = arith.constant 0 : i32
    %dma_start3A_98 = tpu.memref_slice %arg2[%add3A_94, %dma_start3A_97] : memref<20480x128xf32, #tpu.memory_space<hbm>> -> memref<128x128xf32, #tpu.memory_space<hbm>>
    tpu.enqueue_dma source(%dma_start3A_98 : memref<128x128xf32, #tpu.memory_space<hbm>>) target(%arg6 : memref<128x128xf32, #tpu.memory_space<vmem>>) target_semaphore(%arg9 : memref<!tpu.dma_semaphore, #tpu.memory_space<semaphore_mem>>)
    %dma_wait3A_99 = arith.constant 0 : i32
    %dma_wait3A_100 = tpu.memref_slice %arg2[%add3A_94, %dma_wait3A_99] : memref<20480x128xf32, #tpu.memory_space<hbm>> -> memref<128x128xf32, #tpu.memory_space<hbm>>
    %dma_wait3A_101 = arith.constant 0 : i32
    %dma_wait3A_102 = tpu.memref_slice %arg2[%add3A_94, %dma_wait3A_101] : memref<20480x128xf32, #tpu.memory_space<hbm>> -> memref<128x128xf32, #tpu.memory_space<hbm>>
    tpu.wait_dma2 semaphore(%arg9 : memref<!tpu.dma_semaphore, #tpu.memory_space<semaphore_mem>>) src(%dma_wait3A_102 : memref<128x128xf32, #tpu.memory_space<hbm>>) dst(%arg6 : memref<128x128xf32, #tpu.memory_space<vmem>>)
    %run_scoped3A_103 = arith.constant 4 : i32
    "tpu.region"() ({
      %run_scoped3A_105 = tpu.sem_alloc : memref<!tpu.dma_semaphore, #tpu.memory_space<semaphore_mem>>
      %dma_start3A_106 = arith.constant 0 : i32
      %dma_start3A_107 = tpu.memref_slice %arg5[%run_scoped3A_103, %dma_start3A_106] : memref<5x128xi32, #tpu.memory_space<vmem>> -> memref<1x128xi32, #tpu.memory_space<vmem>>
      %dma_start3A_108 = tpu.memref_squeeze %dma_start3A_107 : memref<1x128xi32, #tpu.memory_space<vmem>> -> memref<128xi32, #tpu.memory_space<vmem>>
      %dma_start3A_109 = arith.constant 0 : i32
      %dma_start3A_110 = arith.constant 0 : i32
      %dma_start3A_111 = tpu.memref_slice %arg8[%dma_start3A_109, %dma_start3A_110] : memref<10240x128xf32, #tpu.memory_space<vmem_shared>> -> memref<10240x128xf32, #tpu.memory_space<vmem_shared>>
      tpu.enqueue_indirect_dma source(%arg6 : memref<128x128xf32, #tpu.memory_space<vmem>>) target(%dma_start3A_111 : memref<10240x128xf32, #tpu.memory_space<vmem_shared>>) offsets(%dma_start3A_108 : memref<128xi32, #tpu.memory_space<vmem>>) semaphore(%run_scoped3A_105 : memref<!tpu.dma_semaphore, #tpu.memory_space<semaphore_mem>>) {add = true}
      %dma_wait3A_112 = arith.constant 0 : i32
      %dma_wait3A_113 = tpu.memref_slice %arg5[%run_scoped3A_103, %dma_wait3A_112] : memref<5x128xi32, #tpu.memory_space<vmem>> -> memref<1x128xi32, #tpu.memory_space<vmem>>
      %dma_wait3A_114 = tpu.memref_squeeze %dma_wait3A_113 : memref<1x128xi32, #tpu.memory_space<vmem>> -> memref<128xi32, #tpu.memory_space<vmem>>
      %dma_wait3A_115 = arith.constant 0 : i32
      %dma_wait3A_116 = arith.constant 0 : i32
      %dma_wait3A_117 = tpu.memref_slice %arg8[%dma_wait3A_115, %dma_wait3A_116] : memref<10240x128xf32, #tpu.memory_space<vmem_shared>> -> memref<10240x128xf32, #tpu.memory_space<vmem_shared>>
      tpu.wait_indirect_dma semaphore(%run_scoped3A_105 : memref<!tpu.dma_semaphore, #tpu.memory_space<semaphore_mem>>) src(%arg6 : memref<128x128xf32, #tpu.memory_space<vmem>>) dst(%dma_wait3A_117 : memref<10240x128xf32, #tpu.memory_space<vmem_shared>>)
      tpu.yield
    }) : () -> ()
    %barrier3A_104 = arith.constant 0 : index
    tpu.barrier barrier_id(%barrier3A_104)
    "tpu.region"() ({
      %run_scoped3A_105 = tpu.sem_alloc : memref<!tpu.dma_semaphore, #tpu.memory_space<semaphore_mem>>
      %dma_start3A_106 = arith.constant 0 : i32
      %dma_start3A_107 = tpu.memref_slice %arg4[%arg0, %multiple_of3A, %dma_start3A_106] : memref<2x10240x128xf32, #tpu.memory_space<hbm>> -> memref<1x640x128xf32, #tpu.memory_space<hbm>>
      %dma_start3A_108 = tpu.memref_squeeze %dma_start3A_107 : memref<1x640x128xf32, #tpu.memory_space<hbm>> -> memref<640x128xf32, #tpu.memory_space<hbm>>
      %dma_start3A_109 = arith.constant 0 : i32
      %dma_start3A_110 = tpu.memref_slice %arg8[%multiple_of3A, %dma_start3A_109] : memref<10240x128xf32, #tpu.memory_space<vmem_shared>> -> memref<640x128xf32, #tpu.memory_space<vmem_shared>>
      tpu.enqueue_dma source(%dma_start3A_110 : memref<640x128xf32, #tpu.memory_space<vmem_shared>>) target(%dma_start3A_108 : memref<640x128xf32, #tpu.memory_space<hbm>>) target_semaphore(%run_scoped3A_105 : memref<!tpu.dma_semaphore, #tpu.memory_space<semaphore_mem>>)
      %dma_wait3A_111 = arith.constant 0 : i32
      %dma_wait3A_112 = tpu.memref_slice %arg4[%arg0, %multiple_of3A, %dma_wait3A_111] : memref<2x10240x128xf32, #tpu.memory_space<hbm>> -> memref<1x640x128xf32, #tpu.memory_space<hbm>>
      %dma_wait3A_113 = tpu.memref_squeeze %dma_wait3A_112 : memref<1x640x128xf32, #tpu.memory_space<hbm>> -> memref<640x128xf32, #tpu.memory_space<hbm>>
      %dma_wait3A_114 = arith.constant 0 : i32
      %dma_wait3A_115 = tpu.memref_slice %arg8[%multiple_of3A, %dma_wait3A_114] : memref<10240x128xf32, #tpu.memory_space<vmem_shared>> -> memref<640x128xf32, #tpu.memory_space<vmem_shared>>
      tpu.wait_dma2 semaphore(%run_scoped3A_105 : memref<!tpu.dma_semaphore, #tpu.memory_space<semaphore_mem>>) src(%dma_wait3A_115 : memref<640x128xf32, #tpu.memory_space<vmem_shared>>) dst(%dma_wait3A_113 : memref<640x128xf32, #tpu.memory_space<hbm>>)
      tpu.yield
    }) : () -> ()
    return
  }
}

module attributes {stable_mosaic.version = 14 : i64} {
  func.func @_msg_body(%arg0: i32, %arg1: memref<128x12xbf16, #tpu.memory_space<vmem>>, %arg2: memref<128x128xf32, #tpu.memory_space<vmem>>, %arg3: memref<12x3750xbf16, #tpu.memory_space<vmem>>, %arg4: memref<1x3750xf32, #tpu.memory_space<vmem>>, %arg5: memref<128x3750xbf16, #tpu.memory_space<vmem>>, %arg6: memref<3750x128xbf16, #tpu.memory_space<vmem>>, %arg7: memref<128x128xf32, #tpu.memory_space<vmem>>) attributes {dimension_semantics = [#tpu.dimension_semantics<arbitrary>], iteration_bounds = array<i64: 160>, scalar_prefetch = 0 : i64, scratch_operands = 0 : i64, tpu.core_type = #tpu.core_type<tc>, window_params = [{transform_indices = @transform_0, window_bounds = array<i64: 128, 12>}, {transform_indices = @transform_1, window_bounds = array<i64: 128, 128>}, {pipeline_mode = #tpu.pipeline_mode<synchronous>, transform_indices = @transform_2, window_bounds = array<i64: 12, 3750>}, {pipeline_mode = #tpu.pipeline_mode<synchronous>, transform_indices = @transform_3, window_bounds = array<i64: 1, 3750>}, {pipeline_mode = #tpu.pipeline_mode<synchronous>, transform_indices = @transform_4, window_bounds = array<i64: 128, 3750>}, {pipeline_mode = #tpu.pipeline_mode<synchronous>, transform_indices = @transform_5, window_bounds = array<i64: 3750, 128>}, {transform_indices = @transform_6, window_bounds = array<i64: 128, 128>}]} {
    %get3A = arith.constant 0 : index
    %get3A_0 = arith.constant 0 : index
    %get3A_1 = vector.load %arg1[%get3A, %get3A_0] : memref<128x12xbf16, #tpu.memory_space<vmem>>, vector<128x12xbf16>
    %get3A_2 = arith.constant 0 : index
    %get3A_3 = arith.constant 0 : index
    %get3A_4 = vector.load %arg3[%get3A_2, %get3A_3] : memref<12x3750xbf16, #tpu.memory_space<vmem>>, vector<12x3750xbf16>
    %dot_general3A = arith.constant dense<0.000000e+00> : vector<128x3750xf32>
    %dot_general3A_5 = tpu.matmul %get3A_1, %get3A_4, %dot_general3A {dimension_numbers = #tpu.dot_dimension_numbers<[1], [0], [0], [1], [0, 0, 1, 1], [], []>, transpose_lhs_hint = false} : vector<128x12xbf16>, vector<12x3750xbf16>, vector<128x3750xf32> -> vector<128x3750xf32>
    %get3A_6 = arith.constant 0 : index
    %get3A_7 = arith.constant 0 : index
    %get3A_8 = vector.load %arg4[%get3A_6, %get3A_7] : memref<1x3750xf32, #tpu.memory_space<vmem>>, vector<1x3750xf32>
    %add3A = vector.broadcast %get3A_8 : vector<1x3750xf32> to vector<128x3750xf32>
    %add3A_9 = arith.addf %dot_general3A_5, %add3A : vector<128x3750xf32>
    %max3A = arith.constant 0.000000e+00 : f32
    %max3A_10 = vector.broadcast %max3A : f32 to vector<128x3750xf32>
    %max3A_11 = arith.maximumf %add3A_9, %max3A_10 : vector<128x3750xf32>
    %get3A_12 = arith.constant 0 : index
    %get3A_13 = arith.constant 0 : index
    %get3A_14 = vector.load %arg2[%get3A_12, %get3A_13] : memref<128x128xf32, #tpu.memory_space<vmem>>, vector<128x128xf32>
    %convert_element_type3A = arith.truncf %get3A_14 : vector<128x128xf32> to vector<128x128xbf16>
    %get3A_15 = arith.constant 0 : index
    %get3A_16 = arith.constant 0 : index
    %get3A_17 = vector.load %arg5[%get3A_15, %get3A_16] : memref<128x3750xbf16, #tpu.memory_space<vmem>>, vector<128x3750xbf16>
    %dot_general3A_18 = arith.constant dense<0.000000e+00> : vector<128x3750xf32>
    %dot_general3A_19 = tpu.matmul %convert_element_type3A, %get3A_17, %dot_general3A_18 {dimension_numbers = #tpu.dot_dimension_numbers<[1], [0], [0], [1], [0, 0, 1, 1], [], []>, transpose_lhs_hint = false} : vector<128x128xbf16>, vector<128x3750xbf16>, vector<128x3750xf32> -> vector<128x3750xf32>
    %convert_element_type3A_20 = arith.truncf %max3A_11 : vector<128x3750xf32> to vector<128x3750xbf16>
    %convert_element_type3A_21 = arith.extf %convert_element_type3A_20 : vector<128x3750xbf16> to vector<128x3750xf32>
    %mul3A = arith.mulf %convert_element_type3A_21, %dot_general3A_19 : vector<128x3750xf32>
    %convert_element_type3A_22 = arith.truncf %mul3A : vector<128x3750xf32> to vector<128x3750xbf16>
    %convert_element_type3A_23 = arith.extf %convert_element_type3A_22 : vector<128x3750xbf16> to vector<128x3750xf32>
    %sub3A = arith.subf %mul3A, %convert_element_type3A_23 : vector<128x3750xf32>
    %convert_element_type3A_24 = arith.truncf %sub3A : vector<128x3750xf32> to vector<128x3750xbf16>
    %get3A_25 = arith.constant 0 : index
    %get3A_26 = arith.constant 0 : index
    %get3A_27 = vector.load %arg6[%get3A_25, %get3A_26] : memref<3750x128xbf16, #tpu.memory_space<vmem>>, vector<3750x128xbf16>
    %dot_general3A_28 = arith.constant dense<0.000000e+00> : vector<128x128xf32>
    %dot_general3A_29 = tpu.matmul %convert_element_type3A_22, %get3A_27, %dot_general3A_28 {dimension_numbers = #tpu.dot_dimension_numbers<[1], [0], [0], [1], [0, 0, 1, 1], [], []>, transpose_lhs_hint = false} : vector<128x3750xbf16>, vector<3750x128xbf16>, vector<128x128xf32> -> vector<128x128xf32>
    %get3A_30 = arith.constant 0 : index
    %get3A_31 = arith.constant 0 : index
    %get3A_32 = vector.load %arg6[%get3A_30, %get3A_31] : memref<3750x128xbf16, #tpu.memory_space<vmem>>, vector<3750x128xbf16>
    %dot_general3A_33 = arith.constant dense<0.000000e+00> : vector<128x128xf32>
    %dot_general3A_34 = tpu.matmul %convert_element_type3A_24, %get3A_32, %dot_general3A_33 {dimension_numbers = #tpu.dot_dimension_numbers<[1], [0], [0], [1], [0, 0, 1, 1], [], []>, transpose_lhs_hint = false} : vector<128x3750xbf16>, vector<3750x128xbf16>, vector<128x128xf32> -> vector<128x128xf32>
    %add3A_35 = arith.addf %dot_general3A_29, %dot_general3A_34 : vector<128x128xf32>
    %swap3A = arith.constant 0 : index
    %swap3A_36 = arith.constant 0 : index
    %swap3A_37 = vector.load %arg7[%swap3A, %swap3A_36] : memref<128x128xf32, #tpu.memory_space<vmem>>, vector<128x128xf32>
    tpu.vector_store %arg7[%swap3A, %swap3A_36], %add3A_35 {strides = array<i32>} : memref<128x128xf32, #tpu.memory_space<vmem>>, vector<128x128xf32>,
    return
  }
  func.func @transform_0(%arg0: i32) -> (i32, i32) {
    %c0_i32 = arith.constant 0 : i32
    %c0_i32_0 = arith.constant 0 : i32
    return %arg0, %c0_i32 : i32, i32
  }
  func.func @transform_1(%arg0: i32) -> (i32, i32) {
    %c0_i32 = arith.constant 0 : i32
    %c0_i32_0 = arith.constant 0 : i32
    return %arg0, %c0_i32 : i32, i32
  }
  func.func @transform_2(%arg0: i32) -> (i32, i32) {
    %c0_i32 = arith.constant 0 : i32
    %c0_i32_0 = arith.constant 0 : i32
    %c0_i32_1 = arith.constant 0 : i32
    return %c0_i32, %c0_i32_0 : i32, i32
  }
  func.func @transform_3(%arg0: i32) -> (i32, i32) {
    %c0_i32 = arith.constant 0 : i32
    %c0_i32_0 = arith.constant 0 : i32
    %c0_i32_1 = arith.constant 0 : i32
    return %c0_i32, %c0_i32_0 : i32, i32
  }
  func.func @transform_4(%arg0: i32) -> (i32, i32) {
    %c0_i32 = arith.constant 0 : i32
    %c0_i32_0 = arith.constant 0 : i32
    %c0_i32_1 = arith.constant 0 : i32
    return %c0_i32, %c0_i32_0 : i32, i32
  }
  func.func @transform_5(%arg0: i32) -> (i32, i32) {
    %c0_i32 = arith.constant 0 : i32
    %c0_i32_0 = arith.constant 0 : i32
    %c0_i32_1 = arith.constant 0 : i32
    return %c0_i32, %c0_i32_0 : i32, i32
  }
  func.func @transform_6(%arg0: i32) -> (i32, i32) {
    %c0_i32 = arith.constant 0 : i32
    %c0_i32_0 = arith.constant 0 : i32
    return %arg0, %c0_i32 : i32, i32
  }
}

module attributes {stable_mosaic.version = 14 : i64} {
  func.func @_node_body(%arg0: memref<2x10240x128xf32, #tpu.memory_space<vmem>>, %arg1: memref<10008x128xf32, #tpu.memory_space<vmem>>, %arg2: memref<128x128xbf16, #tpu.memory_space<vmem>>, %arg3: memref<1x128xf32, #tpu.memory_space<vmem>>, %arg4: memref<1x128xf32, #tpu.memory_space<vmem>>, %arg5: memref<1x128xf32, #tpu.memory_space<vmem>>, %arg6: memref<10008x128xf32, #tpu.memory_space<vmem>>) attributes {dimension_semantics = [], scalar_prefetch = 0 : i64, scratch_operands = 0 : i64, tpu.core_type = #tpu.core_type<tc>} {
    %get3A = arith.constant 0 : index
    %get3A_0 = arith.constant 0 : index
    %get3A_1 = vector.load %arg1[%get3A, %get3A_0] : memref<10008x128xf32, #tpu.memory_space<vmem>>, vector<10000x128xf32>
    %convert_element_type3A = arith.truncf %get3A_1 : vector<10000x128xf32> to vector<10000x128xbf16>
    %get3A_2 = arith.constant 0 : index
    %get3A_3 = arith.constant 0 : index
    %get3A_4 = vector.load %arg2[%get3A_2, %get3A_3] : memref<128x128xbf16, #tpu.memory_space<vmem>>, vector<128x128xbf16>
    %dot_general3A = arith.constant dense<0.000000e+00> : vector<10000x128xf32>
    %dot_general3A_5 = tpu.matmul %convert_element_type3A, %get3A_4, %dot_general3A {dimension_numbers = #tpu.dot_dimension_numbers<[1], [0], [0], [1], [0, 0, 1, 1], [], []>, transpose_lhs_hint = false} : vector<10000x128xbf16>, vector<128x128xbf16>, vector<10000x128xf32> -> vector<10000x128xf32>
    %get3A_6 = arith.constant 0 : index
    %get3A_7 = arith.constant 0 : index
    %get3A_8 = arith.constant 0 : index
    %get3A_9 = vector.load %arg0[%get3A_6, %get3A_7, %get3A_8] : memref<2x10240x128xf32, #tpu.memory_space<vmem>>, vector<1x10000x128xf32>
    %get3A_10 = vector.shape_cast %get3A_9 : vector<1x10000x128xf32> to vector<10000x128xf32>
    %get3A_11 = arith.constant 1 : index
    %get3A_12 = arith.constant 0 : index
    %get3A_13 = arith.constant 0 : index
    %get3A_14 = vector.load %arg0[%get3A_11, %get3A_12, %get3A_13] : memref<2x10240x128xf32, #tpu.memory_space<vmem>>, vector<1x10000x128xf32>
    %get3A_15 = vector.shape_cast %get3A_14 : vector<1x10000x128xf32> to vector<10000x128xf32>
    %add3A = arith.addf %get3A_10, %get3A_15 : vector<10000x128xf32>
    %add3A_16 = arith.addf %add3A, %dot_general3A_5 : vector<10000x128xf32>
    %get3A_17 = arith.constant 0 : index
    %get3A_18 = arith.constant 0 : index
    %get3A_19 = vector.load %arg3[%get3A_17, %get3A_18] : memref<1x128xf32, #tpu.memory_space<vmem>>, vector<1x128xf32>
    %add3A_20 = vector.broadcast %get3A_19 : vector<1x128xf32> to vector<10000x128xf32>
    %add3A_21 = arith.addf %add3A_16, %add3A_20 : vector<10000x128xf32>
    %max3A = arith.constant 0.000000e+00 : f32
    %max3A_22 = vector.broadcast %max3A : f32 to vector<10000x128xf32>
    %max3A_23 = arith.maximumf %add3A_21, %max3A_22 : vector<10000x128xf32>
    %reduce_sum3A = arith.constant dense<0.000000e+00> : vector<128xf32>
    %reduce_sum3A_24 = vector.multi_reduction <add>, %max3A_23, %reduce_sum3A [0] : vector<10000x128xf32> to vector<128xf32>
    %broadcast_in_dim3A = vector.shape_cast %reduce_sum3A_24 : vector<128xf32> to vector<1x128xf32>
    %div3A = arith.constant 1.000000e+04 : f32
    %div3A_25 = vector.broadcast %div3A : f32 to vector<1x128xf32>
    %div3A_26 = arith.divf %broadcast_in_dim3A, %div3A_25 : vector<1x128xf32>
    %sub3A = vector.broadcast %div3A_26 : vector<1x128xf32> to vector<10000x128xf32>
    %sub3A_27 = arith.subf %max3A_23, %sub3A : vector<10000x128xf32>
    %mul3A = arith.mulf %sub3A_27, %sub3A_27 : vector<10000x128xf32>
    %reduce_sum3A_28 = arith.constant dense<0.000000e+00> : vector<128xf32>
    %reduce_sum3A_29 = vector.multi_reduction <add>, %mul3A, %reduce_sum3A_28 [0] : vector<10000x128xf32> to vector<128xf32>
    %broadcast_in_dim3A_30 = vector.shape_cast %reduce_sum3A_29 : vector<128xf32> to vector<1x128xf32>
    %div3A_31 = arith.constant 1.000000e+04 : f32
    %div3A_32 = vector.broadcast %div3A_31 : f32 to vector<1x128xf32>
    %div3A_33 = arith.divf %broadcast_in_dim3A_30, %div3A_32 : vector<1x128xf32>
    %get3A_34 = arith.constant 0 : index
    %get3A_35 = arith.constant 0 : index
    %get3A_36 = vector.load %arg4[%get3A_34, %get3A_35] : memref<1x128xf32, #tpu.memory_space<vmem>>, vector<1x128xf32>
    %mul3A_37 = vector.broadcast %get3A_36 : vector<1x128xf32> to vector<10000x128xf32>
    %mul3A_38 = arith.mulf %mul3A_37, %sub3A_27 : vector<10000x128xf32>
    %add3A_39 = arith.constant 9.99999974E-6 : f32
    %add3A_40 = vector.broadcast %add3A_39 : f32 to vector<1x128xf32>
    %add3A_41 = arith.addf %div3A_33, %add3A_40 : vector<1x128xf32>
    %rsqrt3A = math.rsqrt %add3A_41 : vector<1x128xf32>
    %mul3A_42 = vector.broadcast %rsqrt3A : vector<1x128xf32> to vector<10000x128xf32>
    %mul3A_43 = arith.mulf %mul3A_38, %mul3A_42 : vector<10000x128xf32>
    %get3A_44 = arith.constant 0 : index
    %get3A_45 = arith.constant 0 : index
    %get3A_46 = vector.load %arg5[%get3A_44, %get3A_45] : memref<1x128xf32, #tpu.memory_space<vmem>>, vector<1x128xf32>
    %add3A_47 = vector.broadcast %get3A_46 : vector<1x128xf32> to vector<10000x128xf32>
    %add3A_48 = arith.addf %mul3A_43, %add3A_47 : vector<10000x128xf32>
    %swap3A = arith.constant 0 : index
    %swap3A_49 = arith.constant 0 : index
    %swap3A_50 = vector.load %arg6[%swap3A, %swap3A_49] : memref<10008x128xf32, #tpu.memory_space<vmem>>, vector<10000x128xf32>
    tpu.vector_store %arg6[%swap3A, %swap3A_49], %add3A_48 {strides = array<i32>} : memref<10008x128xf32, #tpu.memory_space<vmem>>, vector<10000x128xf32>,
    %broadcast_in_dim3A_51 = arith.constant 0.000000e+00 : f32
    %broadcast_in_dim3A_52 = vector.broadcast %broadcast_in_dim3A_51 : f32 to vector<8x128xf32>
    %swap3A_53 = arith.constant 10000 : index
    %swap3A_54 = arith.constant 0 : index
    %swap3A_55 = vector.load %arg6[%swap3A_53, %swap3A_54] : memref<10008x128xf32, #tpu.memory_space<vmem>>, vector<8x128xf32>
    tpu.vector_store %arg6[%swap3A_53, %swap3A_54], %broadcast_in_dim3A_52 {strides = array<i32>} : memref<10008x128xf32, #tpu.memory_space<vmem>>, vector<8x128xf32>,
    return
  }
}

module attributes {stable_mosaic.version = 14 : i64} {
  func.func @_msg_body(%arg0: i32, %arg1: memref<128x12xbf16, #tpu.memory_space<vmem>>, %arg2: memref<128x128xf32, #tpu.memory_space<vmem>>, %arg3: memref<12x1250xbf16, #tpu.memory_space<vmem>>, %arg4: memref<1x1250xf32, #tpu.memory_space<vmem>>, %arg5: memref<128x1250xf32, #tpu.memory_space<vmem>>, %arg6: memref<1250x128xbf16, #tpu.memory_space<vmem>>, %arg7: memref<128x128xf32, #tpu.memory_space<vmem>>) attributes {dimension_semantics = [#tpu.dimension_semantics<arbitrary>], iteration_bounds = array<i64: 160>, scalar_prefetch = 0 : i64, scratch_operands = 0 : i64, tpu.core_type = #tpu.core_type<tc>, window_params = [{transform_indices = @transform_0, window_bounds = array<i64: 128, 12>}, {transform_indices = @transform_1, window_bounds = array<i64: 128, 128>}, {pipeline_mode = #tpu.pipeline_mode<synchronous>, transform_indices = @transform_2, window_bounds = array<i64: 12, 1250>}, {pipeline_mode = #tpu.pipeline_mode<synchronous>, transform_indices = @transform_3, window_bounds = array<i64: 1, 1250>}, {pipeline_mode = #tpu.pipeline_mode<synchronous>, transform_indices = @transform_4, window_bounds = array<i64: 128, 1250>}, {pipeline_mode = #tpu.pipeline_mode<synchronous>, transform_indices = @transform_5, window_bounds = array<i64: 1250, 128>}, {transform_indices = @transform_6, window_bounds = array<i64: 128, 128>}]} {
    %get3A = arith.constant 0 : index
    %get3A_0 = arith.constant 0 : index
    %get3A_1 = vector.load %arg1[%get3A, %get3A_0] : memref<128x12xbf16, #tpu.memory_space<vmem>>, vector<128x12xbf16>
    %get3A_2 = arith.constant 0 : index
    %get3A_3 = arith.constant 0 : index
    %get3A_4 = vector.load %arg3[%get3A_2, %get3A_3] : memref<12x1250xbf16, #tpu.memory_space<vmem>>, vector<12x1250xbf16>
    %dot_general3A = arith.constant dense<0.000000e+00> : vector<128x1250xf32>
    %dot_general3A_5 = tpu.matmul %get3A_1, %get3A_4, %dot_general3A {dimension_numbers = #tpu.dot_dimension_numbers<[1], [0], [0], [1], [0, 0, 1, 1], [], []>, transpose_lhs_hint = false} : vector<128x12xbf16>, vector<12x1250xbf16>, vector<128x1250xf32> -> vector<128x1250xf32>
    %get3A_6 = arith.constant 0 : index
    %get3A_7 = arith.constant 0 : index
    %get3A_8 = vector.load %arg4[%get3A_6, %get3A_7] : memref<1x1250xf32, #tpu.memory_space<vmem>>, vector<1x1250xf32>
    %add3A = vector.broadcast %get3A_8 : vector<1x1250xf32> to vector<128x1250xf32>
    %add3A_9 = arith.addf %dot_general3A_5, %add3A : vector<128x1250xf32>
    %max3A = arith.constant 0.000000e+00 : f32
    %max3A_10 = vector.broadcast %max3A : f32 to vector<128x1250xf32>
    %max3A_11 = arith.maximumf %add3A_9, %max3A_10 : vector<128x1250xf32>
    %get3A_12 = arith.constant 0 : index
    %get3A_13 = arith.constant 0 : index
    %get3A_14 = vector.load %arg2[%get3A_12, %get3A_13] : memref<128x128xf32, #tpu.memory_space<vmem>>, vector<128x128xf32>
    %convert_element_type3A = arith.truncf %get3A_14 : vector<128x128xf32> to vector<128x128xbf16>
    %get3A_15 = arith.constant 0 : index
    %get3A_16 = arith.constant 0 : index
    %get3A_17 = vector.load %arg5[%get3A_15, %get3A_16] : memref<128x1250xf32, #tpu.memory_space<vmem>>, vector<128x1250xf32>
    %dot_general3A_18 = arith.constant dense<0.000000e+00> : vector<128x1250xf32>
    %dot_general3A_19 = tpu.matmul %convert_element_type3A, %get3A_17, %dot_general3A_18 {dimension_numbers = #tpu.dot_dimension_numbers<[1], [0], [0], [1], [0, 0, 1, 1], [], []>, transpose_lhs_hint = false} : vector<128x128xbf16>, vector<128x1250xf32>, vector<128x1250xf32> -> vector<128x1250xf32>
    %convert_element_type3A_20 = arith.truncf %max3A_11 : vector<128x1250xf32> to vector<128x1250xbf16>
    %convert_element_type3A_21 = arith.extf %convert_element_type3A_20 : vector<128x1250xbf16> to vector<128x1250xf32>
    %mul3A = arith.mulf %convert_element_type3A_21, %dot_general3A_19 : vector<128x1250xf32>
    %convert_element_type3A_22 = arith.truncf %mul3A : vector<128x1250xf32> to vector<128x1250xbf16>
    %convert_element_type3A_23 = arith.extf %convert_element_type3A_22 : vector<128x1250xbf16> to vector<128x1250xf32>
    %sub3A = arith.subf %mul3A, %convert_element_type3A_23 : vector<128x1250xf32>
    %convert_element_type3A_24 = arith.truncf %sub3A : vector<128x1250xf32> to vector<128x1250xbf16>
    %get3A_25 = arith.constant 0 : index
    %get3A_26 = arith.constant 0 : index
    %get3A_27 = vector.load %arg6[%get3A_25, %get3A_26] : memref<1250x128xbf16, #tpu.memory_space<vmem>>, vector<1250x128xbf16>
    %dot_general3A_28 = arith.constant dense<0.000000e+00> : vector<128x128xf32>
    %dot_general3A_29 = tpu.matmul %convert_element_type3A_22, %get3A_27, %dot_general3A_28 {dimension_numbers = #tpu.dot_dimension_numbers<[1], [0], [0], [1], [0, 0, 1, 1], [], []>, transpose_lhs_hint = false} : vector<128x1250xbf16>, vector<1250x128xbf16>, vector<128x128xf32> -> vector<128x128xf32>
    %get3A_30 = arith.constant 0 : index
    %get3A_31 = arith.constant 0 : index
    %get3A_32 = vector.load %arg6[%get3A_30, %get3A_31] : memref<1250x128xbf16, #tpu.memory_space<vmem>>, vector<1250x128xbf16>
    %dot_general3A_33 = arith.constant dense<0.000000e+00> : vector<128x128xf32>
    %dot_general3A_34 = tpu.matmul %convert_element_type3A_24, %get3A_32, %dot_general3A_33 {dimension_numbers = #tpu.dot_dimension_numbers<[1], [0], [0], [1], [0, 0, 1, 1], [], []>, transpose_lhs_hint = false} : vector<128x1250xbf16>, vector<1250x128xbf16>, vector<128x128xf32> -> vector<128x128xf32>
    %add3A_35 = arith.addf %dot_general3A_29, %dot_general3A_34 : vector<128x128xf32>
    %swap3A = arith.constant 0 : index
    %swap3A_36 = arith.constant 0 : index
    %swap3A_37 = vector.load %arg7[%swap3A, %swap3A_36] : memref<128x128xf32, #tpu.memory_space<vmem>>, vector<128x128xf32>
    tpu.vector_store %arg7[%swap3A, %swap3A_36], %add3A_35 {strides = array<i32>} : memref<128x128xf32, #tpu.memory_space<vmem>>, vector<128x128xf32>,
    return
  }
  func.func @transform_0(%arg0: i32) -> (i32, i32) {
    %c0_i32 = arith.constant 0 : i32
    %c0_i32_0 = arith.constant 0 : i32
    return %arg0, %c0_i32 : i32, i32
  }
  func.func @transform_1(%arg0: i32) -> (i32, i32) {
    %c0_i32 = arith.constant 0 : i32
    %c0_i32_0 = arith.constant 0 : i32
    return %arg0, %c0_i32 : i32, i32
  }
  func.func @transform_2(%arg0: i32) -> (i32, i32) {
    %c0_i32 = arith.constant 0 : i32
    %c0_i32_0 = arith.constant 0 : i32
    %c0_i32_1 = arith.constant 0 : i32
    return %c0_i32, %c0_i32_0 : i32, i32
  }
  func.func @transform_3(%arg0: i32) -> (i32, i32) {
    %c0_i32 = arith.constant 0 : i32
    %c0_i32_0 = arith.constant 0 : i32
    %c0_i32_1 = arith.constant 0 : i32
    return %c0_i32, %c0_i32_0 : i32, i32
  }
  func.func @transform_4(%arg0: i32) -> (i32, i32) {
    %c0_i32 = arith.constant 0 : i32
    %c0_i32_0 = arith.constant 0 : i32
    %c0_i32_1 = arith.constant 0 : i32
    return %c0_i32, %c0_i32_0 : i32, i32
  }
  func.func @transform_5(%arg0: i32) -> (i32, i32) {
    %c0_i32 = arith.constant 0 : i32
    %c0_i32_0 = arith.constant 0 : i32
    %c0_i32_1 = arith.constant 0 : i32
    return %c0_i32, %c0_i32_0 : i32, i32
  }
  func.func @transform_6(%arg0: i32) -> (i32, i32) {
    %c0_i32 = arith.constant 0 : i32
    %c0_i32_0 = arith.constant 0 : i32
    return %arg0, %c0_i32 : i32, i32
  }
}

module attributes {stable_mosaic.version = 14 : i64} {
  func.func @_node_body(%arg0: memref<2x10240x128xf32, #tpu.memory_space<vmem>>, %arg1: memref<10008x128xf32, #tpu.memory_space<vmem>>, %arg2: memref<128x128xbf16, #tpu.memory_space<vmem>>, %arg3: memref<1x128xf32, #tpu.memory_space<vmem>>, %arg4: memref<1x128xf32, #tpu.memory_space<vmem>>, %arg5: memref<1x128xf32, #tpu.memory_space<vmem>>, %arg6: memref<10000x128xf32, #tpu.memory_space<vmem>>) attributes {dimension_semantics = [], scalar_prefetch = 0 : i64, scratch_operands = 0 : i64, tpu.core_type = #tpu.core_type<tc>} {
    %get3A = arith.constant 0 : index
    %get3A_0 = arith.constant 0 : index
    %get3A_1 = vector.load %arg1[%get3A, %get3A_0] : memref<10008x128xf32, #tpu.memory_space<vmem>>, vector<10000x128xf32>
    %convert_element_type3A = arith.truncf %get3A_1 : vector<10000x128xf32> to vector<10000x128xbf16>
    %get3A_2 = arith.constant 0 : index
    %get3A_3 = arith.constant 0 : index
    %get3A_4 = vector.load %arg2[%get3A_2, %get3A_3] : memref<128x128xbf16, #tpu.memory_space<vmem>>, vector<128x128xbf16>
    %dot_general3A = arith.constant dense<0.000000e+00> : vector<10000x128xf32>
    %dot_general3A_5 = tpu.matmul %convert_element_type3A, %get3A_4, %dot_general3A {dimension_numbers = #tpu.dot_dimension_numbers<[1], [0], [0], [1], [0, 0, 1, 1], [], []>, transpose_lhs_hint = false} : vector<10000x128xbf16>, vector<128x128xbf16>, vector<10000x128xf32> -> vector<10000x128xf32>
    %get3A_6 = arith.constant 0 : index
    %get3A_7 = arith.constant 0 : index
    %get3A_8 = arith.constant 0 : index
    %get3A_9 = vector.load %arg0[%get3A_6, %get3A_7, %get3A_8] : memref<2x10240x128xf32, #tpu.memory_space<vmem>>, vector<1x10000x128xf32>
    %get3A_10 = vector.shape_cast %get3A_9 : vector<1x10000x128xf32> to vector<10000x128xf32>
    %get3A_11 = arith.constant 1 : index
    %get3A_12 = arith.constant 0 : index
    %get3A_13 = arith.constant 0 : index
    %get3A_14 = vector.load %arg0[%get3A_11, %get3A_12, %get3A_13] : memref<2x10240x128xf32, #tpu.memory_space<vmem>>, vector<1x10000x128xf32>
    %get3A_15 = vector.shape_cast %get3A_14 : vector<1x10000x128xf32> to vector<10000x128xf32>
    %add3A = arith.addf %get3A_10, %get3A_15 : vector<10000x128xf32>
    %add3A_16 = arith.addf %add3A, %dot_general3A_5 : vector<10000x128xf32>
    %get3A_17 = arith.constant 0 : index
    %get3A_18 = arith.constant 0 : index
    %get3A_19 = vector.load %arg3[%get3A_17, %get3A_18] : memref<1x128xf32, #tpu.memory_space<vmem>>, vector<1x128xf32>
    %add3A_20 = vector.broadcast %get3A_19 : vector<1x128xf32> to vector<10000x128xf32>
    %add3A_21 = arith.addf %add3A_16, %add3A_20 : vector<10000x128xf32>
    %max3A = arith.constant 0.000000e+00 : f32
    %max3A_22 = vector.broadcast %max3A : f32 to vector<10000x128xf32>
    %max3A_23 = arith.maximumf %add3A_21, %max3A_22 : vector<10000x128xf32>
    %reduce_sum3A = arith.constant dense<0.000000e+00> : vector<128xf32>
    %reduce_sum3A_24 = vector.multi_reduction <add>, %max3A_23, %reduce_sum3A [0] : vector<10000x128xf32> to vector<128xf32>
    %broadcast_in_dim3A = vector.shape_cast %reduce_sum3A_24 : vector<128xf32> to vector<1x128xf32>
    %div3A = arith.constant 1.000000e+04 : f32
    %div3A_25 = vector.broadcast %div3A : f32 to vector<1x128xf32>
    %div3A_26 = arith.divf %broadcast_in_dim3A, %div3A_25 : vector<1x128xf32>
    %sub3A = vector.broadcast %div3A_26 : vector<1x128xf32> to vector<10000x128xf32>
    %sub3A_27 = arith.subf %max3A_23, %sub3A : vector<10000x128xf32>
    %mul3A = arith.mulf %sub3A_27, %sub3A_27 : vector<10000x128xf32>
    %reduce_sum3A_28 = arith.constant dense<0.000000e+00> : vector<128xf32>
    %reduce_sum3A_29 = vector.multi_reduction <add>, %mul3A, %reduce_sum3A_28 [0] : vector<10000x128xf32> to vector<128xf32>
    %broadcast_in_dim3A_30 = vector.shape_cast %reduce_sum3A_29 : vector<128xf32> to vector<1x128xf32>
    %div3A_31 = arith.constant 1.000000e+04 : f32
    %div3A_32 = vector.broadcast %div3A_31 : f32 to vector<1x128xf32>
    %div3A_33 = arith.divf %broadcast_in_dim3A_30, %div3A_32 : vector<1x128xf32>
    %get3A_34 = arith.constant 0 : index
    %get3A_35 = arith.constant 0 : index
    %get3A_36 = vector.load %arg4[%get3A_34, %get3A_35] : memref<1x128xf32, #tpu.memory_space<vmem>>, vector<1x128xf32>
    %mul3A_37 = vector.broadcast %get3A_36 : vector<1x128xf32> to vector<10000x128xf32>
    %mul3A_38 = arith.mulf %mul3A_37, %sub3A_27 : vector<10000x128xf32>
    %add3A_39 = arith.constant 9.99999974E-6 : f32
    %add3A_40 = vector.broadcast %add3A_39 : f32 to vector<1x128xf32>
    %add3A_41 = arith.addf %div3A_33, %add3A_40 : vector<1x128xf32>
    %rsqrt3A = math.rsqrt %add3A_41 : vector<1x128xf32>
    %mul3A_42 = vector.broadcast %rsqrt3A : vector<1x128xf32> to vector<10000x128xf32>
    %mul3A_43 = arith.mulf %mul3A_38, %mul3A_42 : vector<10000x128xf32>
    %get3A_44 = arith.constant 0 : index
    %get3A_45 = arith.constant 0 : index
    %get3A_46 = vector.load %arg5[%get3A_44, %get3A_45] : memref<1x128xf32, #tpu.memory_space<vmem>>, vector<1x128xf32>
    %add3A_47 = vector.broadcast %get3A_46 : vector<1x128xf32> to vector<10000x128xf32>
    %add3A_48 = arith.addf %mul3A_43, %add3A_47 : vector<10000x128xf32>
    %swap3A = arith.constant 0 : index
    %swap3A_49 = arith.constant 0 : index
    %swap3A_50 = vector.load %arg6[%swap3A, %swap3A_49] : memref<10000x128xf32, #tpu.memory_space<vmem>>, vector<10000x128xf32>
    tpu.vector_store %arg6[%swap3A, %swap3A_49], %add3A_48 {strides = array<i32>} : memref<10000x128xf32, #tpu.memory_space<vmem>>, vector<10000x128xf32>,
    return
  }
}

module attributes {stable_mosaic.version = 14 : i64} {
  func.func @_pool_body(%arg0: i32, %arg1: memref<1x1x1000xi32, #tpu.memory_space<vmem>>, %arg2: memref<1000x128xf32, #tpu.memory_space<vmem>>, %arg3: memref<128x128xbf16, #tpu.memory_space<vmem>>, %arg4: memref<1x128xf32, #tpu.memory_space<vmem>>, %arg5: memref<128x128xbf16, #tpu.memory_space<vmem>>, %arg6: memref<1x128xf32, #tpu.memory_space<vmem>>, %arg7: memref<408x128xf32, #tpu.memory_space<vmem>>) attributes {dimension_semantics = [#tpu.dimension_semantics<arbitrary>], iteration_bounds = array<i64: 10>, scalar_prefetch = 0 : i64, scratch_operands = 0 : i64, tpu.core_type = #tpu.core_type<tc>, window_params = [{transform_indices = @transform_0, window_bounds = array<i64: 1, 1, 1000>}, {transform_indices = @transform_1, window_bounds = array<i64: 1000, 128>}, {pipeline_mode = #tpu.pipeline_mode<synchronous>, transform_indices = @transform_2, window_bounds = array<i64: 128, 128>}, {pipeline_mode = #tpu.pipeline_mode<synchronous>, transform_indices = @transform_3, window_bounds = array<i64: 1, 128>}, {pipeline_mode = #tpu.pipeline_mode<synchronous>, transform_indices = @transform_4, window_bounds = array<i64: 128, 128>}, {pipeline_mode = #tpu.pipeline_mode<synchronous>, transform_indices = @transform_5, window_bounds = array<i64: 1, 128>}, {pipeline_mode = #tpu.pipeline_mode<synchronous>, transform_indices = @transform_6, window_bounds = array<i64: 408, 128>}]} {
    %eq3A = arith.constant 0 : i32
    %eq3A_0 = arith.cmpi eq, %arg0, %eq3A : i32
    %convert_element_type3A = arith.extui %eq3A_0 : i1 to i32
    %cond3A = arith.constant 0 : i32
    %cond3A_1 = arith.cmpi ne, %convert_element_type3A, %cond3A : i32
    scf.if %cond3A_1 {
      %broadcast_in_dim3A = arith.constant 0.000000e+00 : f32
      %broadcast_in_dim3A_24 = vector.broadcast %broadcast_in_dim3A : f32 to vector<408x128xf32>
      %swap3A_25 = arith.constant 0 : index
      %swap3A_26 = arith.constant 0 : index
      %swap3A_27 = vector.load %arg7[%swap3A_25, %swap3A_26] : memref<408x128xf32, #tpu.memory_space<vmem>>, vector<408x128xf32>
      tpu.vector_store %arg7[%swap3A_25, %swap3A_26], %broadcast_in_dim3A_24 {strides = array<i32>} : memref<408x128xf32, #tpu.memory_space<vmem>>, vector<408x128xf32>,
    } else {
    }
    %iota3A = tpu.iota {dimensions = array<i32: 0>} : vector<408x1000xi32>
    %get3A = arith.constant 0 : index
    %get3A_2 = arith.constant 0 : index
    %get3A_3 = arith.constant 0 : index
    %get3A_4 = vector.load %arg1[%get3A, %get3A_2, %get3A_3] : memref<1x1x1000xi32, #tpu.memory_space<vmem>>, vector<1x1x1000xi32>
    %get3A_5 = vector.shape_cast %get3A_4 : vector<1x1x1000xi32> to vector<1x1000xi32>
    %eq3A_6 = vector.broadcast %get3A_5 : vector<1x1000xi32> to vector<408x1000xi32>
    %eq3A_7 = arith.cmpi eq, %eq3A_6, %iota3A : vector<408x1000xi32>
    %convert_element_type3A_8 = arith.extui %eq3A_7 : vector<408x1000xi1> to vector<408x1000xi32>
    %convert_element_type3A_9 = arith.sitofp %convert_element_type3A_8 : vector<408x1000xi32> to vector<408x1000xf32>
    %get3A_10 = arith.constant 0 : index
    %get3A_11 = arith.constant 0 : index
    %get3A_12 = vector.load %arg7[%get3A_10, %get3A_11] : memref<408x128xf32, #tpu.memory_space<vmem>>, vector<408x128xf32>
    %get3A_13 = arith.constant 0 : index
    %get3A_14 = arith.constant 0 : index
    %get3A_15 = vector.load %arg2[%get3A_13, %get3A_14] : memref<1000x128xf32, #tpu.memory_space<vmem>>, vector<1000x128xf32>
    %dot_general3A = arith.constant dense<0.000000e+00> : vector<408x128xf32>
    %dot_general3A_16 = tpu.matmul %convert_element_type3A_9, %get3A_15, %dot_general3A {dimension_numbers = #tpu.dot_dimension_numbers<[1], [0], [0], [1], [0, 0, 1, 1], [], []>, precision = #tpu.contract_precision<fp32>, transpose_lhs_hint = false} : vector<408x1000xf32>, vector<1000x128xf32>, vector<408x128xf32> -> vector<408x128xf32>
    %add3A = arith.addf %get3A_12, %dot_general3A_16 : vector<408x128xf32>
    %swap3A = arith.constant 0 : index
    %swap3A_17 = arith.constant 0 : index
    %swap3A_18 = vector.load %arg7[%swap3A, %swap3A_17] : memref<408x128xf32, #tpu.memory_space<vmem>>, vector<408x128xf32>
    tpu.vector_store %arg7[%swap3A, %swap3A_17], %add3A {strides = array<i32>} : memref<408x128xf32, #tpu.memory_space<vmem>>, vector<408x128xf32>,
    %eq3A_19 = arith.constant 9 : i32
    %eq3A_20 = arith.cmpi eq, %arg0, %eq3A_19 : i32
    %convert_element_type3A_21 = arith.extui %eq3A_20 : i1 to i32
    %cond3A_22 = arith.constant 0 : i32
    %cond3A_23 = arith.cmpi ne, %convert_element_type3A_21, %cond3A_22 : i32
    scf.if %cond3A_23 {
      %get3A_24 = arith.constant 0 : index
      %get3A_25 = arith.constant 0 : index
      %get3A_26 = vector.load %arg7[%get3A_24, %get3A_25] : memref<408x128xf32, #tpu.memory_space<vmem>>, vector<408x128xf32>
      %max3A = arith.constant 0.000000e+00 : f32
      %max3A_27 = vector.broadcast %max3A : f32 to vector<408x128xf32>
      %max3A_28 = arith.maximumf %get3A_26, %max3A_27 : vector<408x128xf32>
      %convert_element_type3A_29 = arith.truncf %max3A_28 : vector<408x128xf32> to vector<408x128xbf16>
      %get3A_30 = arith.constant 0 : index
      %get3A_31 = arith.constant 0 : index
      %get3A_32 = vector.load %arg3[%get3A_30, %get3A_31] : memref<128x128xbf16, #tpu.memory_space<vmem>>, vector<128x128xbf16>
      %dot_general3A_33 = arith.constant dense<0.000000e+00> : vector<408x128xf32>
      %dot_general3A_34 = tpu.matmul %convert_element_type3A_29, %get3A_32, %dot_general3A_33 {dimension_numbers = #tpu.dot_dimension_numbers<[1], [0], [0], [1], [0, 0, 1, 1], [], []>, transpose_lhs_hint = false} : vector<408x128xbf16>, vector<128x128xbf16>, vector<408x128xf32> -> vector<408x128xf32>
      %get3A_35 = arith.constant 0 : index
      %get3A_36 = arith.constant 0 : index
      %get3A_37 = vector.load %arg4[%get3A_35, %get3A_36] : memref<1x128xf32, #tpu.memory_space<vmem>>, vector<1x128xf32>
      %add3A_38 = vector.broadcast %get3A_37 : vector<1x128xf32> to vector<408x128xf32>
      %add3A_39 = arith.addf %dot_general3A_34, %add3A_38 : vector<408x128xf32>
      %max3A_40 = arith.constant 0.000000e+00 : f32
      %max3A_41 = vector.broadcast %max3A_40 : f32 to vector<408x128xf32>
      %max3A_42 = arith.maximumf %add3A_39, %max3A_41 : vector<408x128xf32>
      %convert_element_type3A_43 = arith.truncf %max3A_42 : vector<408x128xf32> to vector<408x128xbf16>
      %get3A_44 = arith.constant 0 : index
      %get3A_45 = arith.constant 0 : index
      %get3A_46 = vector.load %arg5[%get3A_44, %get3A_45] : memref<128x128xbf16, #tpu.memory_space<vmem>>, vector<128x128xbf16>
      %dot_general3A_47 = arith.constant dense<0.000000e+00> : vector<408x128xf32>
      %dot_general3A_48 = tpu.matmul %convert_element_type3A_43, %get3A_46, %dot_general3A_47 {dimension_numbers = #tpu.dot_dimension_numbers<[1], [0], [0], [1], [0, 0, 1, 1], [], []>, transpose_lhs_hint = false} : vector<408x128xbf16>, vector<128x128xbf16>, vector<408x128xf32> -> vector<408x128xf32>
      %get3A_49 = arith.constant 0 : index
      %get3A_50 = arith.constant 0 : index
      %get3A_51 = vector.load %arg6[%get3A_49, %get3A_50] : memref<1x128xf32, #tpu.memory_space<vmem>>, vector<1x128xf32>
      %add3A_52 = vector.broadcast %get3A_51 : vector<1x128xf32> to vector<408x128xf32>
      %add3A_53 = arith.addf %dot_general3A_48, %add3A_52 : vector<408x128xf32>
      %swap3A_54 = arith.constant 0 : index
      %swap3A_55 = arith.constant 0 : index
      %swap3A_56 = vector.load %arg7[%swap3A_54, %swap3A_55] : memref<408x128xf32, #tpu.memory_space<vmem>>, vector<408x128xf32>
      tpu.vector_store %arg7[%swap3A_54, %swap3A_55], %add3A_53 {strides = array<i32>} : memref<408x128xf32, #tpu.memory_space<vmem>>, vector<408x128xf32>,
    } else {
    }
    return
  }
  func.func @transform_0(%arg0: i32) -> (i32, i32, i32) {
    %c0_i32 = arith.constant 0 : i32
    %c0_i32_0 = arith.constant 0 : i32
    %c0_i32_1 = arith.constant 0 : i32
    return %arg0, %c0_i32, %c0_i32_0 : i32, i32, i32
  }
  func.func @transform_1(%arg0: i32) -> (i32, i32) {
    %c0_i32 = arith.constant 0 : i32
    %c0_i32_0 = arith.constant 0 : i32
    return %arg0, %c0_i32 : i32, i32
  }
  func.func @transform_2(%arg0: i32) -> (i32, i32) {
    %c0_i32 = arith.constant 0 : i32
    %c0_i32_0 = arith.constant 0 : i32
    %c0_i32_1 = arith.constant 0 : i32
    return %c0_i32, %c0_i32_0 : i32, i32
  }
  func.func @transform_3(%arg0: i32) -> (i32, i32) {
    %c0_i32 = arith.constant 0 : i32
    %c0_i32_0 = arith.constant 0 : i32
    %c0_i32_1 = arith.constant 0 : i32
    return %c0_i32, %c0_i32_0 : i32, i32
  }
  func.func @transform_4(%arg0: i32) -> (i32, i32) {
    %c0_i32 = arith.constant 0 : i32
    %c0_i32_0 = arith.constant 0 : i32
    %c0_i32_1 = arith.constant 0 : i32
    return %c0_i32, %c0_i32_0 : i32, i32
  }
  func.func @transform_5(%arg0: i32) -> (i32, i32) {
    %c0_i32 = arith.constant 0 : i32
    %c0_i32_0 = arith.constant 0 : i32
    %c0_i32_1 = arith.constant 0 : i32
    return %c0_i32, %c0_i32_0 : i32, i32
  }
  func.func @transform_6(%arg0: i32) -> (i32, i32) {
    %c0_i32 = arith.constant 0 : i32
    %c0_i32_0 = arith.constant 0 : i32
    %c0_i32_1 = arith.constant 0 : i32
    return %c0_i32, %c0_i32_0 : i32, i32
  }
}

</mosaic_0001>

<sc_bundles>
// kernel: kernel.11.cloned.1.call-start
scs
__scs_entry_jumppad:
0x0: {  	(pc) =	sbr.rel $0x88, $3  }
0x1: {  	(tag) =	ssettag $0x0;
	lr =	simm.s32 $0x1  }
0x2: {  	[smem:$0x3F8D] =	sst lr;
	_ =	strace $0xD0000000  }
0x3: {  	_ = 	snop  }
0x4: {  	_ = 	snop  }
0x5: {  	_ = 	snop  }
0x6: {  	_ = 	snop  }
0x7: {  	_ = 	snop  }
__scs_overlays_trampoline_lowered:
0x8: {  	[smem:$0x3F9C] =	sst s0  }
0x9: {  	[smem:$0x3F9D] =	sst s1  }
0xa: {  	[smem:$0x3F9E] =	sst s2  }
0xb: {  	[smem:$0x3F9F] =	sst s3  }
0xc: {  	[smem:$0x3FA0] =	sst s4  }
0xd: {  	[smem:$0x3FA1] =	sst s5  }
0xe: {  	[smem:$0x3FA2] =	sst s6  }
0xf: {  	[smem:$0x3FA3] =	sst s7  }
0x10: {  	[smem:$0x3FA4] =	sst s8  }
0x11: {  	[smem:$0x3FA5] =	sst s9;
	s0 =	simm.s32 @!p0 $0x0  }
0x12: {  	s1 =	sld [smem:$0x3F8B];
	s0 =	simm.s32 @p0 $0x1  }
0x13: {  	[smem:$0x3FA6] =	sst s0;
	s0 =	simm.s32 @!p1 $0x0  }
0x14: {  	s2 =	sld [smem:$0x3F8A];
	s0 =	simm.s32 @p1 $0x1  }
0x15: {  	[smem:$0x3FA7] =	sst s0;
	s0 =	simm.s32 @!p2 $0x0  }
0x16: {  	s3 =	sld [smem:$0x3FDB];
	s0 =	simm.s32 @p2 $0x1  }
0x17: {  	s4 =	simm.s32 $0x1BF5;
	[smem:$0x3FA9] =	sst s0  }
0x18: {  	s0 =	sld [smem:$0x3F8C];
	_ =	swait.ge [sflag:s4], $0x0  }
0x19: {  	s7 =	sld [smem:$0x3F8D]  }
0x1a: {  	s8 =	sadd.s32 $0xFFFFE003, lr  }
0x1b: {  	s9 =	sadd.s32 $0xFFFFFEF7, lr;
	s5 =	simm.s32 $0xFFFFFFFF;
	p2 =	slt.u32 s8, $0xFFFFF086  }
0x1c: {  	p1 =	slt.u32 s9, $0xF7A;
	s5 =	simm.s32 @!p2 $0x0  }
0x1d: {  	s5 =	simm.s32 @p1 $0x1;
	p0 =	seq.s32 s7, s2  }
0x1e: {  	s7 =	smul.u32 @!p0 $0xF7A, s2;
	p2 =	seq.s32 @!p0 s5, $0x0  }
0x1f: {  	s9 =	smul.u32 $0xF7A, s1;
	s8 =	simm.s32 @!p0 $0x1BF5;
	p2 =	por !p2, p0  }
0x20: {  	[sflag:s8] =	ssyncset.s32 @!p0 $0xFFFFF086;
	s6 =	sadd.s32 @!p0 s3, s7;
	s7 =	simm.s32 @!p0 $0x108  }
0x21: {  	s3 =	sadd.s32 s3, s9;
	s6 =	sadd.s32 @!p0 $0x88, s6;
	s7 =	simm.s32 @p2 $0x1082  }
0x22: {  	[simem:s7], [sflag:s8] =	dma.local @!p0 [hbm:s6], $0xF7A  }
0x23: {  	s9 =	sor.u32 $0xD0000000, s2;
	s6 =	simm.s32 $0x108;
	_ =	swait.ge @!p0 [sflag:s8], $0x0  }
0x24: {  	s3 =	sadd.s32 $0x88, s3;
	s6 =	simm.s32 @!p1 $0x1082;
	[sflag:s4] =	ssyncset.s32 $0xFFFFF086  }
0x25: {  	[simem:s6], [sflag:s4] =	dma.local [hbm:s3], $0xF7A  }
0x26: {  	[smem:$0x3F8D] =	sst s1;
	(tag) =	ssettag s2;
	_ =	strace s9  }
0x27: {  	s1 =	sld [smem:$0x3F9D]  }
0x28: {  	s2 =	sld [smem:$0x3F9E]  }
0x29: {  	s4 =	sld [smem:$0x3FA0]  }
0x2a: {  	p0 =	seq.s32 s5, $0x0;
	s5 =	sld [smem:$0x3FA1]  }
0x2b: {  	s6 =	sld [smem:$0x3FA2]  }
0x2c: {  	s7 =	sld [smem:$0x3FA3]  }
0x2d: {  	s3 =	simm.s32 $0x108;
	s8 =	sld [smem:$0x3FA4]  }
0x2e: {  	s3 =	simm.s32 @!p0 $0x1082;
	s9 =	sld [smem:$0x3FA5]  }
0x2f: {  	lr =	sadd.s32 s0, s3;
	s0 =	sld [smem:$0x3F9C]  }
0x30: {  	s3 =	sld [smem:$0x3F9F]  }
0x31: {  	[smem:$0x3FA8] =	sst s10  }
0x32: {  	s10 =	sld [smem:$0x3FA6];
	_ =	sdelay $0x3  }
0x33: {  	p0 =	seq.s32 s10, $0x1;
	s10 =	sld [smem:$0x3FA8];
	_ =	sdelay $0x3  }
0x34: {  	[smem:$0x3FA8] =	sst s10  }
0x35: {  	s10 =	sld [smem:$0x3FA7];
	_ =	sdelay $0x3  }
0x36: {  	p1 =	seq.s32 s10, $0x1;
	s10 =	sld [smem:$0x3FA8];
	_ =	sdelay $0x3  }
0x37: {  	[smem:$0x3FA8] =	sst s10  }
0x38: {  	s10 =	sld [smem:$0x3FA9]  }
0x39: {  	_ = 	snop;
	(pc) =	sbr.ind lr, $3  }
0x3a: {  	_ = 	snop  }
0x3b: {  	_ = 	snop  }
0x3c: {  	p2 =	seq.s32 s10, $0x1;
	s10 =	sld [smem:$0x3FA8]  }
0x3d: {  	_ =	shalt  }
0x3e: {  	_ =	shalt  }
0x3f: {  	_ =	shalt  }
0x40: {  	_ =	shalt  }
0x41: {  	_ =	shalt  }
0x42: {  	_ =	shalt  }
0x43: {  	_ =	shalt  }
0x44: {  	_ =	shalt  }
0x45: {  	_ =	shalt  }
0x46: {  	_ =	shalt  }
0x47: {  	_ =	shalt  }
0x48: {  	_ =	shalt  }
0x49: {  	_ =	shalt  }
0x4a: {  	_ =	shalt  }
0x4b: {  	_ =	shalt  }
0x4c: {  	_ =	shalt  }
0x4d: {  	_ =	shalt  }
0x4e: {  	_ =	shalt  }
0x4f: {  	_ =	shalt  }
0x50: {  	_ =	shalt  }
0x51: {  	_ =	shalt  }
0x52: {  	_ =	shalt  }
0x53: {  	_ =	shalt  }
0x54: {  	_ =	shalt  }
0x55: {  	_ =	shalt  }
0x56: {  	_ =	shalt  }
0x57: {  	_ =	shalt  }
0x58: {  	_ =	shalt  }
0x59: {  	_ =	shalt  }
0x5a: {  	_ =	shalt  }
0x5b: {  	_ =	shalt  }
0x5c: {  	_ =	shalt  }
0x5d: {  	_ =	shalt  }
0x5e: {  	_ =	shalt  }
0x5f: {  	_ =	shalt  }
0x60: {  	_ =	shalt  }
0x61: {  	_ =	shalt  }
0x62: {  	_ =	shalt  }
0x63: {  	_ =	shalt  }
0x64: {  	_ =	shalt  }
0x65: {  	_ =	shalt  }
0x66: {  	_ =	shalt  }
0x67: {  	_ =	shalt  }
0x68: {  	_ =	shalt  }
0x69: {  	_ =	shalt  }
0x6a: {  	_ =	shalt  }
0x6b: {  	_ =	shalt  }
0x6c: {  	_ =	shalt  }
0x6d: {  	_ =	shalt  }
0x6e: {  	_ =	shalt  }
0x6f: {  	_ =	shalt  }
0x70: {  	_ =	shalt  }
0x71: {  	_ =	shalt  }
0x72: {  	_ =	shalt  }
0x73: {  	_ =	shalt  }
0x74: {  	_ =	shalt  }
0x75: {  	_ =	shalt  }
0x76: {  	_ =	shalt  }
0x77: {  	_ =	shalt  }
0x78: {  	_ =	shalt  }
0x79: {  	_ =	shalt  }
0x7a: {  	_ =	shalt  }
0x7b: {  	_ =	shalt  }
0x7c: {  	_ =	shalt  }
0x7d: {  	_ =	shalt  }
0x7e: {  	_ =	shalt  }
0x7f: {  	_ =	shalt  }
0x80: {  	_ =	shalt  }
0x81: {  	_ =	shalt  }
0x82: {  	_ =	shalt  }
0x83: {  	_ =	shalt  }
0x84: {  	_ =	shalt  }
0x85: {  	_ =	shalt  }
0x86: {  	_ =	shalt  }
0x87: {  	_ =	shalt  }
.Lfunc_end0:
.L_simem_size_0:
called_computation_lowered:
.L_overlay_start_0:
0x88: {  	s2 =	sld [smem:$0x3FD9]  }
0x89: {  	s3 =	sld [smem:$0x3FFE];
	_ =	sdelay $0x1  }
0x8a: {  	s1 =	srdreg.scid  }
0x8b: {  	s0 =	sand.u32 $0x1, s1  }
0x8c: {  	s16 =	sshll.u32 s0, $0xA;
	s2 =	sadd.s32 s3, s2  }
0x8d: {  	s2 =	sadd.s32 s2, s16  }
0x8e: {  	[smem:$0x3FB4] =	sst s2  }
0x8f: {  	_ = 	snop  }
0x90: {  	(tm) =	ssettm $0x1  }
0x91: {  	s17 =	sld [smem:$0x3FFB];
	_ =	sdelay $0x3  }
0x92: {  	_ =	strace s17  }
0x93: {  	s2 =	sld [smem:$0x3FFC];
	_ =	sdelay $0x3  }
0x94: {  	_ =	strace s2  }
0x95: {  	s2 =	sld [smem:$0x3FFD];
	_ =	sdelay $0x3  }
0x96: {  	_ =	strace s2  }
0x97: {  	_ =	strace $0x8FFFFFFF  }
0x98: {  	s18 =	sld [smem:$0x3FDB];
	_ =	sdelay $0x1  }
0x99: {  	s19 =	simm.s32 $_scs_section_size  }
0x9a: {  	s4 =	simm.s32 $_size__tile_overlayer_lowered;
	s5 =	simm.s32 $_tile_overlayer_lowered  }
0x9b: {  	s22 =	simm.s32 $0x1BFF;
	s21 =	sshll.u32 s5, $0x1;
	s2 =	sadd.s32 s19, s18  }
0x9c: {  	s6 =	simm.s32 $0x0;
	s20 =	sshll.u32 s4, $0x1;
	s4 =	sadd.s32 s21, s2  }
0x9d: {  	[timem:s6], [sflag:s22] =	dma.local [hbm:s4], s20  }
0x9e: {  	_ =	swait.ge [sflag:s22], s20  }
0x9f: {  	s3 =	ssub.s32 $0x0, s20;
	[sflag:s22] =	ssyncset.done $0x0  }
0xa0: {  	[sflag:s22] =	ssyncadd.s32 s3;
	_ =	sdelay $0x1  }
0xa1: {  	s23 =	simm.s32 $0x1B8B  }
0xa2: {  	_ =	swait.ge [sflag:s23], $0x1  }
0xa3: {  	[sflag:s23] =	ssyncset.done $0x0  }
0xa4: {  	s25 =	simm.s32 $0x1B8E;
	s24 =	sld [smem:$0x3FFE];
	[sflag:s23] =	ssyncadd.s32 $0xFFFFFFFF  }
0xa5: {  	s26 =	simm.s32 $execute0_lowered;
	[smem:$0x3FD2] =	sst s25  }
0xa6: {  	s4 =	sshll.u32 s26, $0x1;
	_ =	strace $0x80000046;
	[dreg:$0x1] =	wrdreg $0xFFFFFFFF  }
0xa7: {  	s28 =	simm.s32 $_size_execute0_lowered;
	s2 =	sadd.s32 s2, s4;
	[dreg:$0x0] =	wrdreg $0x0  }
0xa8: {  	s4 =	sshll.u32 s28, $0x1;
	[dreg:$0x2] =	wrdreg s2  }
0xa9: {  	[dreg:$0x3] =	wrdreg s4  }
0xaa: {  	[dreg:$0x4] =	wrdreg $0xC0  }
0xab: {  	_ =	task [dreg:s6], $0x5FFFF  }
0xac: {  	[dreg:$0x1] =	wrdreg $0xFFFFFFFF  }
0xad: {  	[dreg:$0x0] =	wrdreg $0x60  }
0xae: {  	[dreg:$0x2] =	wrdreg s24  }
0xaf: {  	[dreg:$0x3] =	wrdreg $0x9  }
0xb0: {  	_ =	task.clear_ibuf [dreg:s6], $0x4FFFF;
	_ =	strace $0x90000046  }
0xb1: {  	s29 =	simm.s32 $0x9;
	_ =	strace $0x80000048  }
0xb2: {  	_ =	swait.ge [sflag:s29], $0x1  }
0xb3: {  	[sflag:s29] =	ssyncadd.s32 $0xFFFFFFFF  }
0xb4: {  	_ =	strace $0x90000048  }
0xb5: {  	_ =	sfence  }
0xb6: {  	s30 =	sld [smem:$0x0];
	_ =	sdelay $0x2  }
0xb7: {  	s31 =	sshll.u32 s1, $0xD;
	s1 =	sshrl.u32 s1, $0x2  }
0xb8: {  	s3 =	sand.u32 $0x4000, s31;
	s1 =	sadd.s32 s1, s30  }
0xb9: {  	s0 =	sor.u32 s3, s0;
	s1 =	sshll.u32 s1, $0x11  }
0xba: {  	s0 =	sor.u32 s1, s0  }
0xbb: {  	s0 =	sadd.s32 $0x8F2B, s0  }
0xbc: {  	[sflag:s0] =	ssyncadd.remote.s32 $0x1  }
0xbd: {  	_ =	sfence.sel $0xFFFF  }
0xbe: {  	[dreg:$0x0] =	wrdreg $0xFFFFFFFF;
	(pc) =	sbr.abs _section_cstart, $3  }
0xbf: {  	[dreg:$0x1] =	wrdreg $0xFFFFFFFF  }
0xc0: {  	_ =	task.clear_ibuf [dreg:s6], $0x2FFFF;
	_ =	strace $0x9FFFFFFF  }
0xc1: {  	(tm) =	ssettm $0x7FFFFFFF  }
tec
execute0_lowered:
.L_overlay_start_1:
0x0: {  	(tag) =	ssettag $0x1  }
0x1: {  	s1 =	srdreg.scid;
	s0 =	stileid.u32  }
0x2: {  	s15 =	sand.u32 $0x1, s1;
	s31 =	sshll.u32 s0, $0x1  }
0x3: {  	s9 =	rddreg [dreg:$0x0];
	s10 =	sor.u32 s15, s31  }
0x4: {  	s2 =	simm.s32 $0x0;
	s1 =	rddreg [dreg:$0x1];
	s3 =	sshll.u32 s10, $0x7  }
0x5: {  	[smem:$0x7FF] =	sst s2;
	s3 =	sadd.s32 s3, s9  }
0x6: {  	_ =	strace $0x80000047;
	s4 =	sadd.s32 $0x4A00, s3;
	s3 =	simm.s32 $0x2  }
0x7: {  	[tilespmem:s2], [sflag:$0x2] =	stream.linear.gather [hbm4b:s4+s2], $0x280, $0x38;
	[tilespmem:$0x4400] =	vst v63  }
0x8: {  	_ =	swait.ge [sflag:s3], $0x280  }
0x9: {  	s6 =	simm.s32 $0x80;
	s7 =	simm.s32 $0x400;
	[sflag:s3] =	ssyncset.done $0x0  }
0xa: {  	s8 =	simm.s32 $0x1;
	s5 =	sadd.s32 $0x5A00, s9;
	[sflag:s3] =	ssyncadd.s32 $0xFFFFFD80  }
0xb: {  	[tilespmem:s7], [sflag:$0x1] =	stream.indirect.gather [hbm4b:s5+s6], $0x80, s2, s6, $0xb8;
	[tilespmem:$0x4400] =	vst v63  }
0xc: {  	s11 =	smul.u32 $0x2800, s10;
	_ =	swait.ge [sflag:s8], $0x4000  }
0xd: {  	s12 =	sadd.s32 $0x2CC00, s9;
	[sflag:s8] =	ssyncset.done $0x0  }
0xe: {  	s9 =	sadd.s32 s12, s11;
	[sflag:s8] =	ssyncadd.s32 $0xFFFFC000  }
0xf: {  	[hbm4b:s9+s2] =	stream.linear.scatter [tilespmem:s7], [sflag:$0x2], $0x4000, $0x38;
	[tilespmem:$0x4400] =	vst v63  }
0x10: {  	_ =	swait.ge [sflag:s3], $0x4000  }
0x11: {  	[sflag:s3] =	ssyncset.done $0x0  }
0x12: {  	s10 =	smul.u32 $0x14000, s10;
	[sflag:s3] =	ssyncadd.s32 $0xFFFFC000  }
0x13: {  	[tilespmem:s7], [sflag:$0x1] =	stream.indirect.gather [hbm4b:s5+s6], $0x80, s6, s6, $0xb8;
	[tilespmem:$0x4400] =	vst v63  }
0x14: {  	s10 =	sshrl.u32 s10, $0x3;
	_ =	swait.ge [sflag:s8], $0x4000  }
0x15: {  	s16 =	sadd.s32 s12, s10;
	[sflag:s8] =	ssyncset.done $0x0  }
0x16: {  	s10 =	sadd.s32 $0x800, s16;
	[sflag:s8] =	ssyncadd.s32 $0xFFFFC000  }
0x17: {  	[hbm4b:s10+s2] =	stream.linear.scatter [tilespmem:s7], [sflag:$0x2], $0x4000, $0x38;
	[tilespmem:$0x4400] =	vst v63  }
0x18: {  	_ =	swait.ge [sflag:s3], $0x4000  }
0x19: {  	[sflag:s3] =	ssyncset.done $0x0  }
0x1a: {  	s11 =	simm.s32 $0x100;
	[sflag:s3] =	ssyncadd.s32 $0xFFFFC000  }
0x1b: {  	[tilespmem:s7], [sflag:$0x1] =	stream.indirect.gather [hbm4b:s5+s6], $0x80, s11, s6, $0xb8;
	[tilespmem:$0x4400] =	vst v63  }
0x1c: {  	_ =	swait.ge [sflag:s8], $0x4000  }
0x1d: {  	[sflag:s8] =	ssyncset.done $0x0  }
0x1e: {  	s12 =	sadd.s32 $0x1000, s16;
	[sflag:s8] =	ssyncadd.s32 $0xFFFFC000  }
0x1f: {  	[hbm4b:s12+s2] =	stream.linear.scatter [tilespmem:s7], [sflag:$0x2], $0x4000, $0x38;
	[tilespmem:$0x4400] =	vst v63  }
0x20: {  	_ =	swait.ge [sflag:s3], $0x4000  }
0x21: {  	[sflag:s3] =	ssyncset.done $0x0  }
0x22: {  	s13 =	simm.s32 $0x180;
	[sflag:s3] =	ssyncadd.s32 $0xFFFFC000  }
0x23: {  	[tilespmem:s7], [sflag:$0x1] =	stream.indirect.gather [hbm4b:s5+s6], $0x80, s13, s6, $0xb8;
	[tilespmem:$0x4400] =	vst v63  }
0x24: {  	_ =	swait.ge [sflag:s8], $0x4000  }
0x25: {  	[sflag:s8] =	ssyncset.done $0x0  }
0x26: {  	s17 =	ssub.s32 $0x2, s15;
	s14 =	sadd.s32 $0x1800, s16;
	[sflag:s8] =	ssyncadd.s32 $0xFFFFC000  }
0x27: {  	[hbm4b:s14+s2] =	stream.linear.scatter [tilespmem:s7], [sflag:$0x2], $0x4000, $0x38;
	[tilespmem:$0x4400] =	vst v63  }
0x28: {  	s18 =	sshrl.u32 s17, $0x1;
	_ =	swait.ge [sflag:s3], $0x4000  }
0x29: {  	s17 =	ssub.s32 s17, s18;
	[sflag:s3] =	ssyncset.done $0x0  }
0x2a: {  	s15 =	simm.s32 $0x200;
	s17 =	smax.u32 s17, $0x1;
	[sflag:s3] =	ssyncadd.s32 $0xFFFFC000  }
0x2b: {  	[tilespmem:s7], [sflag:$0x1] =	stream.indirect.gather [hbm4b:s5+s6], $0x80, s15, s6, $0xb8;
	[tilespmem:$0x4400] =	vst v63  }
0x2c: {  	p0 =	sne.s32 s17, $0x1;
	_ =	swait.ge [sflag:s8], $0x4000  }
.Ltmp0:
0x2d: {  	[sflag:s8] =	ssyncset.done $0x0;
	(pc) =	sbr.rel @!p0 .LBB2_2-.Ltmp0, $4  }
0x2e: {  	s16 =	sadd.s32 $0x2000, s16;
	[sflag:s8] =	ssyncadd.s32 $0xFFFFC000  }
0x2f: {  	[hbm4b:s16+s2] =	stream.linear.scatter [tilespmem:s7], [sflag:$0x2], $0x4000, $0x38;
	[tilespmem:$0x4400] =	vst v63  }
0x30: {  	_ =	swait.ge [sflag:s3], $0x4000  }
0x31: {  	s17 =	sadd.s32 $0xFFFFFFFF, s17;
	[sflag:s3] =	ssyncset.done $0x0  }
.LBB2_1:
0x32: {  	p0 =	sne.s32 s17, $0x1;
	s17 =	sadd.s32 $0xFFFFFFFF, s17;
	[sflag:s3] =	ssyncadd.s32 $0xFFFFC000  }
0x33: {  	[tilespmem:s2], [sflag:$0x2] =	stream.linear.gather [hbm4b:s4+s2], $0x280, $0x38;
	[tilespmem:$0x4400] =	vst v63  }
0x34: {  	_ =	swait.ge [sflag:s3], $0x280  }
0x35: {  	[sflag:s3] =	ssyncset.done $0x0  }
0x36: {  	[sflag:s3] =	ssyncadd.s32 $0xFFFFFD80  }
0x37: {  	[tilespmem:s7], [sflag:$0x1] =	stream.indirect.gather [hbm4b:s5+s6], $0x80, s2, s6, $0xb8;
	[tilespmem:$0x4400] =	vst v63  }
0x38: {  	_ =	swait.ge [sflag:s8], $0x4000  }
0x39: {  	[sflag:s8] =	ssyncset.done $0x0  }
0x3a: {  	[sflag:s8] =	ssyncadd.s32 $0xFFFFC000  }
0x3b: {  	[hbm4b:s9+s2] =	stream.linear.scatter [tilespmem:s7], [sflag:$0x2], $0x4000, $0x38;
	[tilespmem:$0x4400] =	vst v63  }
0x3c: {  	_ =	swait.ge [sflag:s3], $0x4000  }
0x3d: {  	[sflag:s3] =	ssyncset.done $0x0  }
0x3e: {  	[sflag:s3] =	ssyncadd.s32 $0xFFFFC000  }
0x3f: {  	[tilespmem:s7], [sflag:$0x1] =	stream.indirect.gather [hbm4b:s5+s6], $0x80, s6, s6, $0xb8;
	[tilespmem:$0x4400] =	vst v63  }
0x40: {  	_ =	swait.ge [sflag:s8], $0x4000  }
0x41: {  	[sflag:s8] =	ssyncset.done $0x0  }
0x42: {  	[sflag:s8] =	ssyncadd.s32 $0xFFFFC000  }
0x43: {  	[hbm4b:s10+s2] =	stream.linear.scatter [tilespmem:s7], [sflag:$0x2], $0x4000, $0x38;
	[tilespmem:$0x4400] =	vst v63  }
0x44: {  	_ =	swait.ge [sflag:s3], $0x4000  }
0x45: {  	[sflag:s3] =	ssyncset.done $0x0  }
0x46: {  	[sflag:s3] =	ssyncadd.s32 $0xFFFFC000  }
0x47: {  	[tilespmem:s7], [sflag:$0x1] =	stream.indirect.gather [hbm4b:s5+s6], $0x80, s11, s6, $0xb8;
	[tilespmem:$0x4400] =	vst v63  }
0x48: {  	_ =	swait.ge [sflag:s8], $0x4000  }
0x49: {  	[sflag:s8] =	ssyncset.done $0x0  }
0x4a: {  	[sflag:s8] =	ssyncadd.s32 $0xFFFFC000  }
0x4b: {  	[hbm4b:s12+s2] =	stream.linear.scatter [tilespmem:s7], [sflag:$0x2], $0x4000, $0x38;
	[tilespmem:$0x4400] =	vst v63  }
0x4c: {  	_ =	swait.ge [sflag:s3], $0x4000  }
0x4d: {  	[sflag:s3] =	ssyncset.done $0x0  }
0x4e: {  	[sflag:s3] =	ssyncadd.s32 $0xFFFFC000  }
0x4f: {  	[tilespmem:s7], [sflag:$0x1] =	stream.indirect.gather [hbm4b:s5+s6], $0x80, s13, s6, $0xb8;
	[tilespmem:$0x4400] =	vst v63  }
0x50: {  	_ =	swait.ge [sflag:s8], $0x4000  }
0x51: {  	[sflag:s8] =	ssyncset.done $0x0  }
0x52: {  	[sflag:s8] =	ssyncadd.s32 $0xFFFFC000  }
0x53: {  	[hbm4b:s14+s2] =	stream.linear.scatter [tilespmem:s7], [sflag:$0x2], $0x4000, $0x38;
	[tilespmem:$0x4400] =	vst v63  }
0x54: {  	_ =	swait.ge [sflag:s3], $0x4000  }
0x55: {  	[sflag:s3] =	ssyncset.done $0x0  }
0x56: {  	[sflag:s3] =	ssyncadd.s32 $0xFFFFC000  }
0x57: {  	[tilespmem:s7], [sflag:$0x1] =	stream.indirect.gather [hbm4b:s5+s6], $0x80, s15, s6, $0xb8;
	[tilespmem:$0x4400] =	vst v63  }
0x58: {  	_ =	swait.ge [sflag:s8], $0x4000  }
.Ltmp1:
0x59: {  	[sflag:s8] =	ssyncset.done $0x0;
	(pc) =	sbr.rel @p0 .LBB2_1-.Ltmp1, $4  }
0x5a: {  	[sflag:s8] =	ssyncadd.s32 $0xFFFFC000  }
0x5b: {  	[hbm4b:s16+s2] =	stream.linear.scatter [tilespmem:s7], [sflag:$0x2], $0x4000, $0x38;
	[tilespmem:$0x4400] =	vst v63  }
0x5c: {  	_ =	swait.ge [sflag:s3], $0x4000  }
0x5d: {  	[sflag:s3] =	ssyncset.done $0x0  }
.LBB2_2:
0x5e: {  	[sflag:s3] =	ssyncadd.s32 $0xFFFFC000  }
0x5f: {  	_ =	sfence.sel $0x180000  }
0x60: {  	[bflag:$0x0] =	sbarrier.arrive $0xFFFF  }
0x61: {  	p0 =	sne.s32 s0, $0x0;
	_ =	strace $0x90000047  }
0x62: {  	s0 =	sadd.s32 @!p0 $0x100000, s1;
	[bflag:$0x2] =	sbarrier.arrive $0xFFFF  }
0x63: {  	[sflag:s0] =	ssyncadd.tile.s32 @!p0 $0x1;
	_ =	shalt  }
.Lfunc_end2:
_tile_overlayer_lowered:
.L_overlay_start_2:
0x64: {  	(tag) =	ssettag $0x2  }
0x65: {  	s0 =	rddreg [dreg:$0x0];
	s2 =	stileid.u32  }
0x66: {  	s1 =	rddreg [dreg:$0x1];
	p0 =	sne.s32 s2, $0x0  }
0x67: {  	s3 =	rddreg [dreg:$0x2];
	[bflag:$0x3] =	sbarrier.arrive $0xFFFF;
	s2 =	simm.s32 @!p0 $0x1C02  }
0x68: {  	[timem:s3], [sflag:s2] =	dma.local @!p0 [hbm:s0], s1  }
0x69: {  	s0 =	simm.s32 @!p0 $0x2  }
0x6a: {  	_ =	swait.ge @!p0 [sflag:s0], s1  }
0x6b: {  	s1 =	ssub.s32 @!p0 $0x0, s1;
	[sflag:s0] =	ssyncset.done @!p0 $0x0  }
0x6c: {  	[sflag:s0] =	ssyncadd.s32 @!p0 s1  }
0x6d: {  	[bflag:$0x3] =	sbarrier.arrive $0xFFFF  }
0x6e: {  	_ =	shalt  }

// kernel: kernel.14.cloned.1.call-start
scs
__scs_entry_jumppad:
0x0: {  	(pc) =	sbr.rel $0x88, $3  }
0x1: {  	(tag) =	ssettag $0x0;
	lr =	simm.s32 $0x1  }
0x2: {  	[smem:$0x3F8D] =	sst lr;
	_ =	strace $0xD0000000  }
0x3: {  	_ = 	snop  }
0x4: {  	_ = 	snop  }
0x5: {  	_ = 	snop  }
0x6: {  	_ = 	snop  }
0x7: {  	_ = 	snop  }
__scs_overlays_trampoline_lowered:
0x8: {  	[smem:$0x3F9C] =	sst s0  }
0x9: {  	[smem:$0x3F9D] =	sst s1  }
0xa: {  	[smem:$0x3F9E] =	sst s2  }
0xb: {  	[smem:$0x3F9F] =	sst s3  }
0xc: {  	[smem:$0x3FA0] =	sst s4  }
0xd: {  	[smem:$0x3FA1] =	sst s5  }
0xe: {  	[smem:$0x3FA2] =	sst s6  }
0xf: {  	[smem:$0x3FA3] =	sst s7  }
0x10: {  	[smem:$0x3FA4] =	sst s8  }
0x11: {  	[smem:$0x3FA5] =	sst s9;
	s0 =	simm.s32 @!p0 $0x0  }
0x12: {  	s1 =	sld [smem:$0x3F8B];
	s0 =	simm.s32 @p0 $0x1  }
0x13: {  	[smem:$0x3FA6] =	sst s0;
	s0 =	simm.s32 @!p1 $0x0  }
0x14: {  	s2 =	sld [smem:$0x3F8A];
	s0 =	simm.s32 @p1 $0x1  }
0x15: {  	[smem:$0x3FA7] =	sst s0;
	s0 =	simm.s32 @!p2 $0x0  }
0x16: {  	s3 =	sld [smem:$0x3FDB];
	s0 =	simm.s32 @p2 $0x1  }
0x17: {  	s4 =	simm.s32 $0x1BF5;
	[smem:$0x3FA9] =	sst s0  }
0x18: {  	s0 =	sld [smem:$0x3F8C];
	_ =	swait.ge [sflag:s4], $0x0  }
0x19: {  	s7 =	sld [smem:$0x3F8D]  }
0x1a: {  	s8 =	sadd.s32 $0xFFFFE003, lr  }
0x1b: {  	s9 =	sadd.s32 $0xFFFFFEF7, lr;
	s5 =	simm.s32 $0xFFFFFFFF;
	p2 =	slt.u32 s8, $0xFFFFF086  }
0x1c: {  	p1 =	slt.u32 s9, $0xF7A;
	s5 =	simm.s32 @!p2 $0x0  }
0x1d: {  	s5 =	simm.s32 @p1 $0x1;
	p0 =	seq.s32 s7, s2  }
0x1e: {  	s7 =	smul.u32 @!p0 $0xF7A, s2;
	p2 =	seq.s32 @!p0 s5, $0x0  }
0x1f: {  	s9 =	smul.u32 $0xF7A, s1;
	s8 =	simm.s32 @!p0 $0x1BF5;
	p2 =	por !p2, p0  }
0x20: {  	[sflag:s8] =	ssyncset.s32 @!p0 $0xFFFFF086;
	s6 =	sadd.s32 @!p0 s3, s7;
	s7 =	simm.s32 @!p0 $0x108  }
0x21: {  	s3 =	sadd.s32 s3, s9;
	s6 =	sadd.s32 @!p0 $0x88, s6;
	s7 =	simm.s32 @p2 $0x1082  }
0x22: {  	[simem:s7], [sflag:s8] =	dma.local @!p0 [hbm:s6], $0xF7A  }
0x23: {  	s9 =	sor.u32 $0xD0000000, s2;
	s6 =	simm.s32 $0x108;
	_ =	swait.ge @!p0 [sflag:s8], $0x0  }
0x24: {  	s3 =	sadd.s32 $0x88, s3;
	s6 =	simm.s32 @!p1 $0x1082;
	[sflag:s4] =	ssyncset.s32 $0xFFFFF086  }
0x25: {  	[simem:s6], [sflag:s4] =	dma.local [hbm:s3], $0xF7A  }
0x26: {  	[smem:$0x3F8D] =	sst s1;
	(tag) =	ssettag s2;
	_ =	strace s9  }
0x27: {  	s1 =	sld [smem:$0x3F9D]  }
0x28: {  	s2 =	sld [smem:$0x3F9E]  }
0x29: {  	s4 =	sld [smem:$0x3FA0]  }
0x2a: {  	p0 =	seq.s32 s5, $0x0;
	s5 =	sld [smem:$0x3FA1]  }
0x2b: {  	s6 =	sld [smem:$0x3FA2]  }
0x2c: {  	s7 =	sld [smem:$0x3FA3]  }
0x2d: {  	s3 =	simm.s32 $0x108;
	s8 =	sld [smem:$0x3FA4]  }
0x2e: {  	s3 =	simm.s32 @!p0 $0x1082;
	s9 =	sld [smem:$0x3FA5]  }
0x2f: {  	lr =	sadd.s32 s0, s3;
	s0 =	sld [smem:$0x3F9C]  }
0x30: {  	s3 =	sld [smem:$0x3F9F]  }
0x31: {  	[smem:$0x3FA8] =	sst s10  }
0x32: {  	s10 =	sld [smem:$0x3FA6];
	_ =	sdelay $0x3  }
0x33: {  	p0 =	seq.s32 s10, $0x1;
	s10 =	sld [smem:$0x3FA8];
	_ =	sdelay $0x3  }
0x34: {  	[smem:$0x3FA8] =	sst s10  }
0x35: {  	s10 =	sld [smem:$0x3FA7];
	_ =	sdelay $0x3  }
0x36: {  	p1 =	seq.s32 s10, $0x1;
	s10 =	sld [smem:$0x3FA8];
	_ =	sdelay $0x3  }
0x37: {  	[smem:$0x3FA8] =	sst s10  }
0x38: {  	s10 =	sld [smem:$0x3FA9]  }
0x39: {  	_ = 	snop;
	(pc) =	sbr.ind lr, $3  }
0x3a: {  	_ = 	snop  }
0x3b: {  	_ = 	snop  }
0x3c: {  	p2 =	seq.s32 s10, $0x1;
	s10 =	sld [smem:$0x3FA8]  }
0x3d: {  	_ =	shalt  }
0x3e: {  	_ =	shalt  }
0x3f: {  	_ =	shalt  }
0x40: {  	_ =	shalt  }
0x41: {  	_ =	shalt  }
0x42: {  	_ =	shalt  }
0x43: {  	_ =	shalt  }
0x44: {  	_ =	shalt  }
0x45: {  	_ =	shalt  }
0x46: {  	_ =	shalt  }
0x47: {  	_ =	shalt  }
0x48: {  	_ =	shalt  }
0x49: {  	_ =	shalt  }
0x4a: {  	_ =	shalt  }
0x4b: {  	_ =	shalt  }
0x4c: {  	_ =	shalt  }
0x4d: {  	_ =	shalt  }
0x4e: {  	_ =	shalt  }
0x4f: {  	_ =	shalt  }
0x50: {  	_ =	shalt  }
0x51: {  	_ =	shalt  }
0x52: {  	_ =	shalt  }
0x53: {  	_ =	shalt  }
0x54: {  	_ =	shalt  }
0x55: {  	_ =	shalt  }
0x56: {  	_ =	shalt  }
0x57: {  	_ =	shalt  }
0x58: {  	_ =	shalt  }
0x59: {  	_ =	shalt  }
0x5a: {  	_ =	shalt  }
0x5b: {  	_ =	shalt  }
0x5c: {  	_ =	shalt  }
0x5d: {  	_ =	shalt  }
0x5e: {  	_ =	shalt  }
0x5f: {  	_ =	shalt  }
0x60: {  	_ =	shalt  }
0x61: {  	_ =	shalt  }
0x62: {  	_ =	shalt  }
0x63: {  	_ =	shalt  }
0x64: {  	_ =	shalt  }
0x65: {  	_ =	shalt  }
0x66: {  	_ =	shalt  }
0x67: {  	_ =	shalt  }
0x68: {  	_ =	shalt  }
0x69: {  	_ =	shalt  }
0x6a: {  	_ =	shalt  }
0x6b: {  	_ =	shalt  }
0x6c: {  	_ =	shalt  }
0x6d: {  	_ =	shalt  }
0x6e: {  	_ =	shalt  }
0x6f: {  	_ =	shalt  }
0x70: {  	_ =	shalt  }
0x71: {  	_ =	shalt  }
0x72: {  	_ =	shalt  }
0x73: {  	_ =	shalt  }
0x74: {  	_ =	shalt  }
0x75: {  	_ =	shalt  }
0x76: {  	_ =	shalt  }
0x77: {  	_ =	shalt  }
0x78: {  	_ =	shalt  }
0x79: {  	_ =	shalt  }
0x7a: {  	_ =	shalt  }
0x7b: {  	_ =	shalt  }
0x7c: {  	_ =	shalt  }
0x7d: {  	_ =	shalt  }
0x7e: {  	_ =	shalt  }
0x7f: {  	_ =	shalt  }
0x80: {  	_ =	shalt  }
0x81: {  	_ =	shalt  }
0x82: {  	_ =	shalt  }
0x83: {  	_ =	shalt  }
0x84: {  	_ =	shalt  }
0x85: {  	_ =	shalt  }
0x86: {  	_ =	shalt  }
0x87: {  	_ =	shalt  }
.Lfunc_end0:
.L_simem_size_0:
called_computation.1_lowered:
.L_overlay_start_0:
0x88: {  	s2 =	sld [smem:$0x3FD9]  }
0x89: {  	s3 =	sld [smem:$0x3FFE];
	_ =	sdelay $0x1  }
0x8a: {  	s1 =	srdreg.scid  }
0x8b: {  	s0 =	sand.u32 $0x1, s1  }
0x8c: {  	s16 =	sshll.u32 s0, $0xA;
	s2 =	sadd.s32 s3, s2  }
0x8d: {  	s2 =	sadd.s32 s2, s16  }
0x8e: {  	[smem:$0x3FB4] =	sst s2  }
0x8f: {  	_ = 	snop  }
0x90: {  	(tm) =	ssettm $0x1  }
0x91: {  	s17 =	sld [smem:$0x3FFB];
	_ =	sdelay $0x3  }
0x92: {  	_ =	strace s17  }
0x93: {  	s2 =	sld [smem:$0x3FFC];
	_ =	sdelay $0x3  }
0x94: {  	_ =	strace s2  }
0x95: {  	s2 =	sld [smem:$0x3FFD];
	_ =	sdelay $0x3  }
0x96: {  	_ =	strace s2  }
0x97: {  	_ =	strace $0x8FFFFFFF  }
0x98: {  	s18 =	sld [smem:$0x3FDB];
	_ =	sdelay $0x1  }
0x99: {  	s19 =	simm.s32 $_scs_section_size  }
0x9a: {  	s4 =	simm.s32 $_size__tile_overlayer_lowered;
	s5 =	simm.s32 $_tile_overlayer_lowered  }
0x9b: {  	s22 =	simm.s32 $0x1BFF;
	s21 =	sshll.u32 s5, $0x1;
	s2 =	sadd.s32 s19, s18  }
0x9c: {  	s6 =	simm.s32 $0x0;
	s20 =	sshll.u32 s4, $0x1;
	s4 =	sadd.s32 s21, s2  }
0x9d: {  	[timem:s6], [sflag:s22] =	dma.local [hbm:s4], s20  }
0x9e: {  	_ =	swait.ge [sflag:s22], s20  }
0x9f: {  	s3 =	ssub.s32 $0x0, s20;
	[sflag:s22] =	ssyncset.done $0x0  }
0xa0: {  	[sflag:s22] =	ssyncadd.s32 s3;
	_ =	sdelay $0x1  }
0xa1: {  	s23 =	simm.s32 $0x1B8B  }
0xa2: {  	_ =	swait.ge [sflag:s23], $0x1  }
0xa3: {  	[sflag:s23] =	ssyncset.done $0x0  }
0xa4: {  	s25 =	simm.s32 $0x1B8E;
	s24 =	sld [smem:$0x3FFE];
	[sflag:s23] =	ssyncadd.s32 $0xFFFFFFFF  }
0xa5: {  	s26 =	simm.s32 $execute0_lowered;
	[smem:$0x3FD2] =	sst s25  }
0xa6: {  	s4 =	sshll.u32 s26, $0x1;
	_ =	strace $0x80000049;
	[dreg:$0x1] =	wrdreg $0xFFFFFFFF  }
0xa7: {  	s28 =	simm.s32 $_size_execute0_lowered;
	s2 =	sadd.s32 s2, s4;
	[dreg:$0x0] =	wrdreg $0x0  }
0xa8: {  	s4 =	sshll.u32 s28, $0x1;
	[dreg:$0x2] =	wrdreg s2  }
0xa9: {  	[dreg:$0x3] =	wrdreg s4  }
0xaa: {  	[dreg:$0x4] =	wrdreg $0xC0  }
0xab: {  	_ =	task [dreg:s6], $0x5FFFF  }
0xac: {  	[dreg:$0x1] =	wrdreg $0xFFFFFFFF  }
0xad: {  	[dreg:$0x0] =	wrdreg $0x60  }
0xae: {  	[dreg:$0x2] =	wrdreg s24  }
0xaf: {  	[dreg:$0x3] =	wrdreg $0x54000  }
0xb0: {  	[dreg:$0x4] =	wrdreg $0x9  }
0xb1: {  	_ =	task.clear_ibuf [dreg:s6], $0x5FFFF;
	_ =	strace $0x90000049  }
0xb2: {  	s29 =	simm.s32 $0x9;
	_ =	strace $0x8000004B  }
0xb3: {  	_ =	swait.ge [sflag:s29], $0x1  }
0xb4: {  	[sflag:s29] =	ssyncadd.s32 $0xFFFFFFFF  }
0xb5: {  	_ =	strace $0x9000004B  }
0xb6: {  	_ =	sfence  }
0xb7: {  	s30 =	sld [smem:$0x0];
	_ =	sdelay $0x2  }
0xb8: {  	s31 =	sshll.u32 s1, $0xD;
	s1 =	sshrl.u32 s1, $0x2  }
0xb9: {  	s3 =	sand.u32 $0x4000, s31;
	s1 =	sadd.s32 s1, s30  }
0xba: {  	s0 =	sor.u32 s3, s0;
	s1 =	sshll.u32 s1, $0x11  }
0xbb: {  	s0 =	sor.u32 s1, s0  }
0xbc: {  	s0 =	sadd.s32 $0x8F2B, s0  }
0xbd: {  	[sflag:s0] =	ssyncadd.remote.s32 $0x1  }
0xbe: {  	_ =	sfence.sel $0xFFFF  }
0xbf: {  	[dreg:$0x0] =	wrdreg $0xFFFFFFFF;
	(pc) =	sbr.abs _section_cstart, $3  }
0xc0: {  	[dreg:$0x1] =	wrdreg $0xFFFFFFFF  }
0xc1: {  	_ =	task.clear_ibuf [dreg:s6], $0x2FFFF;
	_ =	strace $0x9FFFFFFF  }
0xc2: {  	(tm) =	ssettm $0x7FFFFFFF  }
0xc3: {  	_ =	shalt  }
tec
execute0_lowered:
.L_overlay_start_1:
0x0: {  	(tag) =	ssettag $0x1  }
0x1: {  	s0 =	rddreg [dreg:$0x0];
	s1 =	srdreg.scid  }
0x2: {  	s2 =	rddreg [dreg:$0x1];
	s8 =	stileid.u32;
	s3 =	simm.s32 $0x0  }
0x3: {  	s1 =	sand.u32 $0x1, s1;
	s4 =	sshll.u32 s8, $0x1;
	s17 =	smul.u32 $0x14000, s8  }
0x4: {  	[smem:$0x7FF] =	sst s3;
	s8 =	smul.u32 $0x50000, s8;
	s9 =	sadd.s32 $0x2CC00, s0  }
0x5: {  	s5 =	smul.u32 $0x140000, s1;
	s6 =	sor.u32 s1, s4;
	_ =	strace $0x8000004A  }
0x6: {  	s1 =	ssub.s32 $0x2, s1;
	s7 =	sshll.u32 s6, $0x7;
	s26 =	smul.u32 $0x14000, s6  }
0x7: {  	s18 =	sshrl.u32 s8, $0x2;
	s10 =	sshrl.u32 s1, $0x1;
	s6 =	smul.u32 $0x2800, s6  }
0x8: {  	s8 =	simm.s32 $0x80;
	s7 =	sadd.s32 s7, s0;
	s4 =	sadd.s32 s17, s5  }
0x9: {  	s1 =	ssub.s32 s1, s10;
	s19 =	sshrl.u32 s4, $0x3;
	s4 =	sadd.s32 s18, s2  }
0xa: {  	s18 =	sadd.s32 $0x7CC00, s7;
	s7 =	simm.s32 $0x1;
	s0 =	sadd.s32 s19, s0  }
0xb: {  	s5 =	sadd.s32 $0x1000, s4;
	s20 =	sadd.s32 $0x2000, s4;
	s21 =	sadd.s32 $0x3000, s4  }
0xc: {  	s22 =	sadd.s32 $0x4000, s4;
	s23 =	sadd.s32 $0x5000, s4;
	s24 =	sadd.s32 $0x6000, s4  }
0xd: {  	s25 =	sadd.s32 $0x7000, s4;
	s12 =	sadd.s32 $0x8000, s4;
	[dreg:$0x3] =	wrdreg s5  }
0xe: {  	s13 =	sadd.s32 $0x9000, s4;
	s14 =	sadd.s32 $0xA000, s4;
	[dreg:$0x4] =	wrdreg s20  }
0xf: {  	s15 =	sadd.s32 $0xB000, s4;
	s16 =	sadd.s32 $0xC000, s4;
	[dreg:$0x5] =	wrdreg s21  }
0x10: {  	s17 =	sadd.s32 $0xD000, s4;
	s19 =	sadd.s32 s9, s6;
	[dreg:$0x6] =	wrdreg s22  }
0x11: {  	s28 =	sadd.s32 $0xF000, s4;
	s29 =	sadd.s32 $0x10000, s4;
	[dreg:$0x7] =	wrdreg s23  }
0x12: {  	s30 =	sadd.s32 $0x11000, s4;
	s31 =	sadd.s32 $0x12000, s4;
	[dreg:$0x8] =	wrdreg s24  }
0x13: {  	s6 =	simm.s32 $0x400;
	[dreg:$0x9] =	wrdreg s25;
	s5 =	sshrl.u32 s26, $0x3  }
0x14: {  	s24 =	sadd.s32 $0x7DC00, s0;
	s25 =	smax.u32 s1, $0x1;
	s26 =	sadd.s32 $0xE000, s4  }
0x15: {  	s0 =	sadd.s32 $0x13000, s4;
	s1 =	simm.s32 $0x4400;
	s5 =	sadd.s32 s9, s5  }
0x16: {  	s9 =	simm.s32 $0x0;
	s20 =	sadd.s32 $0x800, s5;
	s21 =	sadd.s32 $0x1000, s5  }
0x17: {  	v0 =	vimm.f32 $0.0e+00;
	s22 =	sadd.s32 $0x1800, s5;
	s23 =	sadd.s32 $0x2000, s5;
	s5 =	simm.s32 $0x2  }
.LBB2_1:
0x18: {  	s10 =	simm.s32 $0x0;
	s11 =	simm.s32 $0x200  }
.LBB2_2:
0x19: {  	p0 =	sne.s32 s11, $0x3E00;
	[tilespmem:s10+$0x4470] =	vst v0  }
0x1a: {  	[tilespmem:s10+$0x4400] =	vst v0  }
0x1b: {  	[tilespmem:s10+$0x4410] =	vst v0  }
.Ltmp0:
0x1c: {  	[tilespmem:s10+$0x4420] =	vst v0;
	(pc) =	sbr.rel @p0 .LBB2_2-.Ltmp0, $4  }
0x1d: {  	[tilespmem:s10+$0x4430] =	vst v0  }
0x1e: {  	[tilespmem:s10+$0x4440] =	vst v0  }
0x1f: {  	[tilespmem:s10+$0x4450] =	vst v0  }
0x20: {  	[tilespmem:s10+$0x4460] =	vst v0;
	s10 =	sshra.s32 s11, $0x2;
	s11 =	sadd.s32 $0x200, s11  }
0x21: {  	[tilespmem:s10+$0x4470] =	vst v0  }
0x22: {  	[tilespmem:s10+$0x4400] =	vst v0  }
0x23: {  	[tilespmem:s10+$0x4410] =	vst v0  }
0x24: {  	[tilespmem:s10+$0x4420] =	vst v0  }
0x25: {  	[tilespmem:s10+$0x4430] =	vst v0  }
0x26: {  	[tilespmem:s10+$0x4440] =	vst v0  }
0x27: {  	[tilespmem:s10+$0x4450] =	vst v0  }
0x28: {  	[tilespmem:s10+$0x4460] =	vst v0  }
0x29: {  	[spmem:s4] =	stream.linear.scatter [tilespmem:s1], [sflag:$0x2], $0x1000, $0x38;
	[tilespmem:$0x19400] =	vst v63  }
0x2a: {  	_ =	swait.ge [sflag:s5], $0x1000  }
0x2b: {  	[sflag:s5] =	ssyncset.done $0x0  }
0x2c: {  	s11 =	rddreg [dreg:$0x3];
	[sflag:s5] =	ssyncadd.s32 $0xFFFFF000  }
0x2d: {  	[spmem:s11] =	stream.linear.scatter [tilespmem:s1], [sflag:$0x2], $0x1000, $0x38;
	[tilespmem:$0x19400] =	vst v63  }
0x2e: {  	_ =	swait.ge [sflag:s5], $0x1000  }
0x2f: {  	[sflag:s5] =	ssyncset.done $0x0  }
0x30: {  	s11 =	rddreg [dreg:$0x4];
	[sflag:s5] =	ssyncadd.s32 $0xFFFFF000  }
0x31: {  	[spmem:s11] =	stream.linear.scatter [tilespmem:s1], [sflag:$0x2], $0x1000, $0x38;
	[tilespmem:$0x19400] =	vst v63  }
0x32: {  	_ =	swait.ge [sflag:s5], $0x1000  }
0x33: {  	[sflag:s5] =	ssyncset.done $0x0  }
0x34: {  	s11 =	rddreg [dreg:$0x5];
	[sflag:s5] =	ssyncadd.s32 $0xFFFFF000  }
0x35: {  	[spmem:s11] =	stream.linear.scatter [tilespmem:s1], [sflag:$0x2], $0x1000, $0x38;
	[tilespmem:$0x19400] =	vst v63  }
0x36: {  	_ =	swait.ge [sflag:s5], $0x1000  }
0x37: {  	[sflag:s5] =	ssyncset.done $0x0  }
0x38: {  	s11 =	rddreg [dreg:$0x6];
	[sflag:s5] =	ssyncadd.s32 $0xFFFFF000  }
0x39: {  	[spmem:s11] =	stream.linear.scatter [tilespmem:s1], [sflag:$0x2], $0x1000, $0x38;
	[tilespmem:$0x19400] =	vst v63  }
0x3a: {  	_ =	swait.ge [sflag:s5], $0x1000  }
0x3b: {  	[sflag:s5] =	ssyncset.done $0x0  }
0x3c: {  	s11 =	rddreg [dreg:$0x7];
	[sflag:s5] =	ssyncadd.s32 $0xFFFFF000  }
0x3d: {  	[spmem:s11] =	stream.linear.scatter [tilespmem:s1], [sflag:$0x2], $0x1000, $0x38;
	[tilespmem:$0x19400] =	vst v63  }
0x3e: {  	_ =	swait.ge [sflag:s5], $0x1000  }
0x3f: {  	[sflag:s5] =	ssyncset.done $0x0  }
0x40: {  	s11 =	rddreg [dreg:$0x8];
	[sflag:s5] =	ssyncadd.s32 $0xFFFFF000  }
0x41: {  	[spmem:s11] =	stream.linear.scatter [tilespmem:s1], [sflag:$0x2], $0x1000, $0x38;
	[tilespmem:$0x19400] =	vst v63  }
0x42: {  	_ =	swait.ge [sflag:s5], $0x1000  }
0x43: {  	[sflag:s5] =	ssyncset.done $0x0  }
0x44: {  	s11 =	rddreg [dreg:$0x9];
	[sflag:s5] =	ssyncadd.s32 $0xFFFFF000  }
0x45: {  	[spmem:s11] =	stream.linear.scatter [tilespmem:s1], [sflag:$0x2], $0x1000, $0x38;
	[tilespmem:$0x19400] =	vst v63  }
0x46: {  	_ =	swait.ge [sflag:s5], $0x1000  }
0x47: {  	[sflag:s5] =	ssyncset.done $0x0  }
0x48: {  	[sflag:s5] =	ssyncadd.s32 $0xFFFFF000  }
0x49: {  	[spmem:s12] =	stream.linear.scatter [tilespmem:s1], [sflag:$0x2], $0x1000, $0x38;
	[tilespmem:$0x19400] =	vst v63  }
0x4a: {  	_ =	swait.ge [sflag:s5], $0x1000  }
0x4b: {  	[sflag:s5] =	ssyncset.done $0x0  }
0x4c: {  	[sflag:s5] =	ssyncadd.s32 $0xFFFFF000  }
0x4d: {  	[spmem:s13] =	stream.linear.scatter [tilespmem:s1], [sflag:$0x2], $0x1000, $0x38;
	[tilespmem:$0x19400] =	vst v63  }
0x4e: {  	_ =	swait.ge [sflag:s5], $0x1000  }
0x4f: {  	[sflag:s5] =	ssyncset.done $0x0  }
0x50: {  	[sflag:s5] =	ssyncadd.s32 $0xFFFFF000  }
0x51: {  	[spmem:s14] =	stream.linear.scatter [tilespmem:s1], [sflag:$0x2], $0x1000, $0x38;
	[tilespmem:$0x19400] =	vst v63  }
0x52: {  	_ =	swait.ge [sflag:s5], $0x1000  }
0x53: {  	[sflag:s5] =	ssyncset.done $0x0  }
0x54: {  	[sflag:s5] =	ssyncadd.s32 $0xFFFFF000  }
0x55: {  	[spmem:s15] =	stream.linear.scatter [tilespmem:s1], [sflag:$0x2], $0x1000, $0x38;
	[tilespmem:$0x19400] =	vst v63  }
0x56: {  	_ =	swait.ge [sflag:s5], $0x1000  }
0x57: {  	[sflag:s5] =	ssyncset.done $0x0  }
0x58: {  	[sflag:s5] =	ssyncadd.s32 $0xFFFFF000  }
0x59: {  	[spmem:s16] =	stream.linear.scatter [tilespmem:s1], [sflag:$0x2], $0x1000, $0x38;
	[tilespmem:$0x19400] =	vst v63  }
0x5a: {  	_ =	swait.ge [sflag:s5], $0x1000  }
0x5b: {  	[sflag:s5] =	ssyncset.done $0x0  }
0x5c: {  	[sflag:s5] =	ssyncadd.s32 $0xFFFFF000  }
0x5d: {  	[spmem:s17] =	stream.linear.scatter [tilespmem:s1], [sflag:$0x2], $0x1000, $0x38;
	[tilespmem:$0x19400] =	vst v63  }
0x5e: {  	_ =	swait.ge [sflag:s5], $0x1000  }
0x5f: {  	[sflag:s5] =	ssyncset.done $0x0  }
0x60: {  	[sflag:s5] =	ssyncadd.s32 $0xFFFFF000  }
0x61: {  	[spmem:s26] =	stream.linear.scatter [tilespmem:s1], [sflag:$0x2], $0x1000, $0x38;
	[tilespmem:$0x19400] =	vst v63  }
0x62: {  	_ =	swait.ge [sflag:s5], $0x1000  }
0x63: {  	[sflag:s5] =	ssyncset.done $0x0  }
0x64: {  	[sflag:s5] =	ssyncadd.s32 $0xFFFFF000  }
0x65: {  	[spmem:s28] =	stream.linear.scatter [tilespmem:s1], [sflag:$0x2], $0x1000, $0x38;
	[tilespmem:$0x19400] =	vst v63  }
0x66: {  	_ =	swait.ge [sflag:s5], $0x1000  }
0x67: {  	[sflag:s5] =	ssyncset.done $0x0  }
0x68: {  	[sflag:s5] =	ssyncadd.s32 $0xFFFFF000  }
0x69: {  	[spmem:s29] =	stream.linear.scatter [tilespmem:s1], [sflag:$0x2], $0x1000, $0x38;
	[tilespmem:$0x19400] =	vst v63  }
0x6a: {  	_ =	swait.ge [sflag:s5], $0x1000  }
0x6b: {  	[sflag:s5] =	ssyncset.done $0x0  }
0x6c: {  	[sflag:s5] =	ssyncadd.s32 $0xFFFFF000  }
0x6d: {  	[spmem:s30] =	stream.linear.scatter [tilespmem:s1], [sflag:$0x2], $0x1000, $0x38;
	[tilespmem:$0x19400] =	vst v63  }
0x6e: {  	_ =	swait.ge [sflag:s5], $0x1000  }
0x6f: {  	[sflag:s5] =	ssyncset.done $0x0  }
0x70: {  	[sflag:s5] =	ssyncadd.s32 $0xFFFFF000  }
0x71: {  	[spmem:s31] =	stream.linear.scatter [tilespmem:s1], [sflag:$0x2], $0x1000, $0x38;
	[tilespmem:$0x19400] =	vst v63  }
0x72: {  	_ =	swait.ge [sflag:s5], $0x1000  }
0x73: {  	[sflag:s5] =	ssyncset.done $0x0  }
0x74: {  	[sflag:s5] =	ssyncadd.s32 $0xFFFFF000  }
0x75: {  	[spmem:s0] =	stream.linear.scatter [tilespmem:s1], [sflag:$0x2], $0x1000, $0x38;
	[tilespmem:$0x19400] =	vst v63  }
0x76: {  	_ =	swait.ge [sflag:s5], $0x1000  }
0x77: {  	[sflag:s5] =	ssyncset.done $0x0  }
0x78: {  	[sflag:s5] =	ssyncadd.s32 $0xFFFFF000  }
0x79: {  	[bflag:$0x0] =	sbarrier.arrive $0xFFFF  }
0x7a: {  	[tilespmem:s3], [sflag:$0x2] =	stream.linear.gather [hbm4b:s18+s3], $0x280, $0x38;
	[tilespmem:$0x19400] =	vst v63  }
0x7b: {  	_ =	swait.ge [sflag:s5], $0x280  }
0x7c: {  	[sflag:s5] =	ssyncset.done $0x0  }
0x7d: {  	[sflag:s5] =	ssyncadd.s32 $0xFFFFFD80  }
0x7e: {  	[tilespmem:s6], [sflag:$0x1] =	stream.linear.gather [hbm4b:s19+s3], $0x4000, $0x38;
	[tilespmem:$0x19400] =	vst v63  }
0x7f: {  	_ =	swait.ge [sflag:s7], $0x4000  }
0x80: {  	[sflag:s7] =	ssyncset.done $0x0  }
0x81: {  	[sflag:s7] =	ssyncadd.s32 $0xFFFFC000  }
0x82: {  	[spmem:s2] =	stream.indirect.scatter.add.f32 [tilespmem:s6], [sflag:$0x2], $0x80, s3, s8, $0xb8;
	[tilespmem:$0x19400] =	vst v63  }
0x83: {  	_ =	swait.ge [sflag:s5], $0x4000  }
0x84: {  	[sflag:s5] =	ssyncset.done $0x0  }
0x85: {  	[sflag:s5] =	ssyncadd.s32 $0xFFFFC000  }
0x86: {  	[tilespmem:s6], [sflag:$0x1] =	stream.linear.gather [hbm4b:s20+s3], $0x4000, $0x38;
	[tilespmem:$0x19400] =	vst v63  }
0x87: {  	_ =	swait.ge [sflag:s7], $0x4000  }
0x88: {  	[sflag:s7] =	ssyncset.done $0x0  }
0x89: {  	[sflag:s7] =	ssyncadd.s32 $0xFFFFC000  }
0x8a: {  	[spmem:s2] =	stream.indirect.scatter.add.f32 [tilespmem:s6], [sflag:$0x2], $0x80, s8, s8, $0xb8;
	[tilespmem:$0x19400] =	vst v63  }
0x8b: {  	_ =	swait.ge [sflag:s5], $0x4000  }
0x8c: {  	[sflag:s5] =	ssyncset.done $0x0  }
0x8d: {  	[sflag:s5] =	ssyncadd.s32 $0xFFFFC000  }
0x8e: {  	[tilespmem:s6], [sflag:$0x1] =	stream.linear.gather [hbm4b:s21+s3], $0x4000, $0x38;
	[tilespmem:$0x19400] =	vst v63  }
0x8f: {  	_ =	swait.ge [sflag:s7], $0x4000  }
0x90: {  	[sflag:s7] =	ssyncset.done $0x0  }
0x91: {  	s11 =	simm.s32 $0x100;
	[sflag:s7] =	ssyncadd.s32 $0xFFFFC000  }
0x92: {  	[spmem:s2] =	stream.indirect.scatter.add.f32 [tilespmem:s6], [sflag:$0x2], $0x80, s11, s8, $0xb8;
	[tilespmem:$0x19400] =	vst v63  }
0x93: {  	_ =	swait.ge [sflag:s5], $0x4000  }
0x94: {  	[sflag:s5] =	ssyncset.done $0x0  }
0x95: {  	[sflag:s5] =	ssyncadd.s32 $0xFFFFC000  }
0x96: {  	[tilespmem:s6], [sflag:$0x1] =	stream.linear.gather [hbm4b:s22+s3], $0x4000, $0x38;
	[tilespmem:$0x19400] =	vst v63  }
0x97: {  	_ =	swait.ge [sflag:s7], $0x4000  }
0x98: {  	[sflag:s7] =	ssyncset.done $0x0  }
0x99: {  	s11 =	simm.s32 $0x180;
	[sflag:s7] =	ssyncadd.s32 $0xFFFFC000  }
0x9a: {  	[spmem:s2] =	stream.indirect.scatter.add.f32 [tilespmem:s6], [sflag:$0x2], $0x80, s11, s8, $0xb8;
	[tilespmem:$0x19400] =	vst v63  }
0x9b: {  	_ =	swait.ge [sflag:s5], $0x4000  }
0x9c: {  	[sflag:s5] =	ssyncset.done $0x0  }
0x9d: {  	[sflag:s5] =	ssyncadd.s32 $0xFFFFC000  }
0x9e: {  	[tilespmem:s6], [sflag:$0x1] =	stream.linear.gather [hbm4b:s23+s3], $0x4000, $0x38;
	[tilespmem:$0x19400] =	vst v63  }
0x9f: {  	_ =	swait.ge [sflag:s7], $0x4000  }
0xa0: {  	[sflag:s7] =	ssyncset.done $0x0  }
0xa1: {  	s11 =	simm.s32 $0x200;
	[sflag:s7] =	ssyncadd.s32 $0xFFFFC000  }
0xa2: {  	[spmem:s2] =	stream.indirect.scatter.add.f32 [tilespmem:s6], [sflag:$0x2], $0x80, s11, s8, $0xb8;
	[tilespmem:$0x19400] =	vst v63  }
0xa3: {  	s9 =	sadd.s32 $0x1, s9;
	_ =	swait.ge [sflag:s5], $0x4000  }
0xa4: {  	p0 =	sne.s32 s9, s25;
	s11 =	stileid.u32;
	[sflag:s5] =	ssyncset.done $0x0  }
0xa5: {  	s10 =	sshll.u32 s11, $0x6;
	s11 =	sshrl.u32 s4, $0x3;
	[sflag:s5] =	ssyncadd.s32 $0xFFFFC000  }
.Ltmp1:
0xa6: {  	s10 =	sor.u32 $0x1C02, s10;
	[bflag:$0x0] =	sbarrier.arrive $0xFFFF;
	(pc) =	sbr.rel @p0 .LBB2_1-.Ltmp1, $4  }
0xa7: {  	[hbm:s24], [sflag:s10] =	dma.local [spmem:s11], $0x2800  }
0xa8: {  	_ =	swait.ge [sflag:s5], $0x2800  }
0xa9: {  	[sflag:s5] =	ssyncset.done $0x0  }
0xaa: {  	[sflag:s5] =	ssyncadd.s32 $0xFFFFD800  }
0xab: {  	_ =	sfence.sel $0x180000  }
0xac: {  	[bflag:$0x0] =	sbarrier.arrive $0xFFFF  }
0xad: {  	_ =	strace $0x9000004A  }
0xae: {  	s0 =	stileid.u32;
	[bflag:$0x2] =	sbarrier.arrive $0xFFFF  }
0xaf: {  	p0 =	sne.s32 s0, $0x0;
	s0 =	rddreg [dreg:$0x2]  }
0xb0: {  	s0 =	sadd.s32 @!p0 $0x100000, s0  }
0xb1: {  	[sflag:s0] =	ssyncadd.tile.s32 @!p0 $0x1;
	_ =	shalt  }
.Lfunc_end2:
_tile_overlayer_lowered:
.L_overlay_start_2:
0xb2: {  	(tag) =	ssettag $0x2  }
0xb3: {  	s0 =	rddreg [dreg:$0x0];
	s2 =	stileid.u32  }
0xb4: {  	s1 =	rddreg [dreg:$0x1];
	p0 =	sne.s32 s2, $0x0  }
0xb5: {  	s3 =	rddreg [dreg:$0x2];
	[bflag:$0x3] =	sbarrier.arrive $0xFFFF;
	s2 =	simm.s32 @!p0 $0x1C02  }
0xb6: {  	[timem:s3], [sflag:s2] =	dma.local @!p0 [hbm:s0], s1  }
0xb7: {  	s0 =	simm.s32 @!p0 $0x2  }
0xb8: {  	_ =	swait.ge @!p0 [sflag:s0], s1  }
0xb9: {  	s1 =	ssub.s32 @!p0 $0x0, s1;
	[sflag:s0] =	ssyncset.done @!p0 $0x0  }
0xba: {  	[sflag:s0] =	ssyncadd.s32 @!p0 s1  }
0xbb: {  	[bflag:$0x3] =	sbarrier.arrive $0xFFFF  }
0xbc: {  	_ =	shalt  }

// kernel: kernel.17.cloned.1.call-start
scs
__scs_entry_jumppad:
0x0: {  	(pc) =	sbr.rel $0x88, $3  }
0x1: {  	(tag) =	ssettag $0x0;
	lr =	simm.s32 $0x1  }
0x2: {  	[smem:$0x3F8D] =	sst lr;
	_ =	strace $0xD0000000  }
0x3: {  	_ = 	snop  }
0x4: {  	_ = 	snop  }
0x5: {  	_ = 	snop  }
0x6: {  	_ = 	snop  }
0x7: {  	_ = 	snop  }
__scs_overlays_trampoline_lowered:
0x8: {  	[smem:$0x3F9C] =	sst s0  }
0x9: {  	[smem:$0x3F9D] =	sst s1  }
0xa: {  	[smem:$0x3F9E] =	sst s2  }
0xb: {  	[smem:$0x3F9F] =	sst s3  }
0xc: {  	[smem:$0x3FA0] =	sst s4  }
0xd: {  	[smem:$0x3FA1] =	sst s5  }
0xe: {  	[smem:$0x3FA2] =	sst s6  }
0xf: {  	[smem:$0x3FA3] =	sst s7  }
0x10: {  	[smem:$0x3FA4] =	sst s8  }
0x11: {  	[smem:$0x3FA5] =	sst s9;
	s0 =	simm.s32 @!p0 $0x0  }
0x12: {  	s1 =	sld [smem:$0x3F8B];
	s0 =	simm.s32 @p0 $0x1  }
0x13: {  	[smem:$0x3FA6] =	sst s0;
	s0 =	simm.s32 @!p1 $0x0  }
0x14: {  	s2 =	sld [smem:$0x3F8A];
	s0 =	simm.s32 @p1 $0x1  }
0x15: {  	[smem:$0x3FA7] =	sst s0;
	s0 =	simm.s32 @!p2 $0x0  }
0x16: {  	s3 =	sld [smem:$0x3FDB];
	s0 =	simm.s32 @p2 $0x1  }
0x17: {  	s4 =	simm.s32 $0x1BF5;
	[smem:$0x3FA9] =	sst s0  }
0x18: {  	s0 =	sld [smem:$0x3F8C];
	_ =	swait.ge [sflag:s4], $0x0  }
0x19: {  	s7 =	sld [smem:$0x3F8D]  }
0x1a: {  	s8 =	sadd.s32 $0xFFFFE003, lr  }
0x1b: {  	s9 =	sadd.s32 $0xFFFFFEF7, lr;
	s5 =	simm.s32 $0xFFFFFFFF;
	p2 =	slt.u32 s8, $0xFFFFF086  }
0x1c: {  	p1 =	slt.u32 s9, $0xF7A;
	s5 =	simm.s32 @!p2 $0x0  }
0x1d: {  	s5 =	simm.s32 @p1 $0x1;
	p0 =	seq.s32 s7, s2  }
0x1e: {  	s7 =	smul.u32 @!p0 $0xF7A, s2;
	p2 =	seq.s32 @!p0 s5, $0x0  }
0x1f: {  	s9 =	smul.u32 $0xF7A, s1;
	s8 =	simm.s32 @!p0 $0x1BF5;
	p2 =	por !p2, p0  }
0x20: {  	[sflag:s8] =	ssyncset.s32 @!p0 $0xFFFFF086;
	s6 =	sadd.s32 @!p0 s3, s7;
	s7 =	simm.s32 @!p0 $0x108  }
0x21: {  	s3 =	sadd.s32 s3, s9;
	s6 =	sadd.s32 @!p0 $0x88, s6;
	s7 =	simm.s32 @p2 $0x1082  }
0x22: {  	[simem:s7], [sflag:s8] =	dma.local @!p0 [hbm:s6], $0xF7A  }
0x23: {  	s9 =	sor.u32 $0xD0000000, s2;
	s6 =	simm.s32 $0x108;
	_ =	swait.ge @!p0 [sflag:s8], $0x0  }
0x24: {  	s3 =	sadd.s32 $0x88, s3;
	s6 =	simm.s32 @!p1 $0x1082;
	[sflag:s4] =	ssyncset.s32 $0xFFFFF086  }
0x25: {  	[simem:s6], [sflag:s4] =	dma.local [hbm:s3], $0xF7A  }
0x26: {  	[smem:$0x3F8D] =	sst s1;
	(tag) =	ssettag s2;
	_ =	strace s9  }
0x27: {  	s1 =	sld [smem:$0x3F9D]  }
0x28: {  	s2 =	sld [smem:$0x3F9E]  }
0x29: {  	s4 =	sld [smem:$0x3FA0]  }
0x2a: {  	p0 =	seq.s32 s5, $0x0;
	s5 =	sld [smem:$0x3FA1]  }
0x2b: {  	s6 =	sld [smem:$0x3FA2]  }
0x2c: {  	s7 =	sld [smem:$0x3FA3]  }
0x2d: {  	s3 =	simm.s32 $0x108;
	s8 =	sld [smem:$0x3FA4]  }
0x2e: {  	s3 =	simm.s32 @!p0 $0x1082;
	s9 =	sld [smem:$0x3FA5]  }
0x2f: {  	lr =	sadd.s32 s0, s3;
	s0 =	sld [smem:$0x3F9C]  }
0x30: {  	s3 =	sld [smem:$0x3F9F]  }
0x31: {  	[smem:$0x3FA8] =	sst s10  }
0x32: {  	s10 =	sld [smem:$0x3FA6];
	_ =	sdelay $0x3  }
0x33: {  	p0 =	seq.s32 s10, $0x1;
	s10 =	sld [smem:$0x3FA8];
	_ =	sdelay $0x3  }
0x34: {  	[smem:$0x3FA8] =	sst s10  }
0x35: {  	s10 =	sld [smem:$0x3FA7];
	_ =	sdelay $0x3  }
0x36: {  	p1 =	seq.s32 s10, $0x1;
	s10 =	sld [smem:$0x3FA8];
	_ =	sdelay $0x3  }
0x37: {  	[smem:$0x3FA8] =	sst s10  }
0x38: {  	s10 =	sld [smem:$0x3FA9]  }
0x39: {  	_ = 	snop;
	(pc) =	sbr.ind lr, $3  }
0x3a: {  	_ = 	snop  }
0x3b: {  	_ = 	snop  }
0x3c: {  	p2 =	seq.s32 s10, $0x1;
	s10 =	sld [smem:$0x3FA8]  }
0x3d: {  	_ =	shalt  }
0x3e: {  	_ =	shalt  }
0x3f: {  	_ =	shalt  }
0x40: {  	_ =	shalt  }
0x41: {  	_ =	shalt  }
0x42: {  	_ =	shalt  }
0x43: {  	_ =	shalt  }
0x44: {  	_ =	shalt  }
0x45: {  	_ =	shalt  }
0x46: {  	_ =	shalt  }
0x47: {  	_ =	shalt  }
0x48: {  	_ =	shalt  }
0x49: {  	_ =	shalt  }
0x4a: {  	_ =	shalt  }
0x4b: {  	_ =	shalt  }
0x4c: {  	_ =	shalt  }
0x4d: {  	_ =	shalt  }
0x4e: {  	_ =	shalt  }
0x4f: {  	_ =	shalt  }
0x50: {  	_ =	shalt  }
0x51: {  	_ =	shalt  }
0x52: {  	_ =	shalt  }
0x53: {  	_ =	shalt  }
0x54: {  	_ =	shalt  }
0x55: {  	_ =	shalt  }
0x56: {  	_ =	shalt  }
0x57: {  	_ =	shalt  }
0x58: {  	_ =	shalt  }
0x59: {  	_ =	shalt  }
0x5a: {  	_ =	shalt  }
0x5b: {  	_ =	shalt  }
0x5c: {  	_ =	shalt  }
0x5d: {  	_ =	shalt  }
0x5e: {  	_ =	shalt  }
0x5f: {  	_ =	shalt  }
0x60: {  	_ =	shalt  }
0x61: {  	_ =	shalt  }
0x62: {  	_ =	shalt  }
0x63: {  	_ =	shalt  }
0x64: {  	_ =	shalt  }
0x65: {  	_ =	shalt  }
0x66: {  	_ =	shalt  }
0x67: {  	_ =	shalt  }
0x68: {  	_ =	shalt  }
0x69: {  	_ =	shalt  }
0x6a: {  	_ =	shalt  }
0x6b: {  	_ =	shalt  }
0x6c: {  	_ =	shalt  }
0x6d: {  	_ =	shalt  }
0x6e: {  	_ =	shalt  }
0x6f: {  	_ =	shalt  }
0x70: {  	_ =	shalt  }
0x71: {  	_ =	shalt  }
0x72: {  	_ =	shalt  }
0x73: {  	_ =	shalt  }
0x74: {  	_ =	shalt  }
0x75: {  	_ =	shalt  }
0x76: {  	_ =	shalt  }
0x77: {  	_ =	shalt  }
0x78: {  	_ =	shalt  }
0x79: {  	_ =	shalt  }
0x7a: {  	_ =	shalt  }
0x7b: {  	_ =	shalt  }
0x7c: {  	_ =	shalt  }
0x7d: {  	_ =	shalt  }
0x7e: {  	_ =	shalt  }
0x7f: {  	_ =	shalt  }
0x80: {  	_ =	shalt  }
0x81: {  	_ =	shalt  }
0x82: {  	_ =	shalt  }
0x83: {  	_ =	shalt  }
0x84: {  	_ =	shalt  }
0x85: {  	_ =	shalt  }
0x86: {  	_ =	shalt  }
0x87: {  	_ =	shalt  }
.Lfunc_end0:
.L_simem_size_0:
called_computation.2_lowered:
.L_overlay_start_0:
0x88: {  	s2 =	sld [smem:$0x3FD9]  }
0x89: {  	s3 =	sld [smem:$0x3FFE];
	_ =	sdelay $0x1  }
0x8a: {  	s1 =	srdreg.scid  }
0x8b: {  	s0 =	sand.u32 $0x1, s1  }
0x8c: {  	s16 =	sshll.u32 s0, $0xA;
	s2 =	sadd.s32 s3, s2  }
0x8d: {  	s2 =	sadd.s32 s2, s16  }
0x8e: {  	[smem:$0x3FB4] =	sst s2  }
0x8f: {  	_ = 	snop  }
0x90: {  	(tm) =	ssettm $0x1  }
0x91: {  	s17 =	sld [smem:$0x3FFB];
	_ =	sdelay $0x3  }
0x92: {  	_ =	strace s17  }
0x93: {  	s2 =	sld [smem:$0x3FFC];
	_ =	sdelay $0x3  }
0x94: {  	_ =	strace s2  }
0x95: {  	s2 =	sld [smem:$0x3FFD];
	_ =	sdelay $0x3  }
0x96: {  	_ =	strace s2  }
0x97: {  	_ =	strace $0x8FFFFFFF  }
0x98: {  	s18 =	sld [smem:$0x3FDB];
	_ =	sdelay $0x1  }
0x99: {  	s19 =	simm.s32 $_scs_section_size  }
0x9a: {  	s4 =	simm.s32 $_size__tile_overlayer_lowered;
	s5 =	simm.s32 $_tile_overlayer_lowered  }
0x9b: {  	s22 =	simm.s32 $0x1BFF;
	s21 =	sshll.u32 s5, $0x1;
	s2 =	sadd.s32 s19, s18  }
0x9c: {  	s6 =	simm.s32 $0x0;
	s20 =	sshll.u32 s4, $0x1;
	s4 =	sadd.s32 s21, s2  }
0x9d: {  	[timem:s6], [sflag:s22] =	dma.local [hbm:s4], s20  }
0x9e: {  	_ =	swait.ge [sflag:s22], s20  }
0x9f: {  	s3 =	ssub.s32 $0x0, s20;
	[sflag:s22] =	ssyncset.done $0x0  }
0xa0: {  	[sflag:s22] =	ssyncadd.s32 s3;
	_ =	sdelay $0x1  }
0xa1: {  	s23 =	simm.s32 $0x1B8B  }
0xa2: {  	_ =	swait.ge [sflag:s23], $0x1  }
0xa3: {  	[sflag:s23] =	ssyncset.done $0x0  }
0xa4: {  	s25 =	simm.s32 $0x1B8E;
	s24 =	sld [smem:$0x3FFE];
	[sflag:s23] =	ssyncadd.s32 $0xFFFFFFFF  }
0xa5: {  	s26 =	simm.s32 $execute0_lowered;
	[smem:$0x3FD2] =	sst s25  }
0xa6: {  	s4 =	sshll.u32 s26, $0x1;
	_ =	strace $0x8000004C;
	[dreg:$0x1] =	wrdreg $0xFFFFFFFF  }
0xa7: {  	s28 =	simm.s32 $_size_execute0_lowered;
	s2 =	sadd.s32 s2, s4;
	[dreg:$0x0] =	wrdreg $0x0  }
0xa8: {  	s4 =	sshll.u32 s28, $0x1;
	[dreg:$0x2] =	wrdreg s2  }
0xa9: {  	[dreg:$0x3] =	wrdreg s4  }
0xaa: {  	[dreg:$0x4] =	wrdreg $0xC0  }
0xab: {  	_ =	task [dreg:s6], $0x5FFFF  }
0xac: {  	[dreg:$0x1] =	wrdreg $0xFFFFFFFF  }
0xad: {  	[dreg:$0x0] =	wrdreg $0x60  }
0xae: {  	[dreg:$0x2] =	wrdreg s24  }
0xaf: {  	[dreg:$0x3] =	wrdreg $0x9  }
0xb0: {  	_ =	task.clear_ibuf [dreg:s6], $0x4FFFF;
	_ =	strace $0x9000004C  }
0xb1: {  	s29 =	simm.s32 $0x9;
	_ =	strace $0x8000004E  }
0xb2: {  	_ =	swait.ge [sflag:s29], $0x1  }
0xb3: {  	[sflag:s29] =	ssyncadd.s32 $0xFFFFFFFF  }
0xb4: {  	_ =	strace $0x9000004E  }
0xb5: {  	_ =	sfence  }
0xb6: {  	s30 =	sld [smem:$0x0];
	_ =	sdelay $0x2  }
0xb7: {  	s31 =	sshll.u32 s1, $0xD;
	s1 =	sshrl.u32 s1, $0x2  }
0xb8: {  	s3 =	sand.u32 $0x4000, s31;
	s1 =	sadd.s32 s1, s30  }
0xb9: {  	s0 =	sor.u32 s3, s0;
	s1 =	sshll.u32 s1, $0x11  }
0xba: {  	s0 =	sor.u32 s1, s0  }
0xbb: {  	s0 =	sadd.s32 $0x8F2B, s0  }
0xbc: {  	[sflag:s0] =	ssyncadd.remote.s32 $0x1  }
0xbd: {  	_ =	sfence.sel $0xFFFF  }
0xbe: {  	[dreg:$0x0] =	wrdreg $0xFFFFFFFF;
	(pc) =	sbr.abs _section_cstart, $3  }
0xbf: {  	[dreg:$0x1] =	wrdreg $0xFFFFFFFF  }
0xc0: {  	_ =	task.clear_ibuf [dreg:s6], $0x2FFFF;
	_ =	strace $0x9FFFFFFF  }
0xc1: {  	(tm) =	ssettm $0x7FFFFFFF  }
tec
execute0_lowered:
.L_overlay_start_1:
0x0: {  	(tag) =	ssettag $0x1  }
0x1: {  	s1 =	srdreg.scid;
	s0 =	stileid.u32  }
0x2: {  	s15 =	sand.u32 $0x1, s1;
	s31 =	sshll.u32 s0, $0x1  }
0x3: {  	s9 =	rddreg [dreg:$0x0];
	s10 =	sor.u32 s15, s31  }
0x4: {  	s2 =	simm.s32 $0x0;
	s1 =	rddreg [dreg:$0x1];
	s3 =	sshll.u32 s10, $0x7  }
0x5: {  	[smem:$0x7FF] =	sst s2;
	s3 =	sadd.s32 s3, s9  }
0x6: {  	_ =	strace $0x8000004D;
	s4 =	sadd.s32 $0x4A00, s3;
	s3 =	simm.s32 $0x2  }
0x7: {  	[tilespmem:s2], [sflag:$0x2] =	stream.linear.gather [hbm4b:s4+s2], $0x280, $0x38;
	[tilespmem:$0x4400] =	vst v63  }
0x8: {  	_ =	swait.ge [sflag:s3], $0x280  }
0x9: {  	s6 =	simm.s32 $0x80;
	s7 =	simm.s32 $0x400;
	[sflag:s3] =	ssyncset.done $0x0  }
0xa: {  	s8 =	simm.s32 $0x1;
	s5 =	sadd.s32 $0x5A00, s9;
	[sflag:s3] =	ssyncadd.s32 $0xFFFFFD80  }
0xb: {  	[tilespmem:s7], [sflag:$0x1] =	stream.indirect.gather [hbm4b:s5+s6], $0x80, s2, s6, $0xb8;
	[tilespmem:$0x4400] =	vst v63  }
0xc: {  	s11 =	smul.u32 $0x2800, s10;
	_ =	swait.ge [sflag:s8], $0x4000  }
0xd: {  	s12 =	sadd.s32 $0x2CC00, s9;
	[sflag:s8] =	ssyncset.done $0x0  }
0xe: {  	s9 =	sadd.s32 s12, s11;
	[sflag:s8] =	ssyncadd.s32 $0xFFFFC000  }
0xf: {  	[hbm4b:s9+s2] =	stream.linear.scatter [tilespmem:s7], [sflag:$0x2], $0x4000, $0x38;
	[tilespmem:$0x4400] =	vst v63  }
0x10: {  	_ =	swait.ge [sflag:s3], $0x4000  }
0x11: {  	[sflag:s3] =	ssyncset.done $0x0  }
0x12: {  	s10 =	smul.u32 $0x14000, s10;
	[sflag:s3] =	ssyncadd.s32 $0xFFFFC000  }
0x13: {  	[tilespmem:s7], [sflag:$0x1] =	stream.indirect.gather [hbm4b:s5+s6], $0x80, s6, s6, $0xb8;
	[tilespmem:$0x4400] =	vst v63  }
0x14: {  	s10 =	sshrl.u32 s10, $0x3;
	_ =	swait.ge [sflag:s8], $0x4000  }
0x15: {  	s16 =	sadd.s32 s12, s10;
	[sflag:s8] =	ssyncset.done $0x0  }
0x16: {  	s10 =	sadd.s32 $0x800, s16;
	[sflag:s8] =	ssyncadd.s32 $0xFFFFC000  }
0x17: {  	[hbm4b:s10+s2] =	stream.linear.scatter [tilespmem:s7], [sflag:$0x2], $0x4000, $0x38;
	[tilespmem:$0x4400] =	vst v63  }
0x18: {  	_ =	swait.ge [sflag:s3], $0x4000  }
0x19: {  	[sflag:s3] =	ssyncset.done $0x0  }
0x1a: {  	s11 =	simm.s32 $0x100;
	[sflag:s3] =	ssyncadd.s32 $0xFFFFC000  }
0x1b: {  	[tilespmem:s7], [sflag:$0x1] =	stream.indirect.gather [hbm4b:s5+s6], $0x80, s11, s6, $0xb8;
	[tilespmem:$0x4400] =	vst v63  }
0x1c: {  	_ =	swait.ge [sflag:s8], $0x4000  }
0x1d: {  	[sflag:s8] =	ssyncset.done $0x0  }
0x1e: {  	s12 =	sadd.s32 $0x1000, s16;
	[sflag:s8] =	ssyncadd.s32 $0xFFFFC000  }
0x1f: {  	[hbm4b:s12+s2] =	stream.linear.scatter [tilespmem:s7], [sflag:$0x2], $0x4000, $0x38;
	[tilespmem:$0x4400] =	vst v63  }
0x20: {  	_ =	swait.ge [sflag:s3], $0x4000  }
0x21: {  	[sflag:s3] =	ssyncset.done $0x0  }
0x22: {  	s13 =	simm.s32 $0x180;
	[sflag:s3] =	ssyncadd.s32 $0xFFFFC000  }
0x23: {  	[tilespmem:s7], [sflag:$0x1] =	stream.indirect.gather [hbm4b:s5+s6], $0x80, s13, s6, $0xb8;
	[tilespmem:$0x4400] =	vst v63  }
0x24: {  	_ =	swait.ge [sflag:s8], $0x4000  }
0x25: {  	[sflag:s8] =	ssyncset.done $0x0  }
0x26: {  	s17 =	ssub.s32 $0x2, s15;
	s14 =	sadd.s32 $0x1800, s16;
	[sflag:s8] =	ssyncadd.s32 $0xFFFFC000  }
0x27: {  	[hbm4b:s14+s2] =	stream.linear.scatter [tilespmem:s7], [sflag:$0x2], $0x4000, $0x38;
	[tilespmem:$0x4400] =	vst v63  }
0x28: {  	s18 =	sshrl.u32 s17, $0x1;
	_ =	swait.ge [sflag:s3], $0x4000  }
0x29: {  	s17 =	ssub.s32 s17, s18;
	[sflag:s3] =	ssyncset.done $0x0  }
0x2a: {  	s15 =	simm.s32 $0x200;
	s17 =	smax.u32 s17, $0x1;
	[sflag:s3] =	ssyncadd.s32 $0xFFFFC000  }
0x2b: {  	[tilespmem:s7], [sflag:$0x1] =	stream.indirect.gather [hbm4b:s5+s6], $0x80, s15, s6, $0xb8;
	[tilespmem:$0x4400] =	vst v63  }
0x2c: {  	p0 =	sne.s32 s17, $0x1;
	_ =	swait.ge [sflag:s8], $0x4000  }
.Ltmp0:
0x2d: {  	[sflag:s8] =	ssyncset.done $0x0;
	(pc) =	sbr.rel @!p0 .LBB2_2-.Ltmp0, $4  }
0x2e: {  	s16 =	sadd.s32 $0x2000, s16;
	[sflag:s8] =	ssyncadd.s32 $0xFFFFC000  }
0x2f: {  	[hbm4b:s16+s2] =	stream.linear.scatter [tilespmem:s7], [sflag:$0x2], $0x4000, $0x38;
	[tilespmem:$0x4400] =	vst v63  }
0x30: {  	_ =	swait.ge [sflag:s3], $0x4000  }
0x31: {  	s17 =	sadd.s32 $0xFFFFFFFF, s17;
	[sflag:s3] =	ssyncset.done $0x0  }
.LBB2_1:
0x32: {  	p0 =	sne.s32 s17, $0x1;
	s17 =	sadd.s32 $0xFFFFFFFF, s17;
	[sflag:s3] =	ssyncadd.s32 $0xFFFFC000  }
0x33: {  	[tilespmem:s2], [sflag:$0x2] =	stream.linear.gather [hbm4b:s4+s2], $0x280, $0x38;
	[tilespmem:$0x4400] =	vst v63  }
0x34: {  	_ =	swait.ge [sflag:s3], $0x280  }
0x35: {  	[sflag:s3] =	ssyncset.done $0x0  }
0x36: {  	[sflag:s3] =	ssyncadd.s32 $0xFFFFFD80  }
0x37: {  	[tilespmem:s7], [sflag:$0x1] =	stream.indirect.gather [hbm4b:s5+s6], $0x80, s2, s6, $0xb8;
	[tilespmem:$0x4400] =	vst v63  }
0x38: {  	_ =	swait.ge [sflag:s8], $0x4000  }
0x39: {  	[sflag:s8] =	ssyncset.done $0x0  }
0x3a: {  	[sflag:s8] =	ssyncadd.s32 $0xFFFFC000  }
0x3b: {  	[hbm4b:s9+s2] =	stream.linear.scatter [tilespmem:s7], [sflag:$0x2], $0x4000, $0x38;
	[tilespmem:$0x4400] =	vst v63  }
0x3c: {  	_ =	swait.ge [sflag:s3], $0x4000  }
0x3d: {  	[sflag:s3] =	ssyncset.done $0x0  }
0x3e: {  	[sflag:s3] =	ssyncadd.s32 $0xFFFFC000  }
0x3f: {  	[tilespmem:s7], [sflag:$0x1] =	stream.indirect.gather [hbm4b:s5+s6], $0x80, s6, s6, $0xb8;
	[tilespmem:$0x4400] =	vst v63  }
0x40: {  	_ =	swait.ge [sflag:s8], $0x4000  }
0x41: {  	[sflag:s8] =	ssyncset.done $0x0  }
0x42: {  	[sflag:s8] =	ssyncadd.s32 $0xFFFFC000  }
0x43: {  	[hbm4b:s10+s2] =	stream.linear.scatter [tilespmem:s7], [sflag:$0x2], $0x4000, $0x38;
	[tilespmem:$0x4400] =	vst v63  }
0x44: {  	_ =	swait.ge [sflag:s3], $0x4000  }
0x45: {  	[sflag:s3] =	ssyncset.done $0x0  }
0x46: {  	[sflag:s3] =	ssyncadd.s32 $0xFFFFC000  }
0x47: {  	[tilespmem:s7], [sflag:$0x1] =	stream.indirect.gather [hbm4b:s5+s6], $0x80, s11, s6, $0xb8;
	[tilespmem:$0x4400] =	vst v63  }
0x48: {  	_ =	swait.ge [sflag:s8], $0x4000  }
0x49: {  	[sflag:s8] =	ssyncset.done $0x0  }
0x4a: {  	[sflag:s8] =	ssyncadd.s32 $0xFFFFC000  }
0x4b: {  	[hbm4b:s12+s2] =	stream.linear.scatter [tilespmem:s7], [sflag:$0x2], $0x4000, $0x38;
	[tilespmem:$0x4400] =	vst v63  }
0x4c: {  	_ =	swait.ge [sflag:s3], $0x4000  }
0x4d: {  	[sflag:s3] =	ssyncset.done $0x0  }
0x4e: {  	[sflag:s3] =	ssyncadd.s32 $0xFFFFC000  }
0x4f: {  	[tilespmem:s7], [sflag:$0x1] =	stream.indirect.gather [hbm4b:s5+s6], $0x80, s13, s6, $0xb8;
	[tilespmem:$0x4400] =	vst v63  }
0x50: {  	_ =	swait.ge [sflag:s8], $0x4000  }
0x51: {  	[sflag:s8] =	ssyncset.done $0x0  }
0x52: {  	[sflag:s8] =	ssyncadd.s32 $0xFFFFC000  }
0x53: {  	[hbm4b:s14+s2] =	stream.linear.scatter [tilespmem:s7], [sflag:$0x2], $0x4000, $0x38;
	[tilespmem:$0x4400] =	vst v63  }
0x54: {  	_ =	swait.ge [sflag:s3], $0x4000  }
0x55: {  	[sflag:s3] =	ssyncset.done $0x0  }
0x56: {  	[sflag:s3] =	ssyncadd.s32 $0xFFFFC000  }
0x57: {  	[tilespmem:s7], [sflag:$0x1] =	stream.indirect.gather [hbm4b:s5+s6], $0x80, s15, s6, $0xb8;
	[tilespmem:$0x4400] =	vst v63  }
0x58: {  	_ =	swait.ge [sflag:s8], $0x4000  }
.Ltmp1:
0x59: {  	[sflag:s8] =	ssyncset.done $0x0;
	(pc) =	sbr.rel @p0 .LBB2_1-.Ltmp1, $4  }
0x5a: {  	[sflag:s8] =	ssyncadd.s32 $0xFFFFC000  }
0x5b: {  	[hbm4b:s16+s2] =	stream.linear.scatter [tilespmem:s7], [sflag:$0x2], $0x4000, $0x38;
	[tilespmem:$0x4400] =	vst v63  }
0x5c: {  	_ =	swait.ge [sflag:s3], $0x4000  }
0x5d: {  	[sflag:s3] =	ssyncset.done $0x0  }
.LBB2_2:
0x5e: {  	[sflag:s3] =	ssyncadd.s32 $0xFFFFC000  }
0x5f: {  	_ =	sfence.sel $0x180000  }
0x60: {  	[bflag:$0x0] =	sbarrier.arrive $0xFFFF  }
0x61: {  	p0 =	sne.s32 s0, $0x0;
	_ =	strace $0x9000004D  }
0x62: {  	s0 =	sadd.s32 @!p0 $0x100000, s1;
	[bflag:$0x2] =	sbarrier.arrive $0xFFFF  }
0x63: {  	[sflag:s0] =	ssyncadd.tile.s32 @!p0 $0x1;
	_ =	shalt  }
.Lfunc_end2:
_tile_overlayer_lowered:
.L_overlay_start_2:
0x64: {  	(tag) =	ssettag $0x2  }
0x65: {  	s0 =	rddreg [dreg:$0x0];
	s2 =	stileid.u32  }
0x66: {  	s1 =	rddreg [dreg:$0x1];
	p0 =	sne.s32 s2, $0x0  }
0x67: {  	s3 =	rddreg [dreg:$0x2];
	[bflag:$0x3] =	sbarrier.arrive $0xFFFF;
	s2 =	simm.s32 @!p0 $0x1C02  }
0x68: {  	[timem:s3], [sflag:s2] =	dma.local @!p0 [hbm:s0], s1  }
0x69: {  	s0 =	simm.s32 @!p0 $0x2  }
0x6a: {  	_ =	swait.ge @!p0 [sflag:s0], s1  }
0x6b: {  	s1 =	ssub.s32 @!p0 $0x0, s1;
	[sflag:s0] =	ssyncset.done @!p0 $0x0  }
0x6c: {  	[sflag:s0] =	ssyncadd.s32 @!p0 s1  }
0x6d: {  	[bflag:$0x3] =	sbarrier.arrive $0xFFFF  }
0x6e: {  	_ =	shalt  }

// kernel: kernel.20.cloned.1.call-start
scs
__scs_entry_jumppad:
0x0: {  	(pc) =	sbr.rel $0x88, $3  }
0x1: {  	(tag) =	ssettag $0x0;
	lr =	simm.s32 $0x1  }
0x2: {  	[smem:$0x3F8D] =	sst lr;
	_ =	strace $0xD0000000  }
0x3: {  	_ = 	snop  }
0x4: {  	_ = 	snop  }
0x5: {  	_ = 	snop  }
0x6: {  	_ = 	snop  }
0x7: {  	_ = 	snop  }
__scs_overlays_trampoline_lowered:
0x8: {  	[smem:$0x3F9C] =	sst s0  }
0x9: {  	[smem:$0x3F9D] =	sst s1  }
0xa: {  	[smem:$0x3F9E] =	sst s2  }
0xb: {  	[smem:$0x3F9F] =	sst s3  }
0xc: {  	[smem:$0x3FA0] =	sst s4  }
0xd: {  	[smem:$0x3FA1] =	sst s5  }
0xe: {  	[smem:$0x3FA2] =	sst s6  }
0xf: {  	[smem:$0x3FA3] =	sst s7  }
0x10: {  	[smem:$0x3FA4] =	sst s8  }
0x11: {  	[smem:$0x3FA5] =	sst s9;
	s0 =	simm.s32 @!p0 $0x0  }
0x12: {  	s1 =	sld [smem:$0x3F8B];
	s0 =	simm.s32 @p0 $0x1  }
0x13: {  	[smem:$0x3FA6] =	sst s0;
	s0 =	simm.s32 @!p1 $0x0  }
0x14: {  	s2 =	sld [smem:$0x3F8A];
	s0 =	simm.s32 @p1 $0x1  }
0x15: {  	[smem:$0x3FA7] =	sst s0;
	s0 =	simm.s32 @!p2 $0x0  }
0x16: {  	s3 =	sld [smem:$0x3FDB];
	s0 =	simm.s32 @p2 $0x1  }
0x17: {  	s4 =	simm.s32 $0x1BF5;
	[smem:$0x3FA9] =	sst s0  }
0x18: {  	s0 =	sld [smem:$0x3F8C];
	_ =	swait.ge [sflag:s4], $0x0  }
0x19: {  	s7 =	sld [smem:$0x3F8D]  }
0x1a: {  	s8 =	sadd.s32 $0xFFFFE003, lr  }
0x1b: {  	s9 =	sadd.s32 $0xFFFFFEF7, lr;
	s5 =	simm.s32 $0xFFFFFFFF;
	p2 =	slt.u32 s8, $0xFFFFF086  }
0x1c: {  	p1 =	slt.u32 s9, $0xF7A;
	s5 =	simm.s32 @!p2 $0x0  }
0x1d: {  	s5 =	simm.s32 @p1 $0x1;
	p0 =	seq.s32 s7, s2  }
0x1e: {  	s7 =	smul.u32 @!p0 $0xF7A, s2;
	p2 =	seq.s32 @!p0 s5, $0x0  }
0x1f: {  	s9 =	smul.u32 $0xF7A, s1;
	s8 =	simm.s32 @!p0 $0x1BF5;
	p2 =	por !p2, p0  }
0x20: {  	[sflag:s8] =	ssyncset.s32 @!p0 $0xFFFFF086;
	s6 =	sadd.s32 @!p0 s3, s7;
	s7 =	simm.s32 @!p0 $0x108  }
0x21: {  	s3 =	sadd.s32 s3, s9;
	s6 =	sadd.s32 @!p0 $0x88, s6;
	s7 =	simm.s32 @p2 $0x1082  }
0x22: {  	[simem:s7], [sflag:s8] =	dma.local @!p0 [hbm:s6], $0xF7A  }
0x23: {  	s9 =	sor.u32 $0xD0000000, s2;
	s6 =	simm.s32 $0x108;
	_ =	swait.ge @!p0 [sflag:s8], $0x0  }
0x24: {  	s3 =	sadd.s32 $0x88, s3;
	s6 =	simm.s32 @!p1 $0x1082;
	[sflag:s4] =	ssyncset.s32 $0xFFFFF086  }
0x25: {  	[simem:s6], [sflag:s4] =	dma.local [hbm:s3], $0xF7A  }
0x26: {  	[smem:$0x3F8D] =	sst s1;
	(tag) =	ssettag s2;
	_ =	strace s9  }
0x27: {  	s1 =	sld [smem:$0x3F9D]  }
0x28: {  	s2 =	sld [smem:$0x3F9E]  }
0x29: {  	s4 =	sld [smem:$0x3FA0]  }
0x2a: {  	p0 =	seq.s32 s5, $0x0;
	s5 =	sld [smem:$0x3FA1]  }
0x2b: {  	s6 =	sld [smem:$0x3FA2]  }
0x2c: {  	s7 =	sld [smem:$0x3FA3]  }
0x2d: {  	s3 =	simm.s32 $0x108;
	s8 =	sld [smem:$0x3FA4]  }
0x2e: {  	s3 =	simm.s32 @!p0 $0x1082;
	s9 =	sld [smem:$0x3FA5]  }
0x2f: {  	lr =	sadd.s32 s0, s3;
	s0 =	sld [smem:$0x3F9C]  }
0x30: {  	s3 =	sld [smem:$0x3F9F]  }
0x31: {  	[smem:$0x3FA8] =	sst s10  }
0x32: {  	s10 =	sld [smem:$0x3FA6];
	_ =	sdelay $0x3  }
0x33: {  	p0 =	seq.s32 s10, $0x1;
	s10 =	sld [smem:$0x3FA8];
	_ =	sdelay $0x3  }
0x34: {  	[smem:$0x3FA8] =	sst s10  }
0x35: {  	s10 =	sld [smem:$0x3FA7];
	_ =	sdelay $0x3  }
0x36: {  	p1 =	seq.s32 s10, $0x1;
	s10 =	sld [smem:$0x3FA8];
	_ =	sdelay $0x3  }
0x37: {  	[smem:$0x3FA8] =	sst s10  }
0x38: {  	s10 =	sld [smem:$0x3FA9]  }
0x39: {  	_ = 	snop;
	(pc) =	sbr.ind lr, $3  }
0x3a: {  	_ = 	snop  }
0x3b: {  	_ = 	snop  }
0x3c: {  	p2 =	seq.s32 s10, $0x1;
	s10 =	sld [smem:$0x3FA8]  }
0x3d: {  	_ =	shalt  }
0x3e: {  	_ =	shalt  }
0x3f: {  	_ =	shalt  }
0x40: {  	_ =	shalt  }
0x41: {  	_ =	shalt  }
0x42: {  	_ =	shalt  }
0x43: {  	_ =	shalt  }
0x44: {  	_ =	shalt  }
0x45: {  	_ =	shalt  }
0x46: {  	_ =	shalt  }
0x47: {  	_ =	shalt  }
0x48: {  	_ =	shalt  }
0x49: {  	_ =	shalt  }
0x4a: {  	_ =	shalt  }
0x4b: {  	_ =	shalt  }
0x4c: {  	_ =	shalt  }
0x4d: {  	_ =	shalt  }
0x4e: {  	_ =	shalt  }
0x4f: {  	_ =	shalt  }
0x50: {  	_ =	shalt  }
0x51: {  	_ =	shalt  }
0x52: {  	_ =	shalt  }
0x53: {  	_ =	shalt  }
0x54: {  	_ =	shalt  }
0x55: {  	_ =	shalt  }
0x56: {  	_ =	shalt  }
0x57: {  	_ =	shalt  }
0x58: {  	_ =	shalt  }
0x59: {  	_ =	shalt  }
0x5a: {  	_ =	shalt  }
0x5b: {  	_ =	shalt  }
0x5c: {  	_ =	shalt  }
0x5d: {  	_ =	shalt  }
0x5e: {  	_ =	shalt  }
0x5f: {  	_ =	shalt  }
0x60: {  	_ =	shalt  }
0x61: {  	_ =	shalt  }
0x62: {  	_ =	shalt  }
0x63: {  	_ =	shalt  }
0x64: {  	_ =	shalt  }
0x65: {  	_ =	shalt  }
0x66: {  	_ =	shalt  }
0x67: {  	_ =	shalt  }
0x68: {  	_ =	shalt  }
0x69: {  	_ =	shalt  }
0x6a: {  	_ =	shalt  }
0x6b: {  	_ =	shalt  }
0x6c: {  	_ =	shalt  }
0x6d: {  	_ =	shalt  }
0x6e: {  	_ =	shalt  }
0x6f: {  	_ =	shalt  }
0x70: {  	_ =	shalt  }
0x71: {  	_ =	shalt  }
0x72: {  	_ =	shalt  }
0x73: {  	_ =	shalt  }
0x74: {  	_ =	shalt  }
0x75: {  	_ =	shalt  }
0x76: {  	_ =	shalt  }
0x77: {  	_ =	shalt  }
0x78: {  	_ =	shalt  }
0x79: {  	_ =	shalt  }
0x7a: {  	_ =	shalt  }
0x7b: {  	_ =	shalt  }
0x7c: {  	_ =	shalt  }
0x7d: {  	_ =	shalt  }
0x7e: {  	_ =	shalt  }
0x7f: {  	_ =	shalt  }
0x80: {  	_ =	shalt  }
0x81: {  	_ =	shalt  }
0x82: {  	_ =	shalt  }
0x83: {  	_ =	shalt  }
0x84: {  	_ =	shalt  }
0x85: {  	_ =	shalt  }
0x86: {  	_ =	shalt  }
0x87: {  	_ =	shalt  }
.Lfunc_end0:
.L_simem_size_0:
called_computation.3_lowered:
.L_overlay_start_0:
0x88: {  	s2 =	sld [smem:$0x3FD9]  }
0x89: {  	s3 =	sld [smem:$0x3FFE];
	_ =	sdelay $0x1  }
0x8a: {  	s1 =	srdreg.scid  }
0x8b: {  	s0 =	sand.u32 $0x1, s1  }
0x8c: {  	s16 =	sshll.u32 s0, $0xA;
	s2 =	sadd.s32 s3, s2  }
0x8d: {  	s2 =	sadd.s32 s2, s16  }
0x8e: {  	[smem:$0x3FB4] =	sst s2  }
0x8f: {  	_ = 	snop  }
0x90: {  	(tm) =	ssettm $0x1  }
0x91: {  	s17 =	sld [smem:$0x3FFB];
	_ =	sdelay $0x3  }
0x92: {  	_ =	strace s17  }
0x93: {  	s2 =	sld [smem:$0x3FFC];
	_ =	sdelay $0x3  }
0x94: {  	_ =	strace s2  }
0x95: {  	s2 =	sld [smem:$0x3FFD];
	_ =	sdelay $0x3  }
0x96: {  	_ =	strace s2  }
0x97: {  	_ =	strace $0x8FFFFFFF  }
0x98: {  	s18 =	sld [smem:$0x3FDB];
	_ =	sdelay $0x1  }
0x99: {  	s19 =	simm.s32 $_scs_section_size  }
0x9a: {  	s4 =	simm.s32 $_size__tile_overlayer_lowered;
	s5 =	simm.s32 $_tile_overlayer_lowered  }
0x9b: {  	s22 =	simm.s32 $0x1BFF;
	s21 =	sshll.u32 s5, $0x1;
	s2 =	sadd.s32 s19, s18  }
0x9c: {  	s6 =	simm.s32 $0x0;
	s20 =	sshll.u32 s4, $0x1;
	s4 =	sadd.s32 s21, s2  }
0x9d: {  	[timem:s6], [sflag:s22] =	dma.local [hbm:s4], s20  }
0x9e: {  	_ =	swait.ge [sflag:s22], s20  }
0x9f: {  	s3 =	ssub.s32 $0x0, s20;
	[sflag:s22] =	ssyncset.done $0x0  }
0xa0: {  	[sflag:s22] =	ssyncadd.s32 s3;
	_ =	sdelay $0x1  }
0xa1: {  	s23 =	simm.s32 $0x1B8B  }
0xa2: {  	_ =	swait.ge [sflag:s23], $0x1  }
0xa3: {  	[sflag:s23] =	ssyncset.done $0x0  }
0xa4: {  	s25 =	simm.s32 $0x1B8E;
	s24 =	sld [smem:$0x3FFE];
	[sflag:s23] =	ssyncadd.s32 $0xFFFFFFFF  }
0xa5: {  	s26 =	simm.s32 $execute0_lowered;
	[smem:$0x3FD2] =	sst s25  }
0xa6: {  	s4 =	sshll.u32 s26, $0x1;
	_ =	strace $0x8000004F;
	[dreg:$0x1] =	wrdreg $0xFFFFFFFF  }
0xa7: {  	s28 =	simm.s32 $_size_execute0_lowered;
	s2 =	sadd.s32 s2, s4;
	[dreg:$0x0] =	wrdreg $0x0  }
0xa8: {  	s4 =	sshll.u32 s28, $0x1;
	[dreg:$0x2] =	wrdreg s2  }
0xa9: {  	[dreg:$0x3] =	wrdreg s4  }
0xaa: {  	[dreg:$0x4] =	wrdreg $0xC0  }
0xab: {  	_ =	task [dreg:s6], $0x5FFFF  }
0xac: {  	[dreg:$0x1] =	wrdreg $0xFFFFFFFF  }
0xad: {  	[dreg:$0x0] =	wrdreg $0x60  }
0xae: {  	[dreg:$0x2] =	wrdreg s24  }
0xaf: {  	[dreg:$0x3] =	wrdreg $0x54000  }
0xb0: {  	[dreg:$0x4] =	wrdreg $0x9  }
0xb1: {  	_ =	task.clear_ibuf [dreg:s6], $0x5FFFF;
	_ =	strace $0x9000004F  }
0xb2: {  	s29 =	simm.s32 $0x9;
	_ =	strace $0x80000051  }
0xb3: {  	_ =	swait.ge [sflag:s29], $0x1  }
0xb4: {  	[sflag:s29] =	ssyncadd.s32 $0xFFFFFFFF  }
0xb5: {  	_ =	strace $0x90000051  }
0xb6: {  	_ =	sfence  }
0xb7: {  	s30 =	sld [smem:$0x0];
	_ =	sdelay $0x2  }
0xb8: {  	s31 =	sshll.u32 s1, $0xD;
	s1 =	sshrl.u32 s1, $0x2  }
0xb9: {  	s3 =	sand.u32 $0x4000, s31;
	s1 =	sadd.s32 s1, s30  }
0xba: {  	s0 =	sor.u32 s3, s0;
	s1 =	sshll.u32 s1, $0x11  }
0xbb: {  	s0 =	sor.u32 s1, s0  }
0xbc: {  	s0 =	sadd.s32 $0x8F2B, s0  }
0xbd: {  	[sflag:s0] =	ssyncadd.remote.s32 $0x1  }
0xbe: {  	_ =	sfence.sel $0xFFFF  }
0xbf: {  	[dreg:$0x0] =	wrdreg $0xFFFFFFFF;
	(pc) =	sbr.abs _section_cstart, $3  }
0xc0: {  	[dreg:$0x1] =	wrdreg $0xFFFFFFFF  }
0xc1: {  	_ =	task.clear_ibuf [dreg:s6], $0x2FFFF;
	_ =	strace $0x9FFFFFFF  }
0xc2: {  	(tm) =	ssettm $0x7FFFFFFF  }
0xc3: {  	_ =	shalt  }
tec
execute0_lowered:
.L_overlay_start_1:
0x0: {  	(tag) =	ssettag $0x1  }
0x1: {  	s0 =	rddreg [dreg:$0x0];
	s1 =	srdreg.scid  }
0x2: {  	s2 =	rddreg [dreg:$0x1];
	s8 =	stileid.u32;
	s3 =	simm.s32 $0x0  }
0x3: {  	s1 =	sand.u32 $0x1, s1;
	s4 =	sshll.u32 s8, $0x1;
	s17 =	smul.u32 $0x14000, s8  }
0x4: {  	[smem:$0x7FF] =	sst s3;
	s8 =	smul.u32 $0x50000, s8;
	s9 =	sadd.s32 $0x2CC00, s0  }
0x5: {  	s5 =	smul.u32 $0x140000, s1;
	s6 =	sor.u32 s1, s4;
	_ =	strace $0x80000050  }
0x6: {  	s1 =	ssub.s32 $0x2, s1;
	s7 =	sshll.u32 s6, $0x7;
	s26 =	smul.u32 $0x14000, s6  }
0x7: {  	s18 =	sshrl.u32 s8, $0x2;
	s10 =	sshrl.u32 s1, $0x1;
	s6 =	smul.u32 $0x2800, s6  }
0x8: {  	s8 =	simm.s32 $0x80;
	s7 =	sadd.s32 s7, s0;
	s4 =	sadd.s32 s17, s5  }
0x9: {  	s1 =	ssub.s32 s1, s10;
	s19 =	sshrl.u32 s4, $0x3;
	s4 =	sadd.s32 s18, s2  }
0xa: {  	s18 =	sadd.s32 $0x7CC00, s7;
	s7 =	simm.s32 $0x1;
	s0 =	sadd.s32 s19, s0  }
0xb: {  	s5 =	sadd.s32 $0x1000, s4;
	s20 =	sadd.s32 $0x2000, s4;
	s21 =	sadd.s32 $0x3000, s4  }
0xc: {  	s22 =	sadd.s32 $0x4000, s4;
	s23 =	sadd.s32 $0x5000, s4;
	s24 =	sadd.s32 $0x6000, s4  }
0xd: {  	s25 =	sadd.s32 $0x7000, s4;
	s12 =	sadd.s32 $0x8000, s4;
	[dreg:$0x3] =	wrdreg s5  }
0xe: {  	s13 =	sadd.s32 $0x9000, s4;
	s14 =	sadd.s32 $0xA000, s4;
	[dreg:$0x4] =	wrdreg s20  }
0xf: {  	s15 =	sadd.s32 $0xB000, s4;
	s16 =	sadd.s32 $0xC000, s4;
	[dreg:$0x5] =	wrdreg s21  }
0x10: {  	s17 =	sadd.s32 $0xD000, s4;
	s19 =	sadd.s32 s9, s6;
	[dreg:$0x6] =	wrdreg s22  }
0x11: {  	s28 =	sadd.s32 $0xF000, s4;
	s29 =	sadd.s32 $0x10000, s4;
	[dreg:$0x7] =	wrdreg s23  }
0x12: {  	s30 =	sadd.s32 $0x11000, s4;
	s31 =	sadd.s32 $0x12000, s4;
	[dreg:$0x8] =	wrdreg s24  }
0x13: {  	s6 =	simm.s32 $0x400;
	[dreg:$0x9] =	wrdreg s25;
	s5 =	sshrl.u32 s26, $0x3  }
0x14: {  	s24 =	sadd.s32 $0x7DC00, s0;
	s25 =	smax.u32 s1, $0x1;
	s26 =	sadd.s32 $0xE000, s4  }
0x15: {  	s0 =	sadd.s32 $0x13000, s4;
	s1 =	simm.s32 $0x4400;
	s5 =	sadd.s32 s9, s5  }
0x16: {  	s9 =	simm.s32 $0x0;
	s20 =	sadd.s32 $0x800, s5;
	s21 =	sadd.s32 $0x1000, s5  }
0x17: {  	v0 =	vimm.f32 $0.0e+00;
	s22 =	sadd.s32 $0x1800, s5;
	s23 =	sadd.s32 $0x2000, s5;
	s5 =	simm.s32 $0x2  }
.LBB2_1:
0x18: {  	s10 =	simm.s32 $0x0;
	s11 =	simm.s32 $0x200  }
.LBB2_2:
0x19: {  	p0 =	sne.s32 s11, $0x3E00;
	[tilespmem:s10+$0x4470] =	vst v0  }
0x1a: {  	[tilespmem:s10+$0x4400] =	vst v0  }
0x1b: {  	[tilespmem:s10+$0x4410] =	vst v0  }
.Ltmp0:
0x1c: {  	[tilespmem:s10+$0x4420] =	vst v0;
	(pc) =	sbr.rel @p0 .LBB2_2-.Ltmp0, $4  }
0x1d: {  	[tilespmem:s10+$0x4430] =	vst v0  }
0x1e: {  	[tilespmem:s10+$0x4440] =	vst v0  }
0x1f: {  	[tilespmem:s10+$0x4450] =	vst v0  }
0x20: {  	[tilespmem:s10+$0x4460] =	vst v0;
	s10 =	sshra.s32 s11, $0x2;
	s11 =	sadd.s32 $0x200, s11  }
0x21: {  	[tilespmem:s10+$0x4470] =	vst v0  }
0x22: {  	[tilespmem:s10+$0x4400] =	vst v0  }
0x23: {  	[tilespmem:s10+$0x4410] =	vst v0  }
0x24: {  	[tilespmem:s10+$0x4420] =	vst v0  }
0x25: {  	[tilespmem:s10+$0x4430] =	vst v0  }
0x26: {  	[tilespmem:s10+$0x4440] =	vst v0  }
0x27: {  	[tilespmem:s10+$0x4450] =	vst v0  }
0x28: {  	[tilespmem:s10+$0x4460] =	vst v0  }
0x29: {  	[spmem:s4] =	stream.linear.scatter [tilespmem:s1], [sflag:$0x2], $0x1000, $0x38;
	[tilespmem:$0x19400] =	vst v63  }
0x2a: {  	_ =	swait.ge [sflag:s5], $0x1000  }
0x2b: {  	[sflag:s5] =	ssyncset.done $0x0  }
0x2c: {  	s11 =	rddreg [dreg:$0x3];
	[sflag:s5] =	ssyncadd.s32 $0xFFFFF000  }
0x2d: {  	[spmem:s11] =	stream.linear.scatter [tilespmem:s1], [sflag:$0x2], $0x1000, $0x38;
	[tilespmem:$0x19400] =	vst v63  }
0x2e: {  	_ =	swait.ge [sflag:s5], $0x1000  }
0x2f: {  	[sflag:s5] =	ssyncset.done $0x0  }
0x30: {  	s11 =	rddreg [dreg:$0x4];
	[sflag:s5] =	ssyncadd.s32 $0xFFFFF000  }
0x31: {  	[spmem:s11] =	stream.linear.scatter [tilespmem:s1], [sflag:$0x2], $0x1000, $0x38;
	[tilespmem:$0x19400] =	vst v63  }
0x32: {  	_ =	swait.ge [sflag:s5], $0x1000  }
0x33: {  	[sflag:s5] =	ssyncset.done $0x0  }
0x34: {  	s11 =	rddreg [dreg:$0x5];
	[sflag:s5] =	ssyncadd.s32 $0xFFFFF000  }
0x35: {  	[spmem:s11] =	stream.linear.scatter [tilespmem:s1], [sflag:$0x2], $0x1000, $0x38;
	[tilespmem:$0x19400] =	vst v63  }
0x36: {  	_ =	swait.ge [sflag:s5], $0x1000  }
0x37: {  	[sflag:s5] =	ssyncset.done $0x0  }
0x38: {  	s11 =	rddreg [dreg:$0x6];
	[sflag:s5] =	ssyncadd.s32 $0xFFFFF000  }
0x39: {  	[spmem:s11] =	stream.linear.scatter [tilespmem:s1], [sflag:$0x2], $0x1000, $0x38;
	[tilespmem:$0x19400] =	vst v63  }
0x3a: {  	_ =	swait.ge [sflag:s5], $0x1000  }
0x3b: {  	[sflag:s5] =	ssyncset.done $0x0  }
0x3c: {  	s11 =	rddreg [dreg:$0x7];
	[sflag:s5] =	ssyncadd.s32 $0xFFFFF000  }
0x3d: {  	[spmem:s11] =	stream.linear.scatter [tilespmem:s1], [sflag:$0x2], $0x1000, $0x38;
	[tilespmem:$0x19400] =	vst v63  }
0x3e: {  	_ =	swait.ge [sflag:s5], $0x1000  }
0x3f: {  	[sflag:s5] =	ssyncset.done $0x0  }
0x40: {  	s11 =	rddreg [dreg:$0x8];
	[sflag:s5] =	ssyncadd.s32 $0xFFFFF000  }
0x41: {  	[spmem:s11] =	stream.linear.scatter [tilespmem:s1], [sflag:$0x2], $0x1000, $0x38;
	[tilespmem:$0x19400] =	vst v63  }
0x42: {  	_ =	swait.ge [sflag:s5], $0x1000  }
0x43: {  	[sflag:s5] =	ssyncset.done $0x0  }
0x44: {  	s11 =	rddreg [dreg:$0x9];
	[sflag:s5] =	ssyncadd.s32 $0xFFFFF000  }
0x45: {  	[spmem:s11] =	stream.linear.scatter [tilespmem:s1], [sflag:$0x2], $0x1000, $0x38;
	[tilespmem:$0x19400] =	vst v63  }
0x46: {  	_ =	swait.ge [sflag:s5], $0x1000  }
0x47: {  	[sflag:s5] =	ssyncset.done $0x0  }
0x48: {  	[sflag:s5] =	ssyncadd.s32 $0xFFFFF000  }
0x49: {  	[spmem:s12] =	stream.linear.scatter [tilespmem:s1], [sflag:$0x2], $0x1000, $0x38;
	[tilespmem:$0x19400] =	vst v63  }
0x4a: {  	_ =	swait.ge [sflag:s5], $0x1000  }
0x4b: {  	[sflag:s5] =	ssyncset.done $0x0  }
0x4c: {  	[sflag:s5] =	ssyncadd.s32 $0xFFFFF000  }
0x4d: {  	[spmem:s13] =	stream.linear.scatter [tilespmem:s1], [sflag:$0x2], $0x1000, $0x38;
	[tilespmem:$0x19400] =	vst v63  }
0x4e: {  	_ =	swait.ge [sflag:s5], $0x1000  }
0x4f: {  	[sflag:s5] =	ssyncset.done $0x0  }
0x50: {  	[sflag:s5] =	ssyncadd.s32 $0xFFFFF000  }
0x51: {  	[spmem:s14] =	stream.linear.scatter [tilespmem:s1], [sflag:$0x2], $0x1000, $0x38;
	[tilespmem:$0x19400] =	vst v63  }
0x52: {  	_ =	swait.ge [sflag:s5], $0x1000  }
0x53: {  	[sflag:s5] =	ssyncset.done $0x0  }
0x54: {  	[sflag:s5] =	ssyncadd.s32 $0xFFFFF000  }
0x55: {  	[spmem:s15] =	stream.linear.scatter [tilespmem:s1], [sflag:$0x2], $0x1000, $0x38;
	[tilespmem:$0x19400] =	vst v63  }
0x56: {  	_ =	swait.ge [sflag:s5], $0x1000  }
0x57: {  	[sflag:s5] =	ssyncset.done $0x0  }
0x58: {  	[sflag:s5] =	ssyncadd.s32 $0xFFFFF000  }
0x59: {  	[spmem:s16] =	stream.linear.scatter [tilespmem:s1], [sflag:$0x2], $0x1000, $0x38;
	[tilespmem:$0x19400] =	vst v63  }
0x5a: {  	_ =	swait.ge [sflag:s5], $0x1000  }
0x5b: {  	[sflag:s5] =	ssyncset.done $0x0  }
0x5c: {  	[sflag:s5] =	ssyncadd.s32 $0xFFFFF000  }
0x5d: {  	[spmem:s17] =	stream.linear.scatter [tilespmem:s1], [sflag:$0x2], $0x1000, $0x38;
	[tilespmem:$0x19400] =	vst v63  }
0x5e: {  	_ =	swait.ge [sflag:s5], $0x1000  }
0x5f: {  	[sflag:s5] =	ssyncset.done $0x0  }
0x60: {  	[sflag:s5] =	ssyncadd.s32 $0xFFFFF000  }
0x61: {  	[spmem:s26] =	stream.linear.scatter [tilespmem:s1], [sflag:$0x2], $0x1000, $0x38;
	[tilespmem:$0x19400] =	vst v63  }
0x62: {  	_ =	swait.ge [sflag:s5], $0x1000  }
0x63: {  	[sflag:s5] =	ssyncset.done $0x0  }
0x64: {  	[sflag:s5] =	ssyncadd.s32 $0xFFFFF000  }
0x65: {  	[spmem:s28] =	stream.linear.scatter [tilespmem:s1], [sflag:$0x2], $0x1000, $0x38;
	[tilespmem:$0x19400] =	vst v63  }
0x66: {  	_ =	swait.ge [sflag:s5], $0x1000  }
0x67: {  	[sflag:s5] =	ssyncset.done $0x0  }
0x68: {  	[sflag:s5] =	ssyncadd.s32 $0xFFFFF000  }
0x69: {  	[spmem:s29] =	stream.linear.scatter [tilespmem:s1], [sflag:$0x2], $0x1000, $0x38;
	[tilespmem:$0x19400] =	vst v63  }
0x6a: {  	_ =	swait.ge [sflag:s5], $0x1000  }
0x6b: {  	[sflag:s5] =	ssyncset.done $0x0  }
0x6c: {  	[sflag:s5] =	ssyncadd.s32 $0xFFFFF000  }
0x6d: {  	[spmem:s30] =	stream.linear.scatter [tilespmem:s1], [sflag:$0x2], $0x1000, $0x38;
	[tilespmem:$0x19400] =	vst v63  }
0x6e: {  	_ =	swait.ge [sflag:s5], $0x1000  }
0x6f: {  	[sflag:s5] =	ssyncset.done $0x0  }
0x70: {  	[sflag:s5] =	ssyncadd.s32 $0xFFFFF000  }
0x71: {  	[spmem:s31] =	stream.linear.scatter [tilespmem:s1], [sflag:$0x2], $0x1000, $0x38;
	[tilespmem:$0x19400] =	vst v63  }
0x72: {  	_ =	swait.ge [sflag:s5], $0x1000  }
0x73: {  	[sflag:s5] =	ssyncset.done $0x0  }
0x74: {  	[sflag:s5] =	ssyncadd.s32 $0xFFFFF000  }
0x75: {  	[spmem:s0] =	stream.linear.scatter [tilespmem:s1], [sflag:$0x2], $0x1000, $0x38;
	[tilespmem:$0x19400] =	vst v63  }
0x76: {  	_ =	swait.ge [sflag:s5], $0x1000  }
0x77: {  	[sflag:s5] =	ssyncset.done $0x0  }
0x78: {  	[sflag:s5] =	ssyncadd.s32 $0xFFFFF000  }
0x79: {  	[bflag:$0x0] =	sbarrier.arrive $0xFFFF  }
0x7a: {  	[tilespmem:s3], [sflag:$0x2] =	stream.linear.gather [hbm4b:s18+s3], $0x280, $0x38;
	[tilespmem:$0x19400] =	vst v63  }
0x7b: {  	_ =	swait.ge [sflag:s5], $0x280  }
0x7c: {  	[sflag:s5] =	ssyncset.done $0x0  }
0x7d: {  	[sflag:s5] =	ssyncadd.s32 $0xFFFFFD80  }
0x7e: {  	[tilespmem:s6], [sflag:$0x1] =	stream.linear.gather [hbm4b:s19+s3], $0x4000, $0x38;
	[tilespmem:$0x19400] =	vst v63  }
0x7f: {  	_ =	swait.ge [sflag:s7], $0x4000  }
0x80: {  	[sflag:s7] =	ssyncset.done $0x0  }
0x81: {  	[sflag:s7] =	ssyncadd.s32 $0xFFFFC000  }
0x82: {  	[spmem:s2] =	stream.indirect.scatter.add.f32 [tilespmem:s6], [sflag:$0x2], $0x80, s3, s8, $0xb8;
	[tilespmem:$0x19400] =	vst v63  }
0x83: {  	_ =	swait.ge [sflag:s5], $0x4000  }
0x84: {  	[sflag:s5] =	ssyncset.done $0x0  }
0x85: {  	[sflag:s5] =	ssyncadd.s32 $0xFFFFC000  }
0x86: {  	[tilespmem:s6], [sflag:$0x1] =	stream.linear.gather [hbm4b:s20+s3], $0x4000, $0x38;
	[tilespmem:$0x19400] =	vst v63  }
0x87: {  	_ =	swait.ge [sflag:s7], $0x4000  }
0x88: {  	[sflag:s7] =	ssyncset.done $0x0  }
0x89: {  	[sflag:s7] =	ssyncadd.s32 $0xFFFFC000  }
0x8a: {  	[spmem:s2] =	stream.indirect.scatter.add.f32 [tilespmem:s6], [sflag:$0x2], $0x80, s8, s8, $0xb8;
	[tilespmem:$0x19400] =	vst v63  }
0x8b: {  	_ =	swait.ge [sflag:s5], $0x4000  }
0x8c: {  	[sflag:s5] =	ssyncset.done $0x0  }
0x8d: {  	[sflag:s5] =	ssyncadd.s32 $0xFFFFC000  }
0x8e: {  	[tilespmem:s6], [sflag:$0x1] =	stream.linear.gather [hbm4b:s21+s3], $0x4000, $0x38;
	[tilespmem:$0x19400] =	vst v63  }
0x8f: {  	_ =	swait.ge [sflag:s7], $0x4000  }
0x90: {  	[sflag:s7] =	ssyncset.done $0x0  }
0x91: {  	s11 =	simm.s32 $0x100;
	[sflag:s7] =	ssyncadd.s32 $0xFFFFC000  }
0x92: {  	[spmem:s2] =	stream.indirect.scatter.add.f32 [tilespmem:s6], [sflag:$0x2], $0x80, s11, s8, $0xb8;
	[tilespmem:$0x19400] =	vst v63  }
0x93: {  	_ =	swait.ge [sflag:s5], $0x4000  }
0x94: {  	[sflag:s5] =	ssyncset.done $0x0  }
0x95: {  	[sflag:s5] =	ssyncadd.s32 $0xFFFFC000  }
0x96: {  	[tilespmem:s6], [sflag:$0x1] =	stream.linear.gather [hbm4b:s22+s3], $0x4000, $0x38;
	[tilespmem:$0x19400] =	vst v63  }
0x97: {  	_ =	swait.ge [sflag:s7], $0x4000  }
0x98: {  	[sflag:s7] =	ssyncset.done $0x0  }
0x99: {  	s11 =	simm.s32 $0x180;
	[sflag:s7] =	ssyncadd.s32 $0xFFFFC000  }
0x9a: {  	[spmem:s2] =	stream.indirect.scatter.add.f32 [tilespmem:s6], [sflag:$0x2], $0x80, s11, s8, $0xb8;
	[tilespmem:$0x19400] =	vst v63  }
0x9b: {  	_ =	swait.ge [sflag:s5], $0x4000  }
0x9c: {  	[sflag:s5] =	ssyncset.done $0x0  }
0x9d: {  	[sflag:s5] =	ssyncadd.s32 $0xFFFFC000  }
0x9e: {  	[tilespmem:s6], [sflag:$0x1] =	stream.linear.gather [hbm4b:s23+s3], $0x4000, $0x38;
	[tilespmem:$0x19400] =	vst v63  }
0x9f: {  	_ =	swait.ge [sflag:s7], $0x4000  }
0xa0: {  	[sflag:s7] =	ssyncset.done $0x0  }
0xa1: {  	s11 =	simm.s32 $0x200;
	[sflag:s7] =	ssyncadd.s32 $0xFFFFC000  }
0xa2: {  	[spmem:s2] =	stream.indirect.scatter.add.f32 [tilespmem:s6], [sflag:$0x2], $0x80, s11, s8, $0xb8;
	[tilespmem:$0x19400] =	vst v63  }
0xa3: {  	s9 =	sadd.s32 $0x1, s9;
	_ =	swait.ge [sflag:s5], $0x4000  }
0xa4: {  	p0 =	sne.s32 s9, s25;
	s11 =	stileid.u32;
	[sflag:s5] =	ssyncset.done $0x0  }
0xa5: {  	s10 =	sshll.u32 s11, $0x6;
	s11 =	sshrl.u32 s4, $0x3;
	[sflag:s5] =	ssyncadd.s32 $0xFFFFC000  }
.Ltmp1:
0xa6: {  	s10 =	sor.u32 $0x1C02, s10;
	[bflag:$0x0] =	sbarrier.arrive $0xFFFF;
	(pc) =	sbr.rel @p0 .LBB2_1-.Ltmp1, $4  }
0xa7: {  	[hbm:s24], [sflag:s10] =	dma.local [spmem:s11], $0x2800  }
0xa8: {  	_ =	swait.ge [sflag:s5], $0x2800  }
0xa9: {  	[sflag:s5] =	ssyncset.done $0x0  }
0xaa: {  	[sflag:s5] =	ssyncadd.s32 $0xFFFFD800  }
0xab: {  	_ =	sfence.sel $0x180000  }
0xac: {  	[bflag:$0x0] =	sbarrier.arrive $0xFFFF  }
0xad: {  	_ =	strace $0x90000050  }
0xae: {  	s0 =	stileid.u32;
	[bflag:$0x2] =	sbarrier.arrive $0xFFFF  }
0xaf: {  	p0 =	sne.s32 s0, $0x0;
	s0 =	rddreg [dreg:$0x2]  }
0xb0: {  	s0 =	sadd.s32 @!p0 $0x100000, s0  }
0xb1: {  	[sflag:s0] =	ssyncadd.tile.s32 @!p0 $0x1;
	_ =	shalt  }
.Lfunc_end2:
_tile_overlayer_lowered:
.L_overlay_start_2:
0xb2: {  	(tag) =	ssettag $0x2  }
0xb3: {  	s0 =	rddreg [dreg:$0x0];
	s2 =	stileid.u32  }
0xb4: {  	s1 =	rddreg [dreg:$0x1];
	p0 =	sne.s32 s2, $0x0  }
0xb5: {  	s3 =	rddreg [dreg:$0x2];
	[bflag:$0x3] =	sbarrier.arrive $0xFFFF;
	s2 =	simm.s32 @!p0 $0x1C02  }
0xb6: {  	[timem:s3], [sflag:s2] =	dma.local @!p0 [hbm:s0], s1  }
0xb7: {  	s0 =	simm.s32 @!p0 $0x2  }
0xb8: {  	_ =	swait.ge @!p0 [sflag:s0], s1  }
0xb9: {  	s1 =	ssub.s32 @!p0 $0x0, s1;
	[sflag:s0] =	ssyncset.done @!p0 $0x0  }
0xba: {  	[sflag:s0] =	ssyncadd.s32 @!p0 s1  }
0xbb: {  	[bflag:$0x3] =	sbarrier.arrive $0xFFFF  }
0xbc: {  	_ =	shalt  }

</sc_bundles>
